<compile_context>
chip_gen: v7x
topology: tpu7x:2x2x1
jax: 0.10.2.dev20260603
libtpu: 0.0.44.dev20260713+nightly
codegen_flags: <defaults>
</compile_context>

<pallas_src>
import functools

import jax
import jax.numpy as jnp
from jax import lax
from jax.experimental import pallas as pl
from jax.experimental.pallas import tpu as pltpu
from jax.experimental.pallas import tpu_sc as plsc

BATCH = 16384
EMBED_DIM = 32
NUM_ROWS = 1000000
NUM_CORES = 2
NUM_SUBCORES = 16
LANES = 16
NUM_WORKERS = NUM_CORES * NUM_SUBCORES
B_PER_W = BATCH // NUM_WORKERS
CHUNK = 256
ROWS_PER_ENTRY = 4
SLAB = 128
NUM_SLABS = -(-NUM_ROWS // SLAB)
NUM_ENTRIES = NUM_SLABS * SLAB // ROWS_PER_ENTRY
ENT_PER_SLAB = SLAB // ROWS_PER_ENTRY


def _transpose_body(ut_hbm, it_hbm, ou_hbm, oi_hbm,
                    bufs_u, bufs_i, out_u, out_i, sem_in, sem_out):
    wid = lax.axis_index("s") * NUM_CORES + lax.axis_index("c")

    lane = lax.iota(jnp.int32, LANES)
    d_oct = []
    c_oct = []
    for oct_ in range(8):
        k = oct_ * LANES + lane
        q = jax.lax.shift_right_logical(k, 5)
        d = jax.lax.bitwise_and(k, 31)
        d_oct.append(d)
        c_oct.append(q)

    def start_reads(j, par):
        pltpu.async_copy(ut_hbm.at[:, pl.ds(SLAB * j, SLAB)],
                         bufs_u.at[par], sem_in)
        pltpu.async_copy(it_hbm.at[:, pl.ds(SLAB * j, SLAB)],
                         bufs_i.at[par], sem_in)

    def wait_reads(par):
        pltpu.make_async_copy(ut_hbm.at[:, pl.ds(0, SLAB)],
                              bufs_u.at[par], sem_in).wait()
        pltpu.make_async_copy(it_hbm.at[:, pl.ds(0, SLAB)],
                              bufs_i.at[par], sem_in).wait()

    def extract(par):
        def one(m, carry):
            col = 4 * m
            us = []
            vs = []
            for oct_ in range(8):
                us.append(plsc.load_gather(
                    bufs_u.at[par], [d_oct[oct_], c_oct[oct_] + col]))
                vs.append(plsc.load_gather(
                    bufs_i.at[par], [d_oct[oct_], c_oct[oct_] + col]))
            for oct_ in range(8):
                out_u[par, m, pl.ds(oct_ * LANES, LANES)] = us[oct_]
                out_i[par, m, pl.ds(oct_ * LANES, LANES)] = vs[oct_]
            return carry
        lax.fori_loop(0, ENT_PER_SLAB, one, 0)

    def fire_writes(j, par):
        pltpu.async_copy(out_u.at[par],
                         ou_hbm.at[pl.ds(ENT_PER_SLAB * j, ENT_PER_SLAB)],
                         sem_out)
        pltpu.async_copy(out_i.at[par],
                         oi_hbm.at[pl.ds(ENT_PER_SLAB * j, ENT_PER_SLAB)],
                         sem_out)

    def wait_writes(j_prev, par):
        pltpu.make_async_copy(
            out_u.at[par],
            ou_hbm.at[pl.ds(ENT_PER_SLAB * j_prev, ENT_PER_SLAB)],
            sem_out).wait()
        pltpu.make_async_copy(
            out_i.at[par],
            oi_hbm.at[pl.ds(ENT_PER_SLAB * j_prev, ENT_PER_SLAB)],
            sem_out).wait()

    start_reads(wid, 0)

    def pair(kk, carry):
        k0 = 2 * kk
        k1 = 2 * kk + 1

        @pl.when(k1 < 244)
        def _():
            start_reads(wid + NUM_WORKERS * k1, 1)
        wait_reads(0)

        @pl.when(kk > 0)
        def _():
            wait_writes(wid + NUM_WORKERS * (k0 - 2), 0)
        extract(0)
        fire_writes(wid + NUM_WORKERS * k0, 0)

        @pl.when(k1 + 1 < 244)
        def _():
            start_reads(wid + NUM_WORKERS * (k1 + 1), 0)
        wait_reads(1)

        @pl.when(kk > 0)
        def _():
            wait_writes(wid + NUM_WORKERS * (k1 - 2), 1)
        extract(1)
        fire_writes(wid + NUM_WORKERS * k1, 1)
        return carry

    lax.fori_loop(0, 122, pair, 0)
    wait_writes(wid + NUM_WORKERS * 242, 0)
    wait_writes(wid + NUM_WORKERS * 243, 1)

    def tail_slab(j, n_ent):
        pltpu.sync_copy(ut_hbm.at[:, pl.ds(SLAB * j, SLAB)], bufs_u.at[0])
        pltpu.sync_copy(it_hbm.at[:, pl.ds(SLAB * j, SLAB)], bufs_i.at[0])

        def one(m, carry):
            col = 4 * m
            for oct_ in range(8):
                u = plsc.load_gather(bufs_u.at[0], [d_oct[oct_],
                                                    c_oct[oct_] + col])
                v = plsc.load_gather(bufs_i.at[0], [d_oct[oct_],
                                                    c_oct[oct_] + col])
                out_u[0, m, pl.ds(oct_ * LANES, LANES)] = u
                out_i[0, m, pl.ds(oct_ * LANES, LANES)] = v
            return carry
        lax.fori_loop(0, n_ent, one, 0)
        pltpu.sync_copy(out_u.at[0],
                        ou_hbm.at[pl.ds(ENT_PER_SLAB * j, ENT_PER_SLAB)])
        pltpu.sync_copy(out_i.at[0],
                        oi_hbm.at[pl.ds(ENT_PER_SLAB * j, ENT_PER_SLAB)])

    @pl.when(wid < 5)
    def _():
        tail_slab(7808 + wid, ENT_PER_SLAB)


def _gather_dot_body(uid_hbm, iid_hbm, ut_hbm, it_hbm, out_hbm,
                     uid_v, iid_v, uent_v, ient_v, ubuf, ibuf, out_v,
                     sem_u, sem_i):
    wid = lax.axis_index("s") * NUM_CORES + lax.axis_index("c")
    base = wid * B_PER_W

    pltpu.sync_copy(uid_hbm.at[pl.ds(base, B_PER_W)], uid_v)
    pltpu.sync_copy(iid_hbm.at[pl.ds(base, B_PER_W)], iid_v)

    def split(g, carry):
        c0 = g * LANES
        u = uid_v[pl.ds(c0, LANES)]
        i = iid_v[pl.ds(c0, LANES)]
        uent_v[pl.ds(c0, LANES)] = jax.lax.shift_right_logical(u, 2)
        ient_v[pl.ds(c0, LANES)] = jax.lax.shift_right_logical(i, 2)
        return carry
    lax.fori_loop(0, B_PER_W // LANES, split, 0)

    lane = lax.iota(jnp.int32, LANES)

    def chunk(h, carry):
        c0 = h * CHUNK
        cp_u = pltpu.async_copy(ut_hbm.at[uent_v.at[pl.ds(c0, CHUNK)]],
                                ubuf, sem_u)
        cp_i = pltpu.async_copy(it_hbm.at[ient_v.at[pl.ds(c0, CHUNK)]],
                                ibuf, sem_i)
        cp_u.wait()
        cp_i.wait()

        def group(g, carry2):
            gc = g * LANES
            cv = gc + lane
            uq = jax.lax.rem(uid_v[pl.ds(c0 + gc, LANES)], 4) * EMBED_DIM
            iq = jax.lax.rem(iid_v[pl.ds(c0 + gc, LANES)], 4) * EMBED_DIM
            acc = jnp.zeros((LANES,), jnp.float32)
            for j in range(EMBED_DIM):
                u = plsc.load_gather(ubuf, [cv, uq + j])
                v = plsc.load_gather(ibuf, [cv, iq + j])
                acc = acc + u * v
            out_v[pl.ds(c0 + gc, LANES)] = acc
            return carry2
        lax.fori_loop(0, CHUNK // LANES, group, 0)
        return carry
    lax.fori_loop(0, B_PER_W // CHUNK, chunk, 0)

    pltpu.sync_copy(out_v, out_hbm.at[pl.ds(base, B_PER_W)])


@jax.jit
def kernel(user_ids, item_ids, user_table, item_table):
    mesh = plsc.VectorSubcoreMesh(
        core_axis_name="c", subcore_axis_name="s",
        num_cores=NUM_CORES, num_subcores=NUM_SUBCORES)

    trans = pl.kernel(
        _transpose_body,
        out_type=(jax.ShapeDtypeStruct((NUM_ENTRIES, 128), jnp.float32),
                  jax.ShapeDtypeStruct((NUM_ENTRIES, 128), jnp.float32)),
        mesh=mesh,
        compiler_params=pltpu.CompilerParams(needs_layout_passes=False),
        scratch_types=[
            pltpu.VMEM((2, EMBED_DIM, SLAB), jnp.float32),
            pltpu.VMEM((2, EMBED_DIM, SLAB), jnp.float32),
            pltpu.VMEM((2, ENT_PER_SLAB, 128), jnp.float32),
            pltpu.VMEM((2, ENT_PER_SLAB, 128), jnp.float32),
            pltpu.SemaphoreType.DMA,
            pltpu.SemaphoreType.DMA,
        ],
    )
    ut_e, it_e = trans(user_table.T, item_table.T)

    gather = pl.kernel(
        _gather_dot_body,
        out_type=jax.ShapeDtypeStruct((BATCH,), jnp.float32),
        mesh=mesh,
        compiler_params=pltpu.CompilerParams(needs_layout_passes=False),
        scratch_types=[
            pltpu.VMEM((B_PER_W,), jnp.int32),
            pltpu.VMEM((B_PER_W,), jnp.int32),
            pltpu.VMEM((B_PER_W,), jnp.int32),
            pltpu.VMEM((B_PER_W,), jnp.int32),
            pltpu.VMEM((CHUNK, 128), jnp.float32),
            pltpu.VMEM((CHUNK, 128), jnp.float32),
            pltpu.VMEM((B_PER_W,), jnp.float32),
            pltpu.SemaphoreType.DMA,
            pltpu.SemaphoreType.DMA,
        ],
    )
    return gather(user_ids.astype(jnp.int32), item_ids.astype(jnp.int32),
                  ut_e, it_e)

# --- scband reference (transcript-rebuilt; emitter-appended) ---
"""Pipeline reference for scband-matrix-factorization-33036888440904 (READ-ONLY COPY).

The authoritative reference and input builder live on the scoring server;
editing this copy changes nothing except your own understanding.
"""

import jax, jax.numpy as jnp
import numpy as np

NUM_USERS = 1000000
NUM_ITEMS = 1000000
EMBED_DIM = 32
BATCH = 16384

def setup_inputs(seed: int = 0) -> dict:
    key = jax.random.key(seed)
    k1, k2, k3, k4 = jax.random.split(key, 4)
    user_ids = jax.random.randint(k1, (BATCH,), 0, NUM_USERS, dtype=jnp.int64 if jax.config.jax_enable_x64 else jnp.int32)
    item_ids = jax.random.randint(k2, (BATCH,), 0, NUM_ITEMS, dtype=jnp.int64 if jax.config.jax_enable_x64 else jnp.int32)
    user_table = jax.random.normal(k3, (NUM_USERS, EMBED_DIM), dtype=jnp.float32) * 0.1
    item_table = jax.random.normal(k4, (NUM_ITEMS, EMBED_DIM), dtype=jnp.float32) * 0.1
    return {"user_ids": user_ids, "item_ids": item_ids, "user_table": user_table, "item_table": item_table}

def reference(user_ids, item_ids, user_table, item_table):
    user_emb = jnp.take(user_table, user_ids, axis=0)
    item_emb = jnp.take(item_table, item_ids, axis=0)
    return jnp.sum(user_emb * item_emb, axis=1)

if __name__ == "__main__":
    import jax
    _d = setup_inputs()
    print(jax.jit(kernel)(*tuple(_d.values())))

</pallas_src>

<mosaic_0001>
#map = affine_map<(d0, d1) -> (0, 0)>
module attributes {stable_mosaic.version = 14 : i64} {
  func.func @_transpose_body(%arg0: i32, %arg1: i32, %arg2: memref<32x1000000xf32, #tpu.memory_space<hbm>>, %arg3: memref<32x1000000xf32, #tpu.memory_space<hbm>>, %arg4: memref<250016x128xf32, #tpu.memory_space<hbm>>, %arg5: memref<250016x128xf32, #tpu.memory_space<hbm>>, %arg6: memref<2x32x128xf32, #tpu.memory_space<vmem>>, %arg7: memref<2x32x128xf32, #tpu.memory_space<vmem>>, %arg8: memref<2x32x128xf32, #tpu.memory_space<vmem>>, %arg9: memref<2x32x128xf32, #tpu.memory_space<vmem>>, %arg10: memref<!tpu.dma_semaphore, #tpu.memory_space<semaphore_mem>>, %arg11: memref<!tpu.dma_semaphore, #tpu.memory_space<semaphore_mem>>) attributes {dimension_semantics = [#tpu.dimension_semantics<core_parallel>, #tpu.dimension_semantics<subcore_parallel>], iteration_bounds = array<i64: 2, 16>, scalar_prefetch = 0 : i64, scratch_operands = 6 : i64, tpu.core_type = #tpu.core_type<sc_vector_subcore>, window_params = [{transform_indices = #map}, {transform_indices = #map}, {transform_indices = #map}, {transform_indices = #map}]} {
    %mul3A = arith.constant 2 : i32
    %mul3A_0 = arith.muli %arg1, %mul3A : i32
    %add3A = arith.addi %mul3A_0, %arg0 : i32
    %iota3A = tpu.iota {dimensions = array<i32: 0>} : vector<16xi32>
    %add3A_1 = arith.constant 0 : i32
    %add3A_2 = vector.broadcast %add3A_1 : i32 to vector<16xi32>
    %add3A_3 = arith.addi %add3A_2, %iota3A : vector<16xi32>
    %shift_right_logical3A = arith.constant 5 : i32
    %shift_right_logical3A_4 = vector.broadcast %shift_right_logical3A : i32 to vector<16xi32>
    %shift_right_logical3A_5 = arith.shrui %add3A_3, %shift_right_logical3A_4 : vector<16xi32>
    %and3A = arith.constant 31 : i32
    %and3A_6 = vector.broadcast %and3A : i32 to vector<16xi32>
    %and3A_7 = arith.andi %add3A_3, %and3A_6 : vector<16xi32>
    %add3A_8 = arith.constant 16 : i32
    %add3A_9 = vector.broadcast %add3A_8 : i32 to vector<16xi32>
    %add3A_10 = arith.addi %add3A_9, %iota3A : vector<16xi32>
    %shift_right_logical3A_11 = arith.constant 5 : i32
    %shift_right_logical3A_12 = vector.broadcast %shift_right_logical3A_11 : i32 to vector<16xi32>
    %shift_right_logical3A_13 = arith.shrui %add3A_10, %shift_right_logical3A_12 : vector<16xi32>
    %and3A_14 = arith.constant 31 : i32
    %and3A_15 = vector.broadcast %and3A_14 : i32 to vector<16xi32>
    %and3A_16 = arith.andi %add3A_10, %and3A_15 : vector<16xi32>
    %add3A_17 = arith.constant 32 : i32
    %add3A_18 = vector.broadcast %add3A_17 : i32 to vector<16xi32>
    %add3A_19 = arith.addi %add3A_18, %iota3A : vector<16xi32>
    %shift_right_logical3A_20 = arith.constant 5 : i32
    %shift_right_logical3A_21 = vector.broadcast %shift_right_logical3A_20 : i32 to vector<16xi32>
    %shift_right_logical3A_22 = arith.shrui %add3A_19, %shift_right_logical3A_21 : vector<16xi32>
    %and3A_23 = arith.constant 31 : i32
    %and3A_24 = vector.broadcast %and3A_23 : i32 to vector<16xi32>
    %and3A_25 = arith.andi %add3A_19, %and3A_24 : vector<16xi32>
    %add3A_26 = arith.constant 48 : i32
    %add3A_27 = vector.broadcast %add3A_26 : i32 to vector<16xi32>
    %add3A_28 = arith.addi %add3A_27, %iota3A : vector<16xi32>
    %shift_right_logical3A_29 = arith.constant 5 : i32
    %shift_right_logical3A_30 = vector.broadcast %shift_right_logical3A_29 : i32 to vector<16xi32>
    %shift_right_logical3A_31 = arith.shrui %add3A_28, %shift_right_logical3A_30 : vector<16xi32>
    %and3A_32 = arith.constant 31 : i32
    %and3A_33 = vector.broadcast %and3A_32 : i32 to vector<16xi32>
    %and3A_34 = arith.andi %add3A_28, %and3A_33 : vector<16xi32>
    %add3A_35 = arith.constant 64 : i32
    %add3A_36 = vector.broadcast %add3A_35 : i32 to vector<16xi32>
    %add3A_37 = arith.addi %add3A_36, %iota3A : vector<16xi32>
    %shift_right_logical3A_38 = arith.constant 5 : i32
    %shift_right_logical3A_39 = vector.broadcast %shift_right_logical3A_38 : i32 to vector<16xi32>
    %shift_right_logical3A_40 = arith.shrui %add3A_37, %shift_right_logical3A_39 : vector<16xi32>
    %and3A_41 = arith.constant 31 : i32
    %and3A_42 = vector.broadcast %and3A_41 : i32 to vector<16xi32>
    %and3A_43 = arith.andi %add3A_37, %and3A_42 : vector<16xi32>
    %add3A_44 = arith.constant 80 : i32
    %add3A_45 = vector.broadcast %add3A_44 : i32 to vector<16xi32>
    %add3A_46 = arith.addi %add3A_45, %iota3A : vector<16xi32>
    %shift_right_logical3A_47 = arith.constant 5 : i32
    %shift_right_logical3A_48 = vector.broadcast %shift_right_logical3A_47 : i32 to vector<16xi32>
    %shift_right_logical3A_49 = arith.shrui %add3A_46, %shift_right_logical3A_48 : vector<16xi32>
    %and3A_50 = arith.constant 31 : i32
    %and3A_51 = vector.broadcast %and3A_50 : i32 to vector<16xi32>
    %and3A_52 = arith.andi %add3A_46, %and3A_51 : vector<16xi32>
    %add3A_53 = arith.constant 96 : i32
    %add3A_54 = vector.broadcast %add3A_53 : i32 to vector<16xi32>
    %add3A_55 = arith.addi %add3A_54, %iota3A : vector<16xi32>
    %shift_right_logical3A_56 = arith.constant 5 : i32
    %shift_right_logical3A_57 = vector.broadcast %shift_right_logical3A_56 : i32 to vector<16xi32>
    %shift_right_logical3A_58 = arith.shrui %add3A_55, %shift_right_logical3A_57 : vector<16xi32>
    %and3A_59 = arith.constant 31 : i32
    %and3A_60 = vector.broadcast %and3A_59 : i32 to vector<16xi32>
    %and3A_61 = arith.andi %add3A_55, %and3A_60 : vector<16xi32>
    %add3A_62 = arith.constant 112 : i32
    %add3A_63 = vector.broadcast %add3A_62 : i32 to vector<16xi32>
    %add3A_64 = arith.addi %add3A_63, %iota3A : vector<16xi32>
    %shift_right_logical3A_65 = arith.constant 5 : i32
    %shift_right_logical3A_66 = vector.broadcast %shift_right_logical3A_65 : i32 to vector<16xi32>
    %shift_right_logical3A_67 = arith.shrui %add3A_64, %shift_right_logical3A_66 : vector<16xi32>
    %and3A_68 = arith.constant 31 : i32
    %and3A_69 = vector.broadcast %and3A_68 : i32 to vector<16xi32>
    %and3A_70 = arith.andi %add3A_64, %and3A_69 : vector<16xi32>
    %mul3A_71 = arith.constant 128 : i32
    %mul3A_72 = arith.muli %mul3A_71, %add3A : i32
    %dma_start3A = arith.constant 0 : i32
    %dma_start3A_73 = arith.constant 0 : i32
    %dma_start3A_74 = arith.constant 0 : i32
    %dma_start3A_75 = tpu.memref_slice %arg6[%dma_start3A, %dma_start3A_73, %dma_start3A_74] : memref<2x32x128xf32, #tpu.memory_space<vmem>> -> memref<1x32x128xf32, #tpu.memory_space<vmem>>
    %dma_start3A_76 = tpu.memref_squeeze %dma_start3A_75 : memref<1x32x128xf32, #tpu.memory_space<vmem>> -> memref<32x128xf32, #tpu.memory_space<vmem>>
    %dma_start3A_77 = arith.constant 0 : i32
    %dma_start3A_78 = tpu.memref_slice %arg2[%dma_start3A_77, %mul3A_72] : memref<32x1000000xf32, #tpu.memory_space<hbm>> -> memref<32x128xf32, #tpu.memory_space<hbm>>
    %dma_start3A_79 = arith.constant 0 : i32
    %dma_start3A_80 = arith.constant 0 : i32
    %dma_start3A_81 = tpu.memref_slice %arg6[%dma_start3A, %dma_start3A_79, %dma_start3A_80] : memref<2x32x128xf32, #tpu.memory_space<vmem>> -> memref<1x32x128xf32, #tpu.memory_space<vmem>>
    %dma_start3A_82 = tpu.memref_squeeze %dma_start3A_81 : memref<1x32x128xf32, #tpu.memory_space<vmem>> -> memref<32x128xf32, #tpu.memory_space<vmem>>
    %dma_start3A_83 = arith.constant 0 : i32
    %dma_start3A_84 = tpu.memref_slice %arg2[%dma_start3A_83, %mul3A_72] : memref<32x1000000xf32, #tpu.memory_space<hbm>> -> memref<32x128xf32, #tpu.memory_space<hbm>>
    tpu.enqueue_dma source(%dma_start3A_84 : memref<32x128xf32, #tpu.memory_space<hbm>>) target(%dma_start3A_82 : memref<32x128xf32, #tpu.memory_space<vmem>>) target_semaphore(%arg10 : memref<!tpu.dma_semaphore, #tpu.memory_space<semaphore_mem>>)
    %mul3A_85 = arith.constant 128 : i32
    %mul3A_86 = arith.muli %mul3A_85, %add3A : i32
    %dma_start3A_87 = arith.constant 0 : i32
    %dma_start3A_88 = arith.constant 0 : i32
    %dma_start3A_89 = arith.constant 0 : i32
    %dma_start3A_90 = tpu.memref_slice %arg7[%dma_start3A_87, %dma_start3A_88, %dma_start3A_89] : memref<2x32x128xf32, #tpu.memory_space<vmem>> -> memref<1x32x128xf32, #tpu.memory_space<vmem>>
    %dma_start3A_91 = tpu.memref_squeeze %dma_start3A_90 : memref<1x32x128xf32, #tpu.memory_space<vmem>> -> memref<32x128xf32, #tpu.memory_space<vmem>>
    %dma_start3A_92 = arith.constant 0 : i32
    %dma_start3A_93 = tpu.memref_slice %arg3[%dma_start3A_92, %mul3A_86] : memref<32x1000000xf32, #tpu.memory_space<hbm>> -> memref<32x128xf32, #tpu.memory_space<hbm>>
    %dma_start3A_94 = arith.constant 0 : i32
    %dma_start3A_95 = arith.constant 0 : i32
    %dma_start3A_96 = tpu.memref_slice %arg7[%dma_start3A_87, %dma_start3A_94, %dma_start3A_95] : memref<2x32x128xf32, #tpu.memory_space<vmem>> -> memref<1x32x128xf32, #tpu.memory_space<vmem>>
    %dma_start3A_97 = tpu.memref_squeeze %dma_start3A_96 : memref<1x32x128xf32, #tpu.memory_space<vmem>> -> memref<32x128xf32, #tpu.memory_space<vmem>>
    %dma_start3A_98 = arith.constant 0 : i32
    %dma_start3A_99 = tpu.memref_slice %arg3[%dma_start3A_98, %mul3A_86] : memref<32x1000000xf32, #tpu.memory_space<hbm>> -> memref<32x128xf32, #tpu.memory_space<hbm>>
    tpu.enqueue_dma source(%dma_start3A_99 : memref<32x128xf32, #tpu.memory_space<hbm>>) target(%dma_start3A_97 : memref<32x128xf32, #tpu.memory_space<vmem>>) target_semaphore(%arg10 : memref<!tpu.dma_semaphore, #tpu.memory_space<semaphore_mem>>)
    %scan3A = arith.constant 0 : i32
    %scan3A_100 = arith.constant 0 : i32
    %scan3A_101 = arith.constant 122 : i32
    %scan3A_102 = arith.addi %scan3A_100, %scan3A_101 : i32
    %scan3A_103 = arith.constant 1 : i32
    scf.for %scan3A_170 = %scan3A_100 to %scan3A_102 step %scan3A_103  : i32 {
      %mul3A_171 = arith.constant 2 : i32
      %mul3A_172 = arith.muli %mul3A_171, %scan3A_170 : i32
      %mul3A_173 = arith.constant 2 : i32
      %mul3A_174 = arith.muli %mul3A_173, %scan3A_170 : i32
      %add3A_175 = arith.constant 1 : i32
      %add3A_176 = arith.addi %mul3A_174, %add3A_175 : i32
      %lt3A_177 = arith.constant 244 : i32
      %lt3A_178 = arith.cmpi slt, %add3A_176, %lt3A_177 : i32
      %convert_element_type3A_179 = arith.extui %lt3A_178 : i1 to i32
      %cond3A_180 = arith.constant 0 : i32
      %cond3A_181 = arith.cmpi ne, %convert_element_type3A_179, %cond3A_180 : i32
      scf.if %cond3A_181 {
        %mul3A_336 = arith.constant 32 : i32
        %mul3A_337 = arith.muli %mul3A_336, %add3A_176 : i32
        %add3A_338 = arith.addi %add3A, %mul3A_337 : i32
        %mul3A_339 = arith.constant 128 : i32
        %mul3A_340 = arith.muli %mul3A_339, %add3A_338 : i32
        %dma_start3A_341 = arith.constant 1 : i32
        %dma_start3A_342 = arith.constant 0 : i32
        %dma_start3A_343 = arith.constant 0 : i32
        %dma_start3A_344 = tpu.memref_slice %arg6[%dma_start3A_341, %dma_start3A_342, %dma_start3A_343] : memref<2x32x128xf32, #tpu.memory_space<vmem>> -> memref<1x32x128xf32, #tpu.memory_space<vmem>>
        %dma_start3A_345 = tpu.memref_squeeze %dma_start3A_344 : memref<1x32x128xf32, #tpu.memory_space<vmem>> -> memref<32x128xf32, #tpu.memory_space<vmem>>
        %dma_start3A_346 = arith.constant 0 : i32
        %dma_start3A_347 = tpu.memref_slice %arg2[%dma_start3A_346, %mul3A_340] : memref<32x1000000xf32, #tpu.memory_space<hbm>> -> memref<32x128xf32, #tpu.memory_space<hbm>>
        %dma_start3A_348 = arith.constant 0 : i32
        %dma_start3A_349 = arith.constant 0 : i32
        %dma_start3A_350 = tpu.memref_slice %arg6[%dma_start3A_341, %dma_start3A_348, %dma_start3A_349] : memref<2x32x128xf32, #tpu.memory_space<vmem>> -> memref<1x32x128xf32, #tpu.memory_space<vmem>>
        %dma_start3A_351 = tpu.memref_squeeze %dma_start3A_350 : memref<1x32x128xf32, #tpu.memory_space<vmem>> -> memref<32x128xf32, #tpu.memory_space<vmem>>
        %dma_start3A_352 = arith.constant 0 : i32
        %dma_start3A_353 = tpu.memref_slice %arg2[%dma_start3A_352, %mul3A_340] : memref<32x1000000xf32, #tpu.memory_space<hbm>> -> memref<32x128xf32, #tpu.memory_space<hbm>>
        tpu.enqueue_dma source(%dma_start3A_353 : memref<32x128xf32, #tpu.memory_space<hbm>>) target(%dma_start3A_351 : memref<32x128xf32, #tpu.memory_space<vmem>>) target_semaphore(%arg10 : memref<!tpu.dma_semaphore, #tpu.memory_space<semaphore_mem>>)
        %mul3A_354 = arith.constant 128 : i32
        %mul3A_355 = arith.muli %mul3A_354, %add3A_338 : i32
        %dma_start3A_356 = arith.constant 1 : i32
        %dma_start3A_357 = arith.constant 0 : i32
        %dma_start3A_358 = arith.constant 0 : i32
        %dma_start3A_359 = tpu.memref_slice %arg7[%dma_start3A_356, %dma_start3A_357, %dma_start3A_358] : memref<2x32x128xf32, #tpu.memory_space<vmem>> -> memref<1x32x128xf32, #tpu.memory_space<vmem>>
        %dma_start3A_360 = tpu.memref_squeeze %dma_start3A_359 : memref<1x32x128xf32, #tpu.memory_space<vmem>> -> memref<32x128xf32, #tpu.memory_space<vmem>>
        %dma_start3A_361 = arith.constant 0 : i32
        %dma_start3A_362 = tpu.memref_slice %arg3[%dma_start3A_361, %mul3A_355] : memref<32x1000000xf32, #tpu.memory_space<hbm>> -> memref<32x128xf32, #tpu.memory_space<hbm>>
        %dma_start3A_363 = arith.constant 0 : i32
        %dma_start3A_364 = arith.constant 0 : i32
        %dma_start3A_365 = tpu.memref_slice %arg7[%dma_start3A_356, %dma_start3A_363, %dma_start3A_364] : memref<2x32x128xf32, #tpu.memory_space<vmem>> -> memref<1x32x128xf32, #tpu.memory_space<vmem>>
        %dma_start3A_366 = tpu.memref_squeeze %dma_start3A_365 : memref<1x32x128xf32, #tpu.memory_space<vmem>> -> memref<32x128xf32, #tpu.memory_space<vmem>>
        %dma_start3A_367 = arith.constant 0 : i32
        %dma_start3A_368 = tpu.memref_slice %arg3[%dma_start3A_367, %mul3A_355] : memref<32x1000000xf32, #tpu.memory_space<hbm>> -> memref<32x128xf32, #tpu.memory_space<hbm>>
        tpu.enqueue_dma source(%dma_start3A_368 : memref<32x128xf32, #tpu.memory_space<hbm>>) target(%dma_start3A_366 : memref<32x128xf32, #tpu.memory_space<vmem>>) target_semaphore(%arg10 : memref<!tpu.dma_semaphore, #tpu.memory_space<semaphore_mem>>)
      } else {
      }
      %dma_wait3A_182 = arith.constant 0 : i32
      %dma_wait3A_183 = arith.constant 0 : i32
      %dma_wait3A_184 = arith.constant 0 : i32
      %dma_wait3A_185 = tpu.memref_slice %arg6[%dma_wait3A_182, %dma_wait3A_183, %dma_wait3A_184] : memref<2x32x128xf32, #tpu.memory_space<vmem>> -> memref<1x32x128xf32, #tpu.memory_space<vmem>>
      %dma_wait3A_186 = tpu.memref_squeeze %dma_wait3A_185 : memref<1x32x128xf32, #tpu.memory_space<vmem>> -> memref<32x128xf32, #tpu.memory_space<vmem>>
      %dma_wait3A_187 = arith.constant 0 : i32
      %dma_wait3A_188 = arith.constant 0 : i32
      %dma_wait3A_189 = tpu.memref_slice %arg2[%dma_wait3A_187, %dma_wait3A_188] : memref<32x1000000xf32, #tpu.memory_space<hbm>> -> memref<32x128xf32, #tpu.memory_space<hbm>>
      %dma_wait3A_190 = arith.constant 0 : i32
      %dma_wait3A_191 = arith.constant 0 : i32
      %dma_wait3A_192 = tpu.memref_slice %arg6[%dma_wait3A_182, %dma_wait3A_190, %dma_wait3A_191] : memref<2x32x128xf32, #tpu.memory_space<vmem>> -> memref<1x32x128xf32, #tpu.memory_space<vmem>>
      %dma_wait3A_193 = tpu.memref_squeeze %dma_wait3A_192 : memref<1x32x128xf32, #tpu.memory_space<vmem>> -> memref<32x128xf32, #tpu.memory_space<vmem>>
      %dma_wait3A_194 = arith.constant 0 : i32
      %dma_wait3A_195 = arith.constant 0 : i32
      %dma_wait3A_196 = tpu.memref_slice %arg2[%dma_wait3A_194, %dma_wait3A_195] : memref<32x1000000xf32, #tpu.memory_space<hbm>> -> memref<32x128xf32, #tpu.memory_space<hbm>>
      tpu.wait_dma2 semaphore(%arg10 : memref<!tpu.dma_semaphore, #tpu.memory_space<semaphore_mem>>) src(%dma_wait3A_196 : memref<32x128xf32, #tpu.memory_space<hbm>>) dst(%dma_wait3A_193 : memref<32x128xf32, #tpu.memory_space<vmem>>)
      %dma_wait3A_197 = arith.constant 0 : i32
      %dma_wait3A_198 = arith.constant 0 : i32
      %dma_wait3A_199 = arith.constant 0 : i32
      %dma_wait3A_200 = tpu.memref_slice %arg7[%dma_wait3A_197, %dma_wait3A_198, %dma_wait3A_199] : memref<2x32x128xf32, #tpu.memory_space<vmem>> -> memref<1x32x128xf32, #tpu.memory_space<vmem>>
      %dma_wait3A_201 = tpu.memref_squeeze %dma_wait3A_200 : memref<1x32x128xf32, #tpu.memory_space<vmem>> -> memref<32x128xf32, #tpu.memory_space<vmem>>
      %dma_wait3A_202 = arith.constant 0 : i32
      %dma_wait3A_203 = arith.constant 0 : i32
      %dma_wait3A_204 = tpu.memref_slice %arg3[%dma_wait3A_202, %dma_wait3A_203] : memref<32x1000000xf32, #tpu.memory_space<hbm>> -> memref<32x128xf32, #tpu.memory_space<hbm>>
      %dma_wait3A_205 = arith.constant 0 : i32
      %dma_wait3A_206 = arith.constant 0 : i32
      %dma_wait3A_207 = tpu.memref_slice %arg7[%dma_wait3A_197, %dma_wait3A_205, %dma_wait3A_206] : memref<2x32x128xf32, #tpu.memory_space<vmem>> -> memref<1x32x128xf32, #tpu.memory_space<vmem>>
      %dma_wait3A_208 = tpu.memref_squeeze %dma_wait3A_207 : memref<1x32x128xf32, #tpu.memory_space<vmem>> -> memref<32x128xf32, #tpu.memory_space<vmem>>
      %dma_wait3A_209 = arith.constant 0 : i32
      %dma_wait3A_210 = arith.constant 0 : i32
      %dma_wait3A_211 = tpu.memref_slice %arg3[%dma_wait3A_209, %dma_wait3A_210] : memref<32x1000000xf32, #tpu.memory_space<hbm>> -> memref<32x128xf32, #tpu.memory_space<hbm>>
      tpu.wait_dma2 semaphore(%arg10 : memref<!tpu.dma_semaphore, #tpu.memory_space<semaphore_mem>>) src(%dma_wait3A_211 : memref<32x128xf32, #tpu.memory_space<hbm>>) dst(%dma_wait3A_208 : memref<32x128xf32, #tpu.memory_space<vmem>>)
      %gt3A = arith.constant 0 : i32
      %gt3A_212 = arith.cmpi sgt, %scan3A_170, %gt3A : i32
      %convert_element_type3A_213 = arith.extui %gt3A_212 : i1 to i32
      %cond3A_214 = arith.constant 0 : i32
      %cond3A_215 = arith.cmpi ne, %convert_element_type3A_213, %cond3A_214 : i32
      scf.if %cond3A_215 {
        %sub3A = arith.constant 2 : i32
        %sub3A_336 = arith.subi %mul3A_172, %sub3A : i32
        %mul3A_337 = arith.constant 32 : i32
        %mul3A_338 = arith.muli %mul3A_337, %sub3A_336 : i32
        %add3A_339 = arith.addi %add3A, %mul3A_338 : i32
        %mul3A_340 = arith.constant 32 : i32
        %mul3A_341 = arith.muli %mul3A_340, %add3A_339 : i32
        %dma_wait3A_342 = arith.constant 0 : i32
        %dma_wait3A_343 = arith.constant 0 : i32
        %dma_wait3A_344 = arith.constant 0 : i32
        %dma_wait3A_345 = tpu.memref_slice %arg8[%dma_wait3A_342, %dma_wait3A_343, %dma_wait3A_344] : memref<2x32x128xf32, #tpu.memory_space<vmem>> -> memref<1x32x128xf32, #tpu.memory_space<vmem>>
        %dma_wait3A_346 = tpu.memref_squeeze %dma_wait3A_345 : memref<1x32x128xf32, #tpu.memory_space<vmem>> -> memref<32x128xf32, #tpu.memory_space<vmem>>
        %dma_wait3A_347 = arith.constant 0 : i32
        %dma_wait3A_348 = tpu.memref_slice %arg4[%mul3A_341, %dma_wait3A_347] : memref<250016x128xf32, #tpu.memory_space<hbm>> -> memref<32x128xf32, #tpu.memory_space<hbm>>
        %dma_wait3A_349 = arith.constant 0 : i32
        %dma_wait3A_350 = tpu.memref_slice %arg4[%mul3A_341, %dma_wait3A_349] : memref<250016x128xf32, #tpu.memory_space<hbm>> -> memref<32x128xf32, #tpu.memory_space<hbm>>
        %dma_wait3A_351 = arith.constant 0 : i32
        %dma_wait3A_352 = arith.constant 0 : i32
        %dma_wait3A_353 = tpu.memref_slice %arg8[%dma_wait3A_342, %dma_wait3A_351, %dma_wait3A_352] : memref<2x32x128xf32, #tpu.memory_space<vmem>> -> memref<1x32x128xf32, #tpu.memory_space<vmem>>
        %dma_wait3A_354 = tpu.memref_squeeze %dma_wait3A_353 : memref<1x32x128xf32, #tpu.memory_space<vmem>> -> memref<32x128xf32, #tpu.memory_space<vmem>>
        tpu.wait_dma2 semaphore(%arg11 : memref<!tpu.dma_semaphore, #tpu.memory_space<semaphore_mem>>) src(%dma_wait3A_354 : memref<32x128xf32, #tpu.memory_space<vmem>>) dst(%dma_wait3A_350 : memref<32x128xf32, #tpu.memory_space<hbm>>)
        %mul3A_355 = arith.constant 32 : i32
        %mul3A_356 = arith.muli %mul3A_355, %add3A_339 : i32
        %dma_wait3A_357 = arith.constant 0 : i32
        %dma_wait3A_358 = arith.constant 0 : i32
        %dma_wait3A_359 = arith.constant 0 : i32
        %dma_wait3A_360 = tpu.memref_slice %arg9[%dma_wait3A_357, %dma_wait3A_358, %dma_wait3A_359] : memref<2x32x128xf32, #tpu.memory_space<vmem>> -> memref<1x32x128xf32, #tpu.memory_space<vmem>>
        %dma_wait3A_361 = tpu.memref_squeeze %dma_wait3A_360 : memref<1x32x128xf32, #tpu.memory_space<vmem>> -> memref<32x128xf32, #tpu.memory_space<vmem>>
        %dma_wait3A_362 = arith.constant 0 : i32
        %dma_wait3A_363 = tpu.memref_slice %arg5[%mul3A_356, %dma_wait3A_362] : memref<250016x128xf32, #tpu.memory_space<hbm>> -> memref<32x128xf32, #tpu.memory_space<hbm>>
        %dma_wait3A_364 = arith.constant 0 : i32
        %dma_wait3A_365 = tpu.memref_slice %arg5[%mul3A_356, %dma_wait3A_364] : memref<250016x128xf32, #tpu.memory_space<hbm>> -> memref<32x128xf32, #tpu.memory_space<hbm>>
        %dma_wait3A_366 = arith.constant 0 : i32
        %dma_wait3A_367 = arith.constant 0 : i32
        %dma_wait3A_368 = tpu.memref_slice %arg9[%dma_wait3A_357, %dma_wait3A_366, %dma_wait3A_367] : memref<2x32x128xf32, #tpu.memory_space<vmem>> -> memref<1x32x128xf32, #tpu.memory_space<vmem>>
        %dma_wait3A_369 = tpu.memref_squeeze %dma_wait3A_368 : memref<1x32x128xf32, #tpu.memory_space<vmem>> -> memref<32x128xf32, #tpu.memory_space<vmem>>
        tpu.wait_dma2 semaphore(%arg11 : memref<!tpu.dma_semaphore, #tpu.memory_space<semaphore_mem>>) src(%dma_wait3A_369 : memref<32x128xf32, #tpu.memory_space<vmem>>) dst(%dma_wait3A_365 : memref<32x128xf32, #tpu.memory_space<hbm>>)
      } else {
      }
      %scan3A_216 = arith.constant 0 : i32
      %scan3A_217 = arith.constant 0 : i32
      %scan3A_218 = arith.constant 32 : i32
      %scan3A_219 = arith.addi %scan3A_217, %scan3A_218 : i32
      %scan3A_220 = arith.constant 1 : i32
      scf.for %scan3A_336 = %scan3A_217 to %scan3A_219 step %scan3A_220  : i32 {
        %mul3A_337 = arith.constant 4 : i32
        %mul3A_338 = arith.muli %mul3A_337, %scan3A_336 : i32
        %add3A_339 = vector.broadcast %mul3A_338 : i32 to vector<16xi32>
        %add3A_340 = arith.addi %shift_right_logical3A_5, %add3A_339 : vector<16xi32>
        %gather3A = arith.constant 0 : i32
        %gather3A_341 = arith.constant 0 : i32
        %gather3A_342 = arith.constant 0 : i32
        %gather3A_343 = tpu.memref_slice %arg6[%gather3A, %gather3A_341, %gather3A_342] : memref<2x32x128xf32, #tpu.memory_space<vmem>> -> memref<1x32x128xf32, #tpu.memory_space<vmem>>
        %gather3A_344 = tpu.memref_squeeze %gather3A_343 : memref<1x32x128xf32, #tpu.memory_space<vmem>> -> memref<32x128xf32, #tpu.memory_space<vmem>>
        %gather3A_345 = tpu.vector_load_idx %gather3A_344[%and3A_7, %add3A_340] : memref<32x128xf32, #tpu.memory_space<vmem>>[vector<16xi32>, vector<16xi32>], vector<16xf32>,
        %add3A_346 = vector.broadcast %mul3A_338 : i32 to vector<16xi32>
        %add3A_347 = arith.addi %shift_right_logical3A_5, %add3A_346 : vector<16xi32>
        %gather3A_348 = arith.constant 0 : i32
        %gather3A_349 = arith.constant 0 : i32
        %gather3A_350 = arith.constant 0 : i32
        %gather3A_351 = tpu.memref_slice %arg7[%gather3A_348, %gather3A_349, %gather3A_350] : memref<2x32x128xf32, #tpu.memory_space<vmem>> -> memref<1x32x128xf32, #tpu.memory_space<vmem>>
        %gather3A_352 = tpu.memref_squeeze %gather3A_351 : memref<1x32x128xf32, #tpu.memory_space<vmem>> -> memref<32x128xf32, #tpu.memory_space<vmem>>
        %gather3A_353 = tpu.vector_load_idx %gather3A_352[%and3A_7, %add3A_347] : memref<32x128xf32, #tpu.memory_space<vmem>>[vector<16xi32>, vector<16xi32>], vector<16xf32>,
        %add3A_354 = vector.broadcast %mul3A_338 : i32 to vector<16xi32>
        %add3A_355 = arith.addi %shift_right_logical3A_13, %add3A_354 : vector<16xi32>
        %gather3A_356 = arith.constant 0 : i32
        %gather3A_357 = arith.constant 0 : i32
        %gather3A_358 = arith.constant 0 : i32
        %gather3A_359 = tpu.memref_slice %arg6[%gather3A_356, %gather3A_357, %gather3A_358] : memref<2x32x128xf32, #tpu.memory_space<vmem>> -> memref<1x32x128xf32, #tpu.memory_space<vmem>>
        %gather3A_360 = tpu.memref_squeeze %gather3A_359 : memref<1x32x128xf32, #tpu.memory_space<vmem>> -> memref<32x128xf32, #tpu.memory_space<vmem>>
        %gather3A_361 = tpu.vector_load_idx %gather3A_360[%and3A_16, %add3A_355] : memref<32x128xf32, #tpu.memory_space<vmem>>[vector<16xi32>, vector<16xi32>], vector<16xf32>,
        %add3A_362 = vector.broadcast %mul3A_338 : i32 to vector<16xi32>
        %add3A_363 = arith.addi %shift_right_logical3A_13, %add3A_362 : vector<16xi32>
        %gather3A_364 = arith.constant 0 : i32
        %gather3A_365 = arith.constant 0 : i32
        %gather3A_366 = arith.constant 0 : i32
        %gather3A_367 = tpu.memref_slice %arg7[%gather3A_364, %gather3A_365, %gather3A_366] : memref<2x32x128xf32, #tpu.memory_space<vmem>> -> memref<1x32x128xf32, #tpu.memory_space<vmem>>
        %gather3A_368 = tpu.memref_squeeze %gather3A_367 : memref<1x32x128xf32, #tpu.memory_space<vmem>> -> memref<32x128xf32, #tpu.memory_space<vmem>>
        %gather3A_369 = tpu.vector_load_idx %gather3A_368[%and3A_16, %add3A_363] : memref<32x128xf32, #tpu.memory_space<vmem>>[vector<16xi32>, vector<16xi32>], vector<16xf32>,
        %add3A_370 = vector.broadcast %mul3A_338 : i32 to vector<16xi32>
        %add3A_371 = arith.addi %shift_right_logical3A_22, %add3A_370 : vector<16xi32>
        %gather3A_372 = arith.constant 0 : i32
        %gather3A_373 = arith.constant 0 : i32
        %gather3A_374 = arith.constant 0 : i32
        %gather3A_375 = tpu.memref_slice %arg6[%gather3A_372, %gather3A_373, %gather3A_374] : memref<2x32x128xf32, #tpu.memory_space<vmem>> -> memref<1x32x128xf32, #tpu.memory_space<vmem>>
        %gather3A_376 = tpu.memref_squeeze %gather3A_375 : memref<1x32x128xf32, #tpu.memory_space<vmem>> -> memref<32x128xf32, #tpu.memory_space<vmem>>
        %gather3A_377 = tpu.vector_load_idx %gather3A_376[%and3A_25, %add3A_371] : memref<32x128xf32, #tpu.memory_space<vmem>>[vector<16xi32>, vector<16xi32>], vector<16xf32>,
        %add3A_378 = vector.broadcast %mul3A_338 : i32 to vector<16xi32>
        %add3A_379 = arith.addi %shift_right_logical3A_22, %add3A_378 : vector<16xi32>
        %gather3A_380 = arith.constant 0 : i32
        %gather3A_381 = arith.constant 0 : i32
        %gather3A_382 = arith.constant 0 : i32
        %gather3A_383 = tpu.memref_slice %arg7[%gather3A_380, %gather3A_381, %gather3A_382] : memref<2x32x128xf32, #tpu.memory_space<vmem>> -> memref<1x32x128xf32, #tpu.memory_space<vmem>>
        %gather3A_384 = tpu.memref_squeeze %gather3A_383 : memref<1x32x128xf32, #tpu.memory_space<vmem>> -> memref<32x128xf32, #tpu.memory_space<vmem>>
        %gather3A_385 = tpu.vector_load_idx %gather3A_384[%and3A_25, %add3A_379] : memref<32x128xf32, #tpu.memory_space<vmem>>[vector<16xi32>, vector<16xi32>], vector<16xf32>,
        %add3A_386 = vector.broadcast %mul3A_338 : i32 to vector<16xi32>
        %add3A_387 = arith.addi %shift_right_logical3A_31, %add3A_386 : vector<16xi32>
        %gather3A_388 = arith.constant 0 : i32
        %gather3A_389 = arith.constant 0 : i32
        %gather3A_390 = arith.constant 0 : i32
        %gather3A_391 = tpu.memref_slice %arg6[%gather3A_388, %gather3A_389, %gather3A_390] : memref<2x32x128xf32, #tpu.memory_space<vmem>> -> memref<1x32x128xf32, #tpu.memory_space<vmem>>
        %gather3A_392 = tpu.memref_squeeze %gather3A_391 : memref<1x32x128xf32, #tpu.memory_space<vmem>> -> memref<32x128xf32, #tpu.memory_space<vmem>>
        %gather3A_393 = tpu.vector_load_idx %gather3A_392[%and3A_34, %add3A_387] : memref<32x128xf32, #tpu.memory_space<vmem>>[vector<16xi32>, vector<16xi32>], vector<16xf32>,
        %add3A_394 = vector.broadcast %mul3A_338 : i32 to vector<16xi32>
        %add3A_395 = arith.addi %shift_right_logical3A_31, %add3A_394 : vector<16xi32>
        %gather3A_396 = arith.constant 0 : i32
        %gather3A_397 = arith.constant 0 : i32
        %gather3A_398 = arith.constant 0 : i32
        %gather3A_399 = tpu.memref_slice %arg7[%gather3A_396, %gather3A_397, %gather3A_398] : memref<2x32x128xf32, #tpu.memory_space<vmem>> -> memref<1x32x128xf32, #tpu.memory_space<vmem>>
        %gather3A_400 = tpu.memref_squeeze %gather3A_399 : memref<1x32x128xf32, #tpu.memory_space<vmem>> -> memref<32x128xf32, #tpu.memory_space<vmem>>
        %gather3A_401 = tpu.vector_load_idx %gather3A_400[%and3A_34, %add3A_395] : memref<32x128xf32, #tpu.memory_space<vmem>>[vector<16xi32>, vector<16xi32>], vector<16xf32>,
        %add3A_402 = vector.broadcast %mul3A_338 : i32 to vector<16xi32>
        %add3A_403 = arith.addi %shift_right_logical3A_40, %add3A_402 : vector<16xi32>
        %gather3A_404 = arith.constant 0 : i32
        %gather3A_405 = arith.constant 0 : i32
        %gather3A_406 = arith.constant 0 : i32
        %gather3A_407 = tpu.memref_slice %arg6[%gather3A_404, %gather3A_405, %gather3A_406] : memref<2x32x128xf32, #tpu.memory_space<vmem>> -> memref<1x32x128xf32, #tpu.memory_space<vmem>>
        %gather3A_408 = tpu.memref_squeeze %gather3A_407 : memref<1x32x128xf32, #tpu.memory_space<vmem>> -> memref<32x128xf32, #tpu.memory_space<vmem>>
        %gather3A_409 = tpu.vector_load_idx %gather3A_408[%and3A_43, %add3A_403] : memref<32x128xf32, #tpu.memory_space<vmem>>[vector<16xi32>, vector<16xi32>], vector<16xf32>,
        %add3A_410 = vector.broadcast %mul3A_338 : i32 to vector<16xi32>
        %add3A_411 = arith.addi %shift_right_logical3A_40, %add3A_410 : vector<16xi32>
        %gather3A_412 = arith.constant 0 : i32
        %gather3A_413 = arith.constant 0 : i32
        %gather3A_414 = arith.constant 0 : i32
        %gather3A_415 = tpu.memref_slice %arg7[%gather3A_412, %gather3A_413, %gather3A_414] : memref<2x32x128xf32, #tpu.memory_space<vmem>> -> memref<1x32x128xf32, #tpu.memory_space<vmem>>
        %gather3A_416 = tpu.memref_squeeze %gather3A_415 : memref<1x32x128xf32, #tpu.memory_space<vmem>> -> memref<32x128xf32, #tpu.memory_space<vmem>>
        %gather3A_417 = tpu.vector_load_idx %gather3A_416[%and3A_43, %add3A_411] : memref<32x128xf32, #tpu.memory_space<vmem>>[vector<16xi32>, vector<16xi32>], vector<16xf32>,
        %add3A_418 = vector.broadcast %mul3A_338 : i32 to vector<16xi32>
        %add3A_419 = arith.addi %shift_right_logical3A_49, %add3A_418 : vector<16xi32>
        %gather3A_420 = arith.constant 0 : i32
        %gather3A_421 = arith.constant 0 : i32
        %gather3A_422 = arith.constant 0 : i32
        %gather3A_423 = tpu.memref_slice %arg6[%gather3A_420, %gather3A_421, %gather3A_422] : memref<2x32x128xf32, #tpu.memory_space<vmem>> -> memref<1x32x128xf32, #tpu.memory_space<vmem>>
        %gather3A_424 = tpu.memref_squeeze %gather3A_423 : memref<1x32x128xf32, #tpu.memory_space<vmem>> -> memref<32x128xf32, #tpu.memory_space<vmem>>
        %gather3A_425 = tpu.vector_load_idx %gather3A_424[%and3A_52, %add3A_419] : memref<32x128xf32, #tpu.memory_space<vmem>>[vector<16xi32>, vector<16xi32>], vector<16xf32>,
        %add3A_426 = vector.broadcast %mul3A_338 : i32 to vector<16xi32>
        %add3A_427 = arith.addi %shift_right_logical3A_49, %add3A_426 : vector<16xi32>
        %gather3A_428 = arith.constant 0 : i32
        %gather3A_429 = arith.constant 0 : i32
        %gather3A_430 = arith.constant 0 : i32
        %gather3A_431 = tpu.memref_slice %arg7[%gather3A_428, %gather3A_429, %gather3A_430] : memref<2x32x128xf32, #tpu.memory_space<vmem>> -> memref<1x32x128xf32, #tpu.memory_space<vmem>>
        %gather3A_432 = tpu.memref_squeeze %gather3A_431 : memref<1x32x128xf32, #tpu.memory_space<vmem>> -> memref<32x128xf32, #tpu.memory_space<vmem>>
        %gather3A_433 = tpu.vector_load_idx %gather3A_432[%and3A_52, %add3A_427] : memref<32x128xf32, #tpu.memory_space<vmem>>[vector<16xi32>, vector<16xi32>], vector<16xf32>,
        %add3A_434 = vector.broadcast %mul3A_338 : i32 to vector<16xi32>
        %add3A_435 = arith.addi %shift_right_logical3A_58, %add3A_434 : vector<16xi32>
        %gather3A_436 = arith.constant 0 : i32
        %gather3A_437 = arith.constant 0 : i32
        %gather3A_438 = arith.constant 0 : i32
        %gather3A_439 = tpu.memref_slice %arg6[%gather3A_436, %gather3A_437, %gather3A_438] : memref<2x32x128xf32, #tpu.memory_space<vmem>> -> memref<1x32x128xf32, #tpu.memory_space<vmem>>
        %gather3A_440 = tpu.memref_squeeze %gather3A_439 : memref<1x32x128xf32, #tpu.memory_space<vmem>> -> memref<32x128xf32, #tpu.memory_space<vmem>>
        %gather3A_441 = tpu.vector_load_idx %gather3A_440[%and3A_61, %add3A_435] : memref<32x128xf32, #tpu.memory_space<vmem>>[vector<16xi32>, vector<16xi32>], vector<16xf32>,
        %add3A_442 = vector.broadcast %mul3A_338 : i32 to vector<16xi32>
        %add3A_443 = arith.addi %shift_right_logical3A_58, %add3A_442 : vector<16xi32>
        %gather3A_444 = arith.constant 0 : i32
        %gather3A_445 = arith.constant 0 : i32
        %gather3A_446 = arith.constant 0 : i32
        %gather3A_447 = tpu.memref_slice %arg7[%gather3A_444, %gather3A_445, %gather3A_446] : memref<2x32x128xf32, #tpu.memory_space<vmem>> -> memref<1x32x128xf32, #tpu.memory_space<vmem>>
        %gather3A_448 = tpu.memref_squeeze %gather3A_447 : memref<1x32x128xf32, #tpu.memory_space<vmem>> -> memref<32x128xf32, #tpu.memory_space<vmem>>
        %gather3A_449 = tpu.vector_load_idx %gather3A_448[%and3A_61, %add3A_443] : memref<32x128xf32, #tpu.memory_space<vmem>>[vector<16xi32>, vector<16xi32>], vector<16xf32>,
        %add3A_450 = vector.broadcast %mul3A_338 : i32 to vector<16xi32>
        %add3A_451 = arith.addi %shift_right_logical3A_67, %add3A_450 : vector<16xi32>
        %gather3A_452 = arith.constant 0 : i32
        %gather3A_453 = arith.constant 0 : i32
        %gather3A_454 = arith.constant 0 : i32
        %gather3A_455 = tpu.memref_slice %arg6[%gather3A_452, %gather3A_453, %gather3A_454] : memref<2x32x128xf32, #tpu.memory_space<vmem>> -> memref<1x32x128xf32, #tpu.memory_space<vmem>>
        %gather3A_456 = tpu.memref_squeeze %gather3A_455 : memref<1x32x128xf32, #tpu.memory_space<vmem>> -> memref<32x128xf32, #tpu.memory_space<vmem>>
        %gather3A_457 = tpu.vector_load_idx %gather3A_456[%and3A_70, %add3A_451] : memref<32x128xf32, #tpu.memory_space<vmem>>[vector<16xi32>, vector<16xi32>], vector<16xf32>,
        %add3A_458 = vector.broadcast %mul3A_338 : i32 to vector<16xi32>
        %add3A_459 = arith.addi %shift_right_logical3A_67, %add3A_458 : vector<16xi32>
        %gather3A_460 = arith.constant 0 : i32
        %gather3A_461 = arith.constant 0 : i32
        %gather3A_462 = arith.constant 0 : i32
        %gather3A_463 = tpu.memref_slice %arg7[%gather3A_460, %gather3A_461, %gather3A_462] : memref<2x32x128xf32, #tpu.memory_space<vmem>> -> memref<1x32x128xf32, #tpu.memory_space<vmem>>
        %gather3A_464 = tpu.memref_squeeze %gather3A_463 : memref<1x32x128xf32, #tpu.memory_space<vmem>> -> memref<32x128xf32, #tpu.memory_space<vmem>>
        %gather3A_465 = tpu.vector_load_idx %gather3A_464[%and3A_70, %add3A_459] : memref<32x128xf32, #tpu.memory_space<vmem>>[vector<16xi32>, vector<16xi32>], vector<16xf32>,
        %swap3A = arith.constant 0 : i32
        %swap3A_466 = arith.index_cast %swap3A : i32 to index
        %swap3A_467 = arith.index_cast %scan3A_336 : i32 to index
        %swap3A_468 = arith.constant 0 : index
        %swap3A_469 = tpu.vector_load %arg8[%swap3A_466, %swap3A_467, %swap3A_468] {strides = array<i32>} : memref<2x32x128xf32, #tpu.memory_space<vmem>>, vector<16xf32>,
        tpu.vector_store %arg8[%swap3A_466, %swap3A_467, %swap3A_468], %gather3A_345 {strides = array<i32>} : memref<2x32x128xf32, #tpu.memory_space<vmem>>, vector<16xf32>,
        %swap3A_470 = arith.constant 0 : i32
        %swap3A_471 = arith.index_cast %swap3A_470 : i32 to index
        %swap3A_472 = arith.index_cast %scan3A_336 : i32 to index
        %swap3A_473 = arith.constant 0 : index
        %swap3A_474 = tpu.vector_load %arg9[%swap3A_471, %swap3A_472, %swap3A_473] {strides = array<i32>} : memref<2x32x128xf32, #tpu.memory_space<vmem>>, vector<16xf32>,
        tpu.vector_store %arg9[%swap3A_471, %swap3A_472, %swap3A_473], %gather3A_353 {strides = array<i32>} : memref<2x32x128xf32, #tpu.memory_space<vmem>>, vector<16xf32>,
        %swap3A_475 = arith.constant 0 : i32
        %swap3A_476 = arith.index_cast %swap3A_475 : i32 to index
        %swap3A_477 = arith.index_cast %scan3A_336 : i32 to index
        %swap3A_478 = arith.constant 16 : index
        %swap3A_479 = tpu.vector_load %arg8[%swap3A_476, %swap3A_477, %swap3A_478] {strides = array<i32>} : memref<2x32x128xf32, #tpu.memory_space<vmem>>, vector<16xf32>,
        tpu.vector_store %arg8[%swap3A_476, %swap3A_477, %swap3A_478], %gather3A_361 {strides = array<i32>} : memref<2x32x128xf32, #tpu.memory_space<vmem>>, vector<16xf32>,
        %swap3A_480 = arith.constant 0 : i32
        %swap3A_481 = arith.index_cast %swap3A_480 : i32 to index
        %swap3A_482 = arith.index_cast %scan3A_336 : i32 to index
        %swap3A_483 = arith.constant 16 : index
        %swap3A_484 = tpu.vector_load %arg9[%swap3A_481, %swap3A_482, %swap3A_483] {strides = array<i32>} : memref<2x32x128xf32, #tpu.memory_space<vmem>>, vector<16xf32>,
        tpu.vector_store %arg9[%swap3A_481, %swap3A_482, %swap3A_483], %gather3A_369 {strides = array<i32>} : memref<2x32x128xf32, #tpu.memory_space<vmem>>, vector<16xf32>,
        %swap3A_485 = arith.constant 0 : i32
        %swap3A_486 = arith.index_cast %swap3A_485 : i32 to index
        %swap3A_487 = arith.index_cast %scan3A_336 : i32 to index
        %swap3A_488 = arith.constant 32 : index
        %swap3A_489 = tpu.vector_load %arg8[%swap3A_486, %swap3A_487, %swap3A_488] {strides = array<i32>} : memref<2x32x128xf32, #tpu.memory_space<vmem>>, vector<16xf32>,
        tpu.vector_store %arg8[%swap3A_486, %swap3A_487, %swap3A_488], %gather3A_377 {strides = array<i32>} : memref<2x32x128xf32, #tpu.memory_space<vmem>>, vector<16xf32>,
        %swap3A_490 = arith.constant 0 : i32
        %swap3A_491 = arith.index_cast %swap3A_490 : i32 to index
        %swap3A_492 = arith.index_cast %scan3A_336 : i32 to index
        %swap3A_493 = arith.constant 32 : index
        %swap3A_494 = tpu.vector_load %arg9[%swap3A_491, %swap3A_492, %swap3A_493] {strides = array<i32>} : memref<2x32x128xf32, #tpu.memory_space<vmem>>, vector<16xf32>,
        tpu.vector_store %arg9[%swap3A_491, %swap3A_492, %swap3A_493], %gather3A_385 {strides = array<i32>} : memref<2x32x128xf32, #tpu.memory_space<vmem>>, vector<16xf32>,
        %swap3A_495 = arith.constant 0 : i32
        %swap3A_496 = arith.index_cast %swap3A_495 : i32 to index
        %swap3A_497 = arith.index_cast %scan3A_336 : i32 to index
        %swap3A_498 = arith.constant 48 : index
        %swap3A_499 = tpu.vector_load %arg8[%swap3A_496, %swap3A_497, %swap3A_498] {strides = array<i32>} : memref<2x32x128xf32, #tpu.memory_space<vmem>>, vector<16xf32>,
        tpu.vector_store %arg8[%swap3A_496, %swap3A_497, %swap3A_498], %gather3A_393 {strides = array<i32>} : memref<2x32x128xf32, #tpu.memory_space<vmem>>, vector<16xf32>,
        %swap3A_500 = arith.constant 0 : i32
        %swap3A_501 = arith.index_cast %swap3A_500 : i32 to index
        %swap3A_502 = arith.index_cast %scan3A_336 : i32 to index
        %swap3A_503 = arith.constant 48 : index
        %swap3A_504 = tpu.vector_load %arg9[%swap3A_501, %swap3A_502, %swap3A_503] {strides = array<i32>} : memref<2x32x128xf32, #tpu.memory_space<vmem>>, vector<16xf32>,
        tpu.vector_store %arg9[%swap3A_501, %swap3A_502, %swap3A_503], %gather3A_401 {strides = array<i32>} : memref<2x32x128xf32, #tpu.memory_space<vmem>>, vector<16xf32>,
        %swap3A_505 = arith.constant 0 : i32
        %swap3A_506 = arith.index_cast %swap3A_505 : i32 to index
        %swap3A_507 = arith.index_cast %scan3A_336 : i32 to index
        %swap3A_508 = arith.constant 64 : index
        %swap3A_509 = tpu.vector_load %arg8[%swap3A_506, %swap3A_507, %swap3A_508] {strides = array<i32>} : memref<2x32x128xf32, #tpu.memory_space<vmem>>, vector<16xf32>,
        tpu.vector_store %arg8[%swap3A_506, %swap3A_507, %swap3A_508], %gather3A_409 {strides = array<i32>} : memref<2x32x128xf32, #tpu.memory_space<vmem>>, vector<16xf32>,
        %swap3A_510 = arith.constant 0 : i32
        %swap3A_511 = arith.index_cast %swap3A_510 : i32 to index
        %swap3A_512 = arith.index_cast %scan3A_336 : i32 to index
        %swap3A_513 = arith.constant 64 : index
        %swap3A_514 = tpu.vector_load %arg9[%swap3A_511, %swap3A_512, %swap3A_513] {strides = array<i32>} : memref<2x32x128xf32, #tpu.memory_space<vmem>>, vector<16xf32>,
        tpu.vector_store %arg9[%swap3A_511, %swap3A_512, %swap3A_513], %gather3A_417 {strides = array<i32>} : memref<2x32x128xf32, #tpu.memory_space<vmem>>, vector<16xf32>,
        %swap3A_515 = arith.constant 0 : i32
        %swap3A_516 = arith.index_cast %swap3A_515 : i32 to index
        %swap3A_517 = arith.index_cast %scan3A_336 : i32 to index
        %swap3A_518 = arith.constant 80 : index
        %swap3A_519 = tpu.vector_load %arg8[%swap3A_516, %swap3A_517, %swap3A_518] {strides = array<i32>} : memref<2x32x128xf32, #tpu.memory_space<vmem>>, vector<16xf32>,
        tpu.vector_store %arg8[%swap3A_516, %swap3A_517, %swap3A_518], %gather3A_425 {strides = array<i32>} : memref<2x32x128xf32, #tpu.memory_space<vmem>>, vector<16xf32>,
        %swap3A_520 = arith.constant 0 : i32
        %swap3A_521 = arith.index_cast %swap3A_520 : i32 to index
        %swap3A_522 = arith.index_cast %scan3A_336 : i32 to index
        %swap3A_523 = arith.constant 80 : index
        %swap3A_524 = tpu.vector_load %arg9[%swap3A_521, %swap3A_522, %swap3A_523] {strides = array<i32>} : memref<2x32x128xf32, #tpu.memory_space<vmem>>, vector<16xf32>,
        tpu.vector_store %arg9[%swap3A_521, %swap3A_522, %swap3A_523], %gather3A_433 {strides = array<i32>} : memref<2x32x128xf32, #tpu.memory_space<vmem>>, vector<16xf32>,
        %swap3A_525 = arith.constant 0 : i32
        %swap3A_526 = arith.index_cast %swap3A_525 : i32 to index
        %swap3A_527 = arith.index_cast %scan3A_336 : i32 to index
        %swap3A_528 = arith.constant 96 : index
        %swap3A_529 = tpu.vector_load %arg8[%swap3A_526, %swap3A_527, %swap3A_528] {strides = array<i32>} : memref<2x32x128xf32, #tpu.memory_space<vmem>>, vector<16xf32>,
        tpu.vector_store %arg8[%swap3A_526, %swap3A_527, %swap3A_528], %gather3A_441 {strides = array<i32>} : memref<2x32x128xf32, #tpu.memory_space<vmem>>, vector<16xf32>,
        %swap3A_530 = arith.constant 0 : i32
        %swap3A_531 = arith.index_cast %swap3A_530 : i32 to index
        %swap3A_532 = arith.index_cast %scan3A_336 : i32 to index
        %swap3A_533 = arith.constant 96 : index
        %swap3A_534 = tpu.vector_load %arg9[%swap3A_531, %swap3A_532, %swap3A_533] {strides = array<i32>} : memref<2x32x128xf32, #tpu.memory_space<vmem>>, vector<16xf32>,
        tpu.vector_store %arg9[%swap3A_531, %swap3A_532, %swap3A_533], %gather3A_449 {strides = array<i32>} : memref<2x32x128xf32, #tpu.memory_space<vmem>>, vector<16xf32>,
        %swap3A_535 = arith.constant 0 : i32
        %swap3A_536 = arith.index_cast %swap3A_535 : i32 to index
        %swap3A_537 = arith.index_cast %scan3A_336 : i32 to index
        %swap3A_538 = arith.constant 112 : index
        %swap3A_539 = tpu.vector_load %arg8[%swap3A_536, %swap3A_537, %swap3A_538] {strides = array<i32>} : memref<2x32x128xf32, #tpu.memory_space<vmem>>, vector<16xf32>,
        tpu.vector_store %arg8[%swap3A_536, %swap3A_537, %swap3A_538], %gather3A_457 {strides = array<i32>} : memref<2x32x128xf32, #tpu.memory_space<vmem>>, vector<16xf32>,
        %swap3A_540 = arith.constant 0 : i32
        %swap3A_541 = arith.index_cast %swap3A_540 : i32 to index
        %swap3A_542 = arith.index_cast %scan3A_336 : i32 to index
        %swap3A_543 = arith.constant 112 : index
        %swap3A_544 = tpu.vector_load %arg9[%swap3A_541, %swap3A_542, %swap3A_543] {strides = array<i32>} : memref<2x32x128xf32, #tpu.memory_space<vmem>>, vector<16xf32>,
        tpu.vector_store %arg9[%swap3A_541, %swap3A_542, %swap3A_543], %gather3A_465 {strides = array<i32>} : memref<2x32x128xf32, #tpu.memory_space<vmem>>, vector<16xf32>,
      }
      %scan3A_221 = arith.constant 32 : i32
      %mul3A_222 = arith.constant 32 : i32
      %mul3A_223 = arith.muli %mul3A_222, %mul3A_172 : i32
      %add3A_224 = arith.addi %add3A, %mul3A_223 : i32
      %mul3A_225 = arith.constant 32 : i32
      %mul3A_226 = arith.muli %mul3A_225, %add3A_224 : i32
      %dma_start3A_227 = arith.constant 0 : i32
      %dma_start3A_228 = arith.constant 0 : i32
      %dma_start3A_229 = arith.constant 0 : i32
      %dma_start3A_230 = tpu.memref_slice %arg8[%dma_start3A_227, %dma_start3A_228, %dma_start3A_229] : memref<2x32x128xf32, #tpu.memory_space<vmem>> -> memref<1x32x128xf32, #tpu.memory_space<vmem>>
      %dma_start3A_231 = tpu.memref_squeeze %dma_start3A_230 : memref<1x32x128xf32, #tpu.memory_space<vmem>> -> memref<32x128xf32, #tpu.memory_space<vmem>>
      %dma_start3A_232 = arith.constant 0 : i32
      %dma_start3A_233 = tpu.memref_slice %arg4[%mul3A_226, %dma_start3A_232] : memref<250016x128xf32, #tpu.memory_space<hbm>> -> memref<32x128xf32, #tpu.memory_space<hbm>>
      %dma_start3A_234 = arith.constant 0 : i32
      %dma_start3A_235 = tpu.memref_slice %arg4[%mul3A_226, %dma_start3A_234] : memref<250016x128xf32, #tpu.memory_space<hbm>> -> memref<32x128xf32, #tpu.memory_space<hbm>>
      %dma_start3A_236 = arith.constant 0 : i32
      %dma_start3A_237 = arith.constant 0 : i32
      %dma_start3A_238 = tpu.memref_slice %arg8[%dma_start3A_227, %dma_start3A_236, %dma_start3A_237] : memref<2x32x128xf32, #tpu.memory_space<vmem>> -> memref<1x32x128xf32, #tpu.memory_space<vmem>>
      %dma_start3A_239 = tpu.memref_squeeze %dma_start3A_238 : memref<1x32x128xf32, #tpu.memory_space<vmem>> -> memref<32x128xf32, #tpu.memory_space<vmem>>
      tpu.enqueue_dma source(%dma_start3A_239 : memref<32x128xf32, #tpu.memory_space<vmem>>) target(%dma_start3A_235 : memref<32x128xf32, #tpu.memory_space<hbm>>) target_semaphore(%arg11 : memref<!tpu.dma_semaphore, #tpu.memory_space<semaphore_mem>>)
      %mul3A_240 = arith.constant 32 : i32
      %mul3A_241 = arith.muli %mul3A_240, %add3A_224 : i32
      %dma_start3A_242 = arith.constant 0 : i32
      %dma_start3A_243 = arith.constant 0 : i32
      %dma_start3A_244 = arith.constant 0 : i32
      %dma_start3A_245 = tpu.memref_slice %arg9[%dma_start3A_242, %dma_start3A_243, %dma_start3A_244] : memref<2x32x128xf32, #tpu.memory_space<vmem>> -> memref<1x32x128xf32, #tpu.memory_space<vmem>>
      %dma_start3A_246 = tpu.memref_squeeze %dma_start3A_245 : memref<1x32x128xf32, #tpu.memory_space<vmem>> -> memref<32x128xf32, #tpu.memory_space<vmem>>
      %dma_start3A_247 = arith.constant 0 : i32
      %dma_start3A_248 = tpu.memref_slice %arg5[%mul3A_241, %dma_start3A_247] : memref<250016x128xf32, #tpu.memory_space<hbm>> -> memref<32x128xf32, #tpu.memory_space<hbm>>
      %dma_start3A_249 = arith.constant 0 : i32
      %dma_start3A_250 = tpu.memref_slice %arg5[%mul3A_241, %dma_start3A_249] : memref<250016x128xf32, #tpu.memory_space<hbm>> -> memref<32x128xf32, #tpu.memory_space<hbm>>
      %dma_start3A_251 = arith.constant 0 : i32
      %dma_start3A_252 = arith.constant 0 : i32
      %dma_start3A_253 = tpu.memref_slice %arg9[%dma_start3A_242, %dma_start3A_251, %dma_start3A_252] : memref<2x32x128xf32, #tpu.memory_space<vmem>> -> memref<1x32x128xf32, #tpu.memory_space<vmem>>
      %dma_start3A_254 = tpu.memref_squeeze %dma_start3A_253 : memref<1x32x128xf32, #tpu.memory_space<vmem>> -> memref<32x128xf32, #tpu.memory_space<vmem>>
      tpu.enqueue_dma source(%dma_start3A_254 : memref<32x128xf32, #tpu.memory_space<vmem>>) target(%dma_start3A_250 : memref<32x128xf32, #tpu.memory_space<hbm>>) target_semaphore(%arg11 : memref<!tpu.dma_semaphore, #tpu.memory_space<semaphore_mem>>)
      %add3A_255 = arith.constant 1 : i32
      %add3A_256 = arith.addi %add3A_176, %add3A_255 : i32
      %lt3A_257 = arith.constant 244 : i32
      %lt3A_258 = arith.cmpi slt, %add3A_256, %lt3A_257 : i32
      %convert_element_type3A_259 = arith.extui %lt3A_258 : i1 to i32
      %cond3A_260 = arith.constant 0 : i32
      %cond3A_261 = arith.cmpi ne, %convert_element_type3A_259, %cond3A_260 : i32
      scf.if %cond3A_261 {
        %add3A_336 = arith.constant 1 : i32
        %add3A_337 = arith.addi %add3A_176, %add3A_336 : i32
        %mul3A_338 = arith.constant 32 : i32
        %mul3A_339 = arith.muli %mul3A_338, %add3A_337 : i32
        %add3A_340 = arith.addi %add3A, %mul3A_339 : i32
        %mul3A_341 = arith.constant 128 : i32
        %mul3A_342 = arith.muli %mul3A_341, %add3A_340 : i32
        %dma_start3A_343 = arith.constant 0 : i32
        %dma_start3A_344 = arith.constant 0 : i32
        %dma_start3A_345 = arith.constant 0 : i32
        %dma_start3A_346 = tpu.memref_slice %arg6[%dma_start3A_343, %dma_start3A_344, %dma_start3A_345] : memref<2x32x128xf32, #tpu.memory_space<vmem>> -> memref<1x32x128xf32, #tpu.memory_space<vmem>>
        %dma_start3A_347 = tpu.memref_squeeze %dma_start3A_346 : memref<1x32x128xf32, #tpu.memory_space<vmem>> -> memref<32x128xf32, #tpu.memory_space<vmem>>
        %dma_start3A_348 = arith.constant 0 : i32
        %dma_start3A_349 = tpu.memref_slice %arg2[%dma_start3A_348, %mul3A_342] : memref<32x1000000xf32, #tpu.memory_space<hbm>> -> memref<32x128xf32, #tpu.memory_space<hbm>>
        %dma_start3A_350 = arith.constant 0 : i32
        %dma_start3A_351 = arith.constant 0 : i32
        %dma_start3A_352 = tpu.memref_slice %arg6[%dma_start3A_343, %dma_start3A_350, %dma_start3A_351] : memref<2x32x128xf32, #tpu.memory_space<vmem>> -> memref<1x32x128xf32, #tpu.memory_space<vmem>>
        %dma_start3A_353 = tpu.memref_squeeze %dma_start3A_352 : memref<1x32x128xf32, #tpu.memory_space<vmem>> -> memref<32x128xf32, #tpu.memory_space<vmem>>
        %dma_start3A_354 = arith.constant 0 : i32
        %dma_start3A_355 = tpu.memref_slice %arg2[%dma_start3A_354, %mul3A_342] : memref<32x1000000xf32, #tpu.memory_space<hbm>> -> memref<32x128xf32, #tpu.memory_space<hbm>>
        tpu.enqueue_dma source(%dma_start3A_355 : memref<32x128xf32, #tpu.memory_space<hbm>>) target(%dma_start3A_353 : memref<32x128xf32, #tpu.memory_space<vmem>>) target_semaphore(%arg10 : memref<!tpu.dma_semaphore, #tpu.memory_space<semaphore_mem>>)
        %mul3A_356 = arith.constant 128 : i32
        %mul3A_357 = arith.muli %mul3A_356, %add3A_340 : i32
        %dma_start3A_358 = arith.constant 0 : i32
        %dma_start3A_359 = arith.constant 0 : i32
        %dma_start3A_360 = arith.constant 0 : i32
        %dma_start3A_361 = tpu.memref_slice %arg7[%dma_start3A_358, %dma_start3A_359, %dma_start3A_360] : memref<2x32x128xf32, #tpu.memory_space<vmem>> -> memref<1x32x128xf32, #tpu.memory_space<vmem>>
        %dma_start3A_362 = tpu.memref_squeeze %dma_start3A_361 : memref<1x32x128xf32, #tpu.memory_space<vmem>> -> memref<32x128xf32, #tpu.memory_space<vmem>>
        %dma_start3A_363 = arith.constant 0 : i32
        %dma_start3A_364 = tpu.memref_slice %arg3[%dma_start3A_363, %mul3A_357] : memref<32x1000000xf32, #tpu.memory_space<hbm>> -> memref<32x128xf32, #tpu.memory_space<hbm>>
        %dma_start3A_365 = arith.constant 0 : i32
        %dma_start3A_366 = arith.constant 0 : i32
        %dma_start3A_367 = tpu.memref_slice %arg7[%dma_start3A_358, %dma_start3A_365, %dma_start3A_366] : memref<2x32x128xf32, #tpu.memory_space<vmem>> -> memref<1x32x128xf32, #tpu.memory_space<vmem>>
        %dma_start3A_368 = tpu.memref_squeeze %dma_start3A_367 : memref<1x32x128xf32, #tpu.memory_space<vmem>> -> memref<32x128xf32, #tpu.memory_space<vmem>>
        %dma_start3A_369 = arith.constant 0 : i32
        %dma_start3A_370 = tpu.memref_slice %arg3[%dma_start3A_369, %mul3A_357] : memref<32x1000000xf32, #tpu.memory_space<hbm>> -> memref<32x128xf32, #tpu.memory_space<hbm>>
        tpu.enqueue_dma source(%dma_start3A_370 : memref<32x128xf32, #tpu.memory_space<hbm>>) target(%dma_start3A_368 : memref<32x128xf32, #tpu.memory_space<vmem>>) target_semaphore(%arg10 : memref<!tpu.dma_semaphore, #tpu.memory_space<semaphore_mem>>)
      } else {
      }
      %dma_wait3A_262 = arith.constant 1 : i32
      %dma_wait3A_263 = arith.constant 0 : i32
      %dma_wait3A_264 = arith.constant 0 : i32
      %dma_wait3A_265 = tpu.memref_slice %arg6[%dma_wait3A_262, %dma_wait3A_263, %dma_wait3A_264] : memref<2x32x128xf32, #tpu.memory_space<vmem>> -> memref<1x32x128xf32, #tpu.memory_space<vmem>>
      %dma_wait3A_266 = tpu.memref_squeeze %dma_wait3A_265 : memref<1x32x128xf32, #tpu.memory_space<vmem>> -> memref<32x128xf32, #tpu.memory_space<vmem>>
      %dma_wait3A_267 = arith.constant 0 : i32
      %dma_wait3A_268 = arith.constant 0 : i32
      %dma_wait3A_269 = tpu.memref_slice %arg2[%dma_wait3A_267, %dma_wait3A_268] : memref<32x1000000xf32, #tpu.memory_space<hbm>> -> memref<32x128xf32, #tpu.memory_space<hbm>>
      %dma_wait3A_270 = arith.constant 0 : i32
      %dma_wait3A_271 = arith.constant 0 : i32
      %dma_wait3A_272 = tpu.memref_slice %arg6[%dma_wait3A_262, %dma_wait3A_270, %dma_wait3A_271] : memref<2x32x128xf32, #tpu.memory_space<vmem>> -> memref<1x32x128xf32, #tpu.memory_space<vmem>>
      %dma_wait3A_273 = tpu.memref_squeeze %dma_wait3A_272 : memref<1x32x128xf32, #tpu.memory_space<vmem>> -> memref<32x128xf32, #tpu.memory_space<vmem>>
      %dma_wait3A_274 = arith.constant 0 : i32
      %dma_wait3A_275 = arith.constant 0 : i32
      %dma_wait3A_276 = tpu.memref_slice %arg2[%dma_wait3A_274, %dma_wait3A_275] : memref<32x1000000xf32, #tpu.memory_space<hbm>> -> memref<32x128xf32, #tpu.memory_space<hbm>>
      tpu.wait_dma2 semaphore(%arg10 : memref<!tpu.dma_semaphore, #tpu.memory_space<semaphore_mem>>) src(%dma_wait3A_276 : memref<32x128xf32, #tpu.memory_space<hbm>>) dst(%dma_wait3A_273 : memref<32x128xf32, #tpu.memory_space<vmem>>)
      %dma_wait3A_277 = arith.constant 1 : i32
      %dma_wait3A_278 = arith.constant 0 : i32
      %dma_wait3A_279 = arith.constant 0 : i32
      %dma_wait3A_280 = tpu.memref_slice %arg7[%dma_wait3A_277, %dma_wait3A_278, %dma_wait3A_279] : memref<2x32x128xf32, #tpu.memory_space<vmem>> -> memref<1x32x128xf32, #tpu.memory_space<vmem>>
      %dma_wait3A_281 = tpu.memref_squeeze %dma_wait3A_280 : memref<1x32x128xf32, #tpu.memory_space<vmem>> -> memref<32x128xf32, #tpu.memory_space<vmem>>
      %dma_wait3A_282 = arith.constant 0 : i32
      %dma_wait3A_283 = arith.constant 0 : i32
      %dma_wait3A_284 = tpu.memref_slice %arg3[%dma_wait3A_282, %dma_wait3A_283] : memref<32x1000000xf32, #tpu.memory_space<hbm>> -> memref<32x128xf32, #tpu.memory_space<hbm>>
      %dma_wait3A_285 = arith.constant 0 : i32
      %dma_wait3A_286 = arith.constant 0 : i32
      %dma_wait3A_287 = tpu.memref_slice %arg7[%dma_wait3A_277, %dma_wait3A_285, %dma_wait3A_286] : memref<2x32x128xf32, #tpu.memory_space<vmem>> -> memref<1x32x128xf32, #tpu.memory_space<vmem>>
      %dma_wait3A_288 = tpu.memref_squeeze %dma_wait3A_287 : memref<1x32x128xf32, #tpu.memory_space<vmem>> -> memref<32x128xf32, #tpu.memory_space<vmem>>
      %dma_wait3A_289 = arith.constant 0 : i32
      %dma_wait3A_290 = arith.constant 0 : i32
      %dma_wait3A_291 = tpu.memref_slice %arg3[%dma_wait3A_289, %dma_wait3A_290] : memref<32x1000000xf32, #tpu.memory_space<hbm>> -> memref<32x128xf32, #tpu.memory_space<hbm>>
      tpu.wait_dma2 semaphore(%arg10 : memref<!tpu.dma_semaphore, #tpu.memory_space<semaphore_mem>>) src(%dma_wait3A_291 : memref<32x128xf32, #tpu.memory_space<hbm>>) dst(%dma_wait3A_288 : memref<32x128xf32, #tpu.memory_space<vmem>>)
      %gt3A_292 = arith.constant 0 : i32
      %gt3A_293 = arith.cmpi sgt, %scan3A_170, %gt3A_292 : i32
      %convert_element_type3A_294 = arith.extui %gt3A_293 : i1 to i32
      %cond3A_295 = arith.constant 0 : i32
      %cond3A_296 = arith.cmpi ne, %convert_element_type3A_294, %cond3A_295 : i32
      scf.if %cond3A_296 {
        %sub3A = arith.constant 2 : i32
        %sub3A_336 = arith.subi %add3A_176, %sub3A : i32
        %mul3A_337 = arith.constant 32 : i32
        %mul3A_338 = arith.muli %mul3A_337, %sub3A_336 : i32
        %add3A_339 = arith.addi %add3A, %mul3A_338 : i32
        %mul3A_340 = arith.constant 32 : i32
        %mul3A_341 = arith.muli %mul3A_340, %add3A_339 : i32
        %dma_wait3A_342 = arith.constant 1 : i32
        %dma_wait3A_343 = arith.constant 0 : i32
        %dma_wait3A_344 = arith.constant 0 : i32
        %dma_wait3A_345 = tpu.memref_slice %arg8[%dma_wait3A_342, %dma_wait3A_343, %dma_wait3A_344] : memref<2x32x128xf32, #tpu.memory_space<vmem>> -> memref<1x32x128xf32, #tpu.memory_space<vmem>>
        %dma_wait3A_346 = tpu.memref_squeeze %dma_wait3A_345 : memref<1x32x128xf32, #tpu.memory_space<vmem>> -> memref<32x128xf32, #tpu.memory_space<vmem>>
        %dma_wait3A_347 = arith.constant 0 : i32
        %dma_wait3A_348 = tpu.memref_slice %arg4[%mul3A_341, %dma_wait3A_347] : memref<250016x128xf32, #tpu.memory_space<hbm>> -> memref<32x128xf32, #tpu.memory_space<hbm>>
        %dma_wait3A_349 = arith.constant 0 : i32
        %dma_wait3A_350 = tpu.memref_slice %arg4[%mul3A_341, %dma_wait3A_349] : memref<250016x128xf32, #tpu.memory_space<hbm>> -> memref<32x128xf32, #tpu.memory_space<hbm>>
        %dma_wait3A_351 = arith.constant 0 : i32
        %dma_wait3A_352 = arith.constant 0 : i32
        %dma_wait3A_353 = tpu.memref_slice %arg8[%dma_wait3A_342, %dma_wait3A_351, %dma_wait3A_352] : memref<2x32x128xf32, #tpu.memory_space<vmem>> -> memref<1x32x128xf32, #tpu.memory_space<vmem>>
        %dma_wait3A_354 = tpu.memref_squeeze %dma_wait3A_353 : memref<1x32x128xf32, #tpu.memory_space<vmem>> -> memref<32x128xf32, #tpu.memory_space<vmem>>
        tpu.wait_dma2 semaphore(%arg11 : memref<!tpu.dma_semaphore, #tpu.memory_space<semaphore_mem>>) src(%dma_wait3A_354 : memref<32x128xf32, #tpu.memory_space<vmem>>) dst(%dma_wait3A_350 : memref<32x128xf32, #tpu.memory_space<hbm>>)
        %mul3A_355 = arith.constant 32 : i32
        %mul3A_356 = arith.muli %mul3A_355, %add3A_339 : i32
        %dma_wait3A_357 = arith.constant 1 : i32
        %dma_wait3A_358 = arith.constant 0 : i32
        %dma_wait3A_359 = arith.constant 0 : i32
        %dma_wait3A_360 = tpu.memref_slice %arg9[%dma_wait3A_357, %dma_wait3A_358, %dma_wait3A_359] : memref<2x32x128xf32, #tpu.memory_space<vmem>> -> memref<1x32x128xf32, #tpu.memory_space<vmem>>
        %dma_wait3A_361 = tpu.memref_squeeze %dma_wait3A_360 : memref<1x32x128xf32, #tpu.memory_space<vmem>> -> memref<32x128xf32, #tpu.memory_space<vmem>>
        %dma_wait3A_362 = arith.constant 0 : i32
        %dma_wait3A_363 = tpu.memref_slice %arg5[%mul3A_356, %dma_wait3A_362] : memref<250016x128xf32, #tpu.memory_space<hbm>> -> memref<32x128xf32, #tpu.memory_space<hbm>>
        %dma_wait3A_364 = arith.constant 0 : i32
        %dma_wait3A_365 = tpu.memref_slice %arg5[%mul3A_356, %dma_wait3A_364] : memref<250016x128xf32, #tpu.memory_space<hbm>> -> memref<32x128xf32, #tpu.memory_space<hbm>>
        %dma_wait3A_366 = arith.constant 0 : i32
        %dma_wait3A_367 = arith.constant 0 : i32
        %dma_wait3A_368 = tpu.memref_slice %arg9[%dma_wait3A_357, %dma_wait3A_366, %dma_wait3A_367] : memref<2x32x128xf32, #tpu.memory_space<vmem>> -> memref<1x32x128xf32, #tpu.memory_space<vmem>>
        %dma_wait3A_369 = tpu.memref_squeeze %dma_wait3A_368 : memref<1x32x128xf32, #tpu.memory_space<vmem>> -> memref<32x128xf32, #tpu.memory_space<vmem>>
        tpu.wait_dma2 semaphore(%arg11 : memref<!tpu.dma_semaphore, #tpu.memory_space<semaphore_mem>>) src(%dma_wait3A_369 : memref<32x128xf32, #tpu.memory_space<vmem>>) dst(%dma_wait3A_365 : memref<32x128xf32, #tpu.memory_space<hbm>>)
      } else {
      }
      %scan3A_297 = arith.constant 0 : i32
      %scan3A_298 = arith.constant 0 : i32
      %scan3A_299 = arith.constant 32 : i32
      %scan3A_300 = arith.addi %scan3A_298, %scan3A_299 : i32
      %scan3A_301 = arith.constant 1 : i32
      scf.for %scan3A_336 = %scan3A_298 to %scan3A_300 step %scan3A_301  : i32 {
        %mul3A_337 = arith.constant 4 : i32
        %mul3A_338 = arith.muli %mul3A_337, %scan3A_336 : i32
        %add3A_339 = vector.broadcast %mul3A_338 : i32 to vector<16xi32>
        %add3A_340 = arith.addi %shift_right_logical3A_5, %add3A_339 : vector<16xi32>
        %gather3A = arith.constant 1 : i32
        %gather3A_341 = arith.constant 0 : i32
        %gather3A_342 = arith.constant 0 : i32
        %gather3A_343 = tpu.memref_slice %arg6[%gather3A, %gather3A_341, %gather3A_342] : memref<2x32x128xf32, #tpu.memory_space<vmem>> -> memref<1x32x128xf32, #tpu.memory_space<vmem>>
        %gather3A_344 = tpu.memref_squeeze %gather3A_343 : memref<1x32x128xf32, #tpu.memory_space<vmem>> -> memref<32x128xf32, #tpu.memory_space<vmem>>
        %gather3A_345 = tpu.vector_load_idx %gather3A_344[%and3A_7, %add3A_340] : memref<32x128xf32, #tpu.memory_space<vmem>>[vector<16xi32>, vector<16xi32>], vector<16xf32>,
        %add3A_346 = vector.broadcast %mul3A_338 : i32 to vector<16xi32>
        %add3A_347 = arith.addi %shift_right_logical3A_5, %add3A_346 : vector<16xi32>
        %gather3A_348 = arith.constant 1 : i32
        %gather3A_349 = arith.constant 0 : i32
        %gather3A_350 = arith.constant 0 : i32
        %gather3A_351 = tpu.memref_slice %arg7[%gather3A_348, %gather3A_349, %gather3A_350] : memref<2x32x128xf32, #tpu.memory_space<vmem>> -> memref<1x32x128xf32, #tpu.memory_space<vmem>>
        %gather3A_352 = tpu.memref_squeeze %gather3A_351 : memref<1x32x128xf32, #tpu.memory_space<vmem>> -> memref<32x128xf32, #tpu.memory_space<vmem>>
        %gather3A_353 = tpu.vector_load_idx %gather3A_352[%and3A_7, %add3A_347] : memref<32x128xf32, #tpu.memory_space<vmem>>[vector<16xi32>, vector<16xi32>], vector<16xf32>,
        %add3A_354 = vector.broadcast %mul3A_338 : i32 to vector<16xi32>
        %add3A_355 = arith.addi %shift_right_logical3A_13, %add3A_354 : vector<16xi32>
        %gather3A_356 = arith.constant 1 : i32
        %gather3A_357 = arith.constant 0 : i32
        %gather3A_358 = arith.constant 0 : i32
        %gather3A_359 = tpu.memref_slice %arg6[%gather3A_356, %gather3A_357, %gather3A_358] : memref<2x32x128xf32, #tpu.memory_space<vmem>> -> memref<1x32x128xf32, #tpu.memory_space<vmem>>
        %gather3A_360 = tpu.memref_squeeze %gather3A_359 : memref<1x32x128xf32, #tpu.memory_space<vmem>> -> memref<32x128xf32, #tpu.memory_space<vmem>>
        %gather3A_361 = tpu.vector_load_idx %gather3A_360[%and3A_16, %add3A_355] : memref<32x128xf32, #tpu.memory_space<vmem>>[vector<16xi32>, vector<16xi32>], vector<16xf32>,
        %add3A_362 = vector.broadcast %mul3A_338 : i32 to vector<16xi32>
        %add3A_363 = arith.addi %shift_right_logical3A_13, %add3A_362 : vector<16xi32>
        %gather3A_364 = arith.constant 1 : i32
        %gather3A_365 = arith.constant 0 : i32
        %gather3A_366 = arith.constant 0 : i32
        %gather3A_367 = tpu.memref_slice %arg7[%gather3A_364, %gather3A_365, %gather3A_366] : memref<2x32x128xf32, #tpu.memory_space<vmem>> -> memref<1x32x128xf32, #tpu.memory_space<vmem>>
        %gather3A_368 = tpu.memref_squeeze %gather3A_367 : memref<1x32x128xf32, #tpu.memory_space<vmem>> -> memref<32x128xf32, #tpu.memory_space<vmem>>
        %gather3A_369 = tpu.vector_load_idx %gather3A_368[%and3A_16, %add3A_363] : memref<32x128xf32, #tpu.memory_space<vmem>>[vector<16xi32>, vector<16xi32>], vector<16xf32>,
        %add3A_370 = vector.broadcast %mul3A_338 : i32 to vector<16xi32>
        %add3A_371 = arith.addi %shift_right_logical3A_22, %add3A_370 : vector<16xi32>
        %gather3A_372 = arith.constant 1 : i32
        %gather3A_373 = arith.constant 0 : i32
        %gather3A_374 = arith.constant 0 : i32
        %gather3A_375 = tpu.memref_slice %arg6[%gather3A_372, %gather3A_373, %gather3A_374] : memref<2x32x128xf32, #tpu.memory_space<vmem>> -> memref<1x32x128xf32, #tpu.memory_space<vmem>>
        %gather3A_376 = tpu.memref_squeeze %gather3A_375 : memref<1x32x128xf32, #tpu.memory_space<vmem>> -> memref<32x128xf32, #tpu.memory_space<vmem>>
        %gather3A_377 = tpu.vector_load_idx %gather3A_376[%and3A_25, %add3A_371] : memref<32x128xf32, #tpu.memory_space<vmem>>[vector<16xi32>, vector<16xi32>], vector<16xf32>,
        %add3A_378 = vector.broadcast %mul3A_338 : i32 to vector<16xi32>
        %add3A_379 = arith.addi %shift_right_logical3A_22, %add3A_378 : vector<16xi32>
        %gather3A_380 = arith.constant 1 : i32
        %gather3A_381 = arith.constant 0 : i32
        %gather3A_382 = arith.constant 0 : i32
        %gather3A_383 = tpu.memref_slice %arg7[%gather3A_380, %gather3A_381, %gather3A_382] : memref<2x32x128xf32, #tpu.memory_space<vmem>> -> memref<1x32x128xf32, #tpu.memory_space<vmem>>
        %gather3A_384 = tpu.memref_squeeze %gather3A_383 : memref<1x32x128xf32, #tpu.memory_space<vmem>> -> memref<32x128xf32, #tpu.memory_space<vmem>>
        %gather3A_385 = tpu.vector_load_idx %gather3A_384[%and3A_25, %add3A_379] : memref<32x128xf32, #tpu.memory_space<vmem>>[vector<16xi32>, vector<16xi32>], vector<16xf32>,
        %add3A_386 = vector.broadcast %mul3A_338 : i32 to vector<16xi32>
        %add3A_387 = arith.addi %shift_right_logical3A_31, %add3A_386 : vector<16xi32>
        %gather3A_388 = arith.constant 1 : i32
        %gather3A_389 = arith.constant 0 : i32
        %gather3A_390 = arith.constant 0 : i32
        %gather3A_391 = tpu.memref_slice %arg6[%gather3A_388, %gather3A_389, %gather3A_390] : memref<2x32x128xf32, #tpu.memory_space<vmem>> -> memref<1x32x128xf32, #tpu.memory_space<vmem>>
        %gather3A_392 = tpu.memref_squeeze %gather3A_391 : memref<1x32x128xf32, #tpu.memory_space<vmem>> -> memref<32x128xf32, #tpu.memory_space<vmem>>
        %gather3A_393 = tpu.vector_load_idx %gather3A_392[%and3A_34, %add3A_387] : memref<32x128xf32, #tpu.memory_space<vmem>>[vector<16xi32>, vector<16xi32>], vector<16xf32>,
        %add3A_394 = vector.broadcast %mul3A_338 : i32 to vector<16xi32>
        %add3A_395 = arith.addi %shift_right_logical3A_31, %add3A_394 : vector<16xi32>
        %gather3A_396 = arith.constant 1 : i32
        %gather3A_397 = arith.constant 0 : i32
        %gather3A_398 = arith.constant 0 : i32
        %gather3A_399 = tpu.memref_slice %arg7[%gather3A_396, %gather3A_397, %gather3A_398] : memref<2x32x128xf32, #tpu.memory_space<vmem>> -> memref<1x32x128xf32, #tpu.memory_space<vmem>>
        %gather3A_400 = tpu.memref_squeeze %gather3A_399 : memref<1x32x128xf32, #tpu.memory_space<vmem>> -> memref<32x128xf32, #tpu.memory_space<vmem>>
        %gather3A_401 = tpu.vector_load_idx %gather3A_400[%and3A_34, %add3A_395] : memref<32x128xf32, #tpu.memory_space<vmem>>[vector<16xi32>, vector<16xi32>], vector<16xf32>,
        %add3A_402 = vector.broadcast %mul3A_338 : i32 to vector<16xi32>
        %add3A_403 = arith.addi %shift_right_logical3A_40, %add3A_402 : vector<16xi32>
        %gather3A_404 = arith.constant 1 : i32
        %gather3A_405 = arith.constant 0 : i32
        %gather3A_406 = arith.constant 0 : i32
        %gather3A_407 = tpu.memref_slice %arg6[%gather3A_404, %gather3A_405, %gather3A_406] : memref<2x32x128xf32, #tpu.memory_space<vmem>> -> memref<1x32x128xf32, #tpu.memory_space<vmem>>
        %gather3A_408 = tpu.memref_squeeze %gather3A_407 : memref<1x32x128xf32, #tpu.memory_space<vmem>> -> memref<32x128xf32, #tpu.memory_space<vmem>>
        %gather3A_409 = tpu.vector_load_idx %gather3A_408[%and3A_43, %add3A_403] : memref<32x128xf32, #tpu.memory_space<vmem>>[vector<16xi32>, vector<16xi32>], vector<16xf32>,
        %add3A_410 = vector.broadcast %mul3A_338 : i32 to vector<16xi32>
        %add3A_411 = arith.addi %shift_right_logical3A_40, %add3A_410 : vector<16xi32>
        %gather3A_412 = arith.constant 1 : i32
        %gather3A_413 = arith.constant 0 : i32
        %gather3A_414 = arith.constant 0 : i32
        %gather3A_415 = tpu.memref_slice %arg7[%gather3A_412, %gather3A_413, %gather3A_414] : memref<2x32x128xf32, #tpu.memory_space<vmem>> -> memref<1x32x128xf32, #tpu.memory_space<vmem>>
        %gather3A_416 = tpu.memref_squeeze %gather3A_415 : memref<1x32x128xf32, #tpu.memory_space<vmem>> -> memref<32x128xf32, #tpu.memory_space<vmem>>
        %gather3A_417 = tpu.vector_load_idx %gather3A_416[%and3A_43, %add3A_411] : memref<32x128xf32, #tpu.memory_space<vmem>>[vector<16xi32>, vector<16xi32>], vector<16xf32>,
        %add3A_418 = vector.broadcast %mul3A_338 : i32 to vector<16xi32>
        %add3A_419 = arith.addi %shift_right_logical3A_49, %add3A_418 : vector<16xi32>
        %gather3A_420 = arith.constant 1 : i32
        %gather3A_421 = arith.constant 0 : i32
        %gather3A_422 = arith.constant 0 : i32
        %gather3A_423 = tpu.memref_slice %arg6[%gather3A_420, %gather3A_421, %gather3A_422] : memref<2x32x128xf32, #tpu.memory_space<vmem>> -> memref<1x32x128xf32, #tpu.memory_space<vmem>>
        %gather3A_424 = tpu.memref_squeeze %gather3A_423 : memref<1x32x128xf32, #tpu.memory_space<vmem>> -> memref<32x128xf32, #tpu.memory_space<vmem>>
        %gather3A_425 = tpu.vector_load_idx %gather3A_424[%and3A_52, %add3A_419] : memref<32x128xf32, #tpu.memory_space<vmem>>[vector<16xi32>, vector<16xi32>], vector<16xf32>,
        %add3A_426 = vector.broadcast %mul3A_338 : i32 to vector<16xi32>
        %add3A_427 = arith.addi %shift_right_logical3A_49, %add3A_426 : vector<16xi32>
        %gather3A_428 = arith.constant 1 : i32
        %gather3A_429 = arith.constant 0 : i32
        %gather3A_430 = arith.constant 0 : i32
        %gather3A_431 = tpu.memref_slice %arg7[%gather3A_428, %gather3A_429, %gather3A_430] : memref<2x32x128xf32, #tpu.memory_space<vmem>> -> memref<1x32x128xf32, #tpu.memory_space<vmem>>
        %gather3A_432 = tpu.memref_squeeze %gather3A_431 : memref<1x32x128xf32, #tpu.memory_space<vmem>> -> memref<32x128xf32, #tpu.memory_space<vmem>>
        %gather3A_433 = tpu.vector_load_idx %gather3A_432[%and3A_52, %add3A_427] : memref<32x128xf32, #tpu.memory_space<vmem>>[vector<16xi32>, vector<16xi32>], vector<16xf32>,
        %add3A_434 = vector.broadcast %mul3A_338 : i32 to vector<16xi32>
        %add3A_435 = arith.addi %shift_right_logical3A_58, %add3A_434 : vector<16xi32>
        %gather3A_436 = arith.constant 1 : i32
        %gather3A_437 = arith.constant 0 : i32
        %gather3A_438 = arith.constant 0 : i32
        %gather3A_439 = tpu.memref_slice %arg6[%gather3A_436, %gather3A_437, %gather3A_438] : memref<2x32x128xf32, #tpu.memory_space<vmem>> -> memref<1x32x128xf32, #tpu.memory_space<vmem>>
        %gather3A_440 = tpu.memref_squeeze %gather3A_439 : memref<1x32x128xf32, #tpu.memory_space<vmem>> -> memref<32x128xf32, #tpu.memory_space<vmem>>
        %gather3A_441 = tpu.vector_load_idx %gather3A_440[%and3A_61, %add3A_435] : memref<32x128xf32, #tpu.memory_space<vmem>>[vector<16xi32>, vector<16xi32>], vector<16xf32>,
        %add3A_442 = vector.broadcast %mul3A_338 : i32 to vector<16xi32>
        %add3A_443 = arith.addi %shift_right_logical3A_58, %add3A_442 : vector<16xi32>
        %gather3A_444 = arith.constant 1 : i32
        %gather3A_445 = arith.constant 0 : i32
        %gather3A_446 = arith.constant 0 : i32
        %gather3A_447 = tpu.memref_slice %arg7[%gather3A_444, %gather3A_445, %gather3A_446] : memref<2x32x128xf32, #tpu.memory_space<vmem>> -> memref<1x32x128xf32, #tpu.memory_space<vmem>>
        %gather3A_448 = tpu.memref_squeeze %gather3A_447 : memref<1x32x128xf32, #tpu.memory_space<vmem>> -> memref<32x128xf32, #tpu.memory_space<vmem>>
        %gather3A_449 = tpu.vector_load_idx %gather3A_448[%and3A_61, %add3A_443] : memref<32x128xf32, #tpu.memory_space<vmem>>[vector<16xi32>, vector<16xi32>], vector<16xf32>,
        %add3A_450 = vector.broadcast %mul3A_338 : i32 to vector<16xi32>
        %add3A_451 = arith.addi %shift_right_logical3A_67, %add3A_450 : vector<16xi32>
        %gather3A_452 = arith.constant 1 : i32
        %gather3A_453 = arith.constant 0 : i32
        %gather3A_454 = arith.constant 0 : i32
        %gather3A_455 = tpu.memref_slice %arg6[%gather3A_452, %gather3A_453, %gather3A_454] : memref<2x32x128xf32, #tpu.memory_space<vmem>> -> memref<1x32x128xf32, #tpu.memory_space<vmem>>
        %gather3A_456 = tpu.memref_squeeze %gather3A_455 : memref<1x32x128xf32, #tpu.memory_space<vmem>> -> memref<32x128xf32, #tpu.memory_space<vmem>>
        %gather3A_457 = tpu.vector_load_idx %gather3A_456[%and3A_70, %add3A_451] : memref<32x128xf32, #tpu.memory_space<vmem>>[vector<16xi32>, vector<16xi32>], vector<16xf32>,
        %add3A_458 = vector.broadcast %mul3A_338 : i32 to vector<16xi32>
        %add3A_459 = arith.addi %shift_right_logical3A_67, %add3A_458 : vector<16xi32>
        %gather3A_460 = arith.constant 1 : i32
        %gather3A_461 = arith.constant 0 : i32
        %gather3A_462 = arith.constant 0 : i32
        %gather3A_463 = tpu.memref_slice %arg7[%gather3A_460, %gather3A_461, %gather3A_462] : memref<2x32x128xf32, #tpu.memory_space<vmem>> -> memref<1x32x128xf32, #tpu.memory_space<vmem>>
        %gather3A_464 = tpu.memref_squeeze %gather3A_463 : memref<1x32x128xf32, #tpu.memory_space<vmem>> -> memref<32x128xf32, #tpu.memory_space<vmem>>
        %gather3A_465 = tpu.vector_load_idx %gather3A_464[%and3A_70, %add3A_459] : memref<32x128xf32, #tpu.memory_space<vmem>>[vector<16xi32>, vector<16xi32>], vector<16xf32>,
        %swap3A = arith.constant 1 : i32
        %swap3A_466 = arith.index_cast %swap3A : i32 to index
        %swap3A_467 = arith.index_cast %scan3A_336 : i32 to index
        %swap3A_468 = arith.constant 0 : index
        %swap3A_469 = tpu.vector_load %arg8[%swap3A_466, %swap3A_467, %swap3A_468] {strides = array<i32>} : memref<2x32x128xf32, #tpu.memory_space<vmem>>, vector<16xf32>,
        tpu.vector_store %arg8[%swap3A_466, %swap3A_467, %swap3A_468], %gather3A_345 {strides = array<i32>} : memref<2x32x128xf32, #tpu.memory_space<vmem>>, vector<16xf32>,
        %swap3A_470 = arith.constant 1 : i32
        %swap3A_471 = arith.index_cast %swap3A_470 : i32 to index
        %swap3A_472 = arith.index_cast %scan3A_336 : i32 to index
        %swap3A_473 = arith.constant 0 : index
        %swap3A_474 = tpu.vector_load %arg9[%swap3A_471, %swap3A_472, %swap3A_473] {strides = array<i32>} : memref<2x32x128xf32, #tpu.memory_space<vmem>>, vector<16xf32>,
        tpu.vector_store %arg9[%swap3A_471, %swap3A_472, %swap3A_473], %gather3A_353 {strides = array<i32>} : memref<2x32x128xf32, #tpu.memory_space<vmem>>, vector<16xf32>,
        %swap3A_475 = arith.constant 1 : i32
        %swap3A_476 = arith.index_cast %swap3A_475 : i32 to index
        %swap3A_477 = arith.index_cast %scan3A_336 : i32 to index
        %swap3A_478 = arith.constant 16 : index
        %swap3A_479 = tpu.vector_load %arg8[%swap3A_476, %swap3A_477, %swap3A_478] {strides = array<i32>} : memref<2x32x128xf32, #tpu.memory_space<vmem>>, vector<16xf32>,
        tpu.vector_store %arg8[%swap3A_476, %swap3A_477, %swap3A_478], %gather3A_361 {strides = array<i32>} : memref<2x32x128xf32, #tpu.memory_space<vmem>>, vector<16xf32>,
        %swap3A_480 = arith.constant 1 : i32
        %swap3A_481 = arith.index_cast %swap3A_480 : i32 to index
        %swap3A_482 = arith.index_cast %scan3A_336 : i32 to index
        %swap3A_483 = arith.constant 16 : index
        %swap3A_484 = tpu.vector_load %arg9[%swap3A_481, %swap3A_482, %swap3A_483] {strides = array<i32>} : memref<2x32x128xf32, #tpu.memory_space<vmem>>, vector<16xf32>,
        tpu.vector_store %arg9[%swap3A_481, %swap3A_482, %swap3A_483], %gather3A_369 {strides = array<i32>} : memref<2x32x128xf32, #tpu.memory_space<vmem>>, vector<16xf32>,
        %swap3A_485 = arith.constant 1 : i32
        %swap3A_486 = arith.index_cast %swap3A_485 : i32 to index
        %swap3A_487 = arith.index_cast %scan3A_336 : i32 to index
        %swap3A_488 = arith.constant 32 : index
        %swap3A_489 = tpu.vector_load %arg8[%swap3A_486, %swap3A_487, %swap3A_488] {strides = array<i32>} : memref<2x32x128xf32, #tpu.memory_space<vmem>>, vector<16xf32>,
        tpu.vector_store %arg8[%swap3A_486, %swap3A_487, %swap3A_488], %gather3A_377 {strides = array<i32>} : memref<2x32x128xf32, #tpu.memory_space<vmem>>, vector<16xf32>,
        %swap3A_490 = arith.constant 1 : i32
        %swap3A_491 = arith.index_cast %swap3A_490 : i32 to index
        %swap3A_492 = arith.index_cast %scan3A_336 : i32 to index
        %swap3A_493 = arith.constant 32 : index
        %swap3A_494 = tpu.vector_load %arg9[%swap3A_491, %swap3A_492, %swap3A_493] {strides = array<i32>} : memref<2x32x128xf32, #tpu.memory_space<vmem>>, vector<16xf32>,
        tpu.vector_store %arg9[%swap3A_491, %swap3A_492, %swap3A_493], %gather3A_385 {strides = array<i32>} : memref<2x32x128xf32, #tpu.memory_space<vmem>>, vector<16xf32>,
        %swap3A_495 = arith.constant 1 : i32
        %swap3A_496 = arith.index_cast %swap3A_495 : i32 to index
        %swap3A_497 = arith.index_cast %scan3A_336 : i32 to index
        %swap3A_498 = arith.constant 48 : index
        %swap3A_499 = tpu.vector_load %arg8[%swap3A_496, %swap3A_497, %swap3A_498] {strides = array<i32>} : memref<2x32x128xf32, #tpu.memory_space<vmem>>, vector<16xf32>,
        tpu.vector_store %arg8[%swap3A_496, %swap3A_497, %swap3A_498], %gather3A_393 {strides = array<i32>} : memref<2x32x128xf32, #tpu.memory_space<vmem>>, vector<16xf32>,
        %swap3A_500 = arith.constant 1 : i32
        %swap3A_501 = arith.index_cast %swap3A_500 : i32 to index
        %swap3A_502 = arith.index_cast %scan3A_336 : i32 to index
        %swap3A_503 = arith.constant 48 : index
        %swap3A_504 = tpu.vector_load %arg9[%swap3A_501, %swap3A_502, %swap3A_503] {strides = array<i32>} : memref<2x32x128xf32, #tpu.memory_space<vmem>>, vector<16xf32>,
        tpu.vector_store %arg9[%swap3A_501, %swap3A_502, %swap3A_503], %gather3A_401 {strides = array<i32>} : memref<2x32x128xf32, #tpu.memory_space<vmem>>, vector<16xf32>,
        %swap3A_505 = arith.constant 1 : i32
        %swap3A_506 = arith.index_cast %swap3A_505 : i32 to index
        %swap3A_507 = arith.index_cast %scan3A_336 : i32 to index
        %swap3A_508 = arith.constant 64 : index
        %swap3A_509 = tpu.vector_load %arg8[%swap3A_506, %swap3A_507, %swap3A_508] {strides = array<i32>} : memref<2x32x128xf32, #tpu.memory_space<vmem>>, vector<16xf32>,
        tpu.vector_store %arg8[%swap3A_506, %swap3A_507, %swap3A_508], %gather3A_409 {strides = array<i32>} : memref<2x32x128xf32, #tpu.memory_space<vmem>>, vector<16xf32>,
        %swap3A_510 = arith.constant 1 : i32
        %swap3A_511 = arith.index_cast %swap3A_510 : i32 to index
        %swap3A_512 = arith.index_cast %scan3A_336 : i32 to index
        %swap3A_513 = arith.constant 64 : index
        %swap3A_514 = tpu.vector_load %arg9[%swap3A_511, %swap3A_512, %swap3A_513] {strides = array<i32>} : memref<2x32x128xf32, #tpu.memory_space<vmem>>, vector<16xf32>,
        tpu.vector_store %arg9[%swap3A_511, %swap3A_512, %swap3A_513], %gather3A_417 {strides = array<i32>} : memref<2x32x128xf32, #tpu.memory_space<vmem>>, vector<16xf32>,
        %swap3A_515 = arith.constant 1 : i32
        %swap3A_516 = arith.index_cast %swap3A_515 : i32 to index
        %swap3A_517 = arith.index_cast %scan3A_336 : i32 to index
        %swap3A_518 = arith.constant 80 : index
        %swap3A_519 = tpu.vector_load %arg8[%swap3A_516, %swap3A_517, %swap3A_518] {strides = array<i32>} : memref<2x32x128xf32, #tpu.memory_space<vmem>>, vector<16xf32>,
        tpu.vector_store %arg8[%swap3A_516, %swap3A_517, %swap3A_518], %gather3A_425 {strides = array<i32>} : memref<2x32x128xf32, #tpu.memory_space<vmem>>, vector<16xf32>,
        %swap3A_520 = arith.constant 1 : i32
        %swap3A_521 = arith.index_cast %swap3A_520 : i32 to index
        %swap3A_522 = arith.index_cast %scan3A_336 : i32 to index
        %swap3A_523 = arith.constant 80 : index
        %swap3A_524 = tpu.vector_load %arg9[%swap3A_521, %swap3A_522, %swap3A_523] {strides = array<i32>} : memref<2x32x128xf32, #tpu.memory_space<vmem>>, vector<16xf32>,
        tpu.vector_store %arg9[%swap3A_521, %swap3A_522, %swap3A_523], %gather3A_433 {strides = array<i32>} : memref<2x32x128xf32, #tpu.memory_space<vmem>>, vector<16xf32>,
        %swap3A_525 = arith.constant 1 : i32
        %swap3A_526 = arith.index_cast %swap3A_525 : i32 to index
        %swap3A_527 = arith.index_cast %scan3A_336 : i32 to index
        %swap3A_528 = arith.constant 96 : index
        %swap3A_529 = tpu.vector_load %arg8[%swap3A_526, %swap3A_527, %swap3A_528] {strides = array<i32>} : memref<2x32x128xf32, #tpu.memory_space<vmem>>, vector<16xf32>,
        tpu.vector_store %arg8[%swap3A_526, %swap3A_527, %swap3A_528], %gather3A_441 {strides = array<i32>} : memref<2x32x128xf32, #tpu.memory_space<vmem>>, vector<16xf32>,
        %swap3A_530 = arith.constant 1 : i32
        %swap3A_531 = arith.index_cast %swap3A_530 : i32 to index
        %swap3A_532 = arith.index_cast %scan3A_336 : i32 to index
        %swap3A_533 = arith.constant 96 : index
        %swap3A_534 = tpu.vector_load %arg9[%swap3A_531, %swap3A_532, %swap3A_533] {strides = array<i32>} : memref<2x32x128xf32, #tpu.memory_space<vmem>>, vector<16xf32>,
        tpu.vector_store %arg9[%swap3A_531, %swap3A_532, %swap3A_533], %gather3A_449 {strides = array<i32>} : memref<2x32x128xf32, #tpu.memory_space<vmem>>, vector<16xf32>,
        %swap3A_535 = arith.constant 1 : i32
        %swap3A_536 = arith.index_cast %swap3A_535 : i32 to index
        %swap3A_537 = arith.index_cast %scan3A_336 : i32 to index
        %swap3A_538 = arith.constant 112 : index
        %swap3A_539 = tpu.vector_load %arg8[%swap3A_536, %swap3A_537, %swap3A_538] {strides = array<i32>} : memref<2x32x128xf32, #tpu.memory_space<vmem>>, vector<16xf32>,
        tpu.vector_store %arg8[%swap3A_536, %swap3A_537, %swap3A_538], %gather3A_457 {strides = array<i32>} : memref<2x32x128xf32, #tpu.memory_space<vmem>>, vector<16xf32>,
        %swap3A_540 = arith.constant 1 : i32
        %swap3A_541 = arith.index_cast %swap3A_540 : i32 to index
        %swap3A_542 = arith.index_cast %scan3A_336 : i32 to index
        %swap3A_543 = arith.constant 112 : index
        %swap3A_544 = tpu.vector_load %arg9[%swap3A_541, %swap3A_542, %swap3A_543] {strides = array<i32>} : memref<2x32x128xf32, #tpu.memory_space<vmem>>, vector<16xf32>,
        tpu.vector_store %arg9[%swap3A_541, %swap3A_542, %swap3A_543], %gather3A_465 {strides = array<i32>} : memref<2x32x128xf32, #tpu.memory_space<vmem>>, vector<16xf32>,
      }
      %scan3A_302 = arith.constant 32 : i32
      %mul3A_303 = arith.constant 32 : i32
      %mul3A_304 = arith.muli %mul3A_303, %add3A_176 : i32
      %add3A_305 = arith.addi %add3A, %mul3A_304 : i32
      %mul3A_306 = arith.constant 32 : i32
      %mul3A_307 = arith.muli %mul3A_306, %add3A_305 : i32
      %dma_start3A_308 = arith.constant 1 : i32
      %dma_start3A_309 = arith.constant 0 : i32
      %dma_start3A_310 = arith.constant 0 : i32
      %dma_start3A_311 = tpu.memref_slice %arg8[%dma_start3A_308, %dma_start3A_309, %dma_start3A_310] : memref<2x32x128xf32, #tpu.memory_space<vmem>> -> memref<1x32x128xf32, #tpu.memory_space<vmem>>
      %dma_start3A_312 = tpu.memref_squeeze %dma_start3A_311 : memref<1x32x128xf32, #tpu.memory_space<vmem>> -> memref<32x128xf32, #tpu.memory_space<vmem>>
      %dma_start3A_313 = arith.constant 0 : i32
      %dma_start3A_314 = tpu.memref_slice %arg4[%mul3A_307, %dma_start3A_313] : memref<250016x128xf32, #tpu.memory_space<hbm>> -> memref<32x128xf32, #tpu.memory_space<hbm>>
      %dma_start3A_315 = arith.constant 0 : i32
      %dma_start3A_316 = tpu.memref_slice %arg4[%mul3A_307, %dma_start3A_315] : memref<250016x128xf32, #tpu.memory_space<hbm>> -> memref<32x128xf32, #tpu.memory_space<hbm>>
      %dma_start3A_317 = arith.constant 0 : i32
      %dma_start3A_318 = arith.constant 0 : i32
      %dma_start3A_319 = tpu.memref_slice %arg8[%dma_start3A_308, %dma_start3A_317, %dma_start3A_318] : memref<2x32x128xf32, #tpu.memory_space<vmem>> -> memref<1x32x128xf32, #tpu.memory_space<vmem>>
      %dma_start3A_320 = tpu.memref_squeeze %dma_start3A_319 : memref<1x32x128xf32, #tpu.memory_space<vmem>> -> memref<32x128xf32, #tpu.memory_space<vmem>>
      tpu.enqueue_dma source(%dma_start3A_320 : memref<32x128xf32, #tpu.memory_space<vmem>>) target(%dma_start3A_316 : memref<32x128xf32, #tpu.memory_space<hbm>>) target_semaphore(%arg11 : memref<!tpu.dma_semaphore, #tpu.memory_space<semaphore_mem>>)
      %mul3A_321 = arith.constant 32 : i32
      %mul3A_322 = arith.muli %mul3A_321, %add3A_305 : i32
      %dma_start3A_323 = arith.constant 1 : i32
      %dma_start3A_324 = arith.constant 0 : i32
      %dma_start3A_325 = arith.constant 0 : i32
      %dma_start3A_326 = tpu.memref_slice %arg9[%dma_start3A_323, %dma_start3A_324, %dma_start3A_325] : memref<2x32x128xf32, #tpu.memory_space<vmem>> -> memref<1x32x128xf32, #tpu.memory_space<vmem>>
      %dma_start3A_327 = tpu.memref_squeeze %dma_start3A_326 : memref<1x32x128xf32, #tpu.memory_space<vmem>> -> memref<32x128xf32, #tpu.memory_space<vmem>>
      %dma_start3A_328 = arith.constant 0 : i32
      %dma_start3A_329 = tpu.memref_slice %arg5[%mul3A_322, %dma_start3A_328] : memref<250016x128xf32, #tpu.memory_space<hbm>> -> memref<32x128xf32, #tpu.memory_space<hbm>>
      %dma_start3A_330 = arith.constant 0 : i32
      %dma_start3A_331 = tpu.memref_slice %arg5[%mul3A_322, %dma_start3A_330] : memref<250016x128xf32, #tpu.memory_space<hbm>> -> memref<32x128xf32, #tpu.memory_space<hbm>>
      %dma_start3A_332 = arith.constant 0 : i32
      %dma_start3A_333 = arith.constant 0 : i32
      %dma_start3A_334 = tpu.memref_slice %arg9[%dma_start3A_323, %dma_start3A_332, %dma_start3A_333] : memref<2x32x128xf32, #tpu.memory_space<vmem>> -> memref<1x32x128xf32, #tpu.memory_space<vmem>>
      %dma_start3A_335 = tpu.memref_squeeze %dma_start3A_334 : memref<1x32x128xf32, #tpu.memory_space<vmem>> -> memref<32x128xf32, #tpu.memory_space<vmem>>
      tpu.enqueue_dma source(%dma_start3A_335 : memref<32x128xf32, #tpu.memory_space<vmem>>) target(%dma_start3A_331 : memref<32x128xf32, #tpu.memory_space<hbm>>) target_semaphore(%arg11 : memref<!tpu.dma_semaphore, #tpu.memory_space<semaphore_mem>>)
    }
    %scan3A_104 = arith.constant 122 : i32
    %add3A_105 = arith.constant 7744 : i32
    %add3A_106 = arith.addi %add3A, %add3A_105 : i32
    %mul3A_107 = arith.constant 32 : i32
    %mul3A_108 = arith.muli %mul3A_107, %add3A_106 : i32
    %dma_wait3A = arith.constant 0 : i32
    %dma_wait3A_109 = arith.constant 0 : i32
    %dma_wait3A_110 = arith.constant 0 : i32
    %dma_wait3A_111 = tpu.memref_slice %arg8[%dma_wait3A, %dma_wait3A_109, %dma_wait3A_110] : memref<2x32x128xf32, #tpu.memory_space<vmem>> -> memref<1x32x128xf32, #tpu.memory_space<vmem>>
    %dma_wait3A_112 = tpu.memref_squeeze %dma_wait3A_111 : memref<1x32x128xf32, #tpu.memory_space<vmem>> -> memref<32x128xf32, #tpu.memory_space<vmem>>
    %dma_wait3A_113 = arith.constant 0 : i32
    %dma_wait3A_114 = tpu.memref_slice %arg4[%mul3A_108, %dma_wait3A_113] : memref<250016x128xf32, #tpu.memory_space<hbm>> -> memref<32x128xf32, #tpu.memory_space<hbm>>
    %dma_wait3A_115 = arith.constant 0 : i32
    %dma_wait3A_116 = tpu.memref_slice %arg4[%mul3A_108, %dma_wait3A_115] : memref<250016x128xf32, #tpu.memory_space<hbm>> -> memref<32x128xf32, #tpu.memory_space<hbm>>
    %dma_wait3A_117 = arith.constant 0 : i32
    %dma_wait3A_118 = arith.constant 0 : i32
    %dma_wait3A_119 = tpu.memref_slice %arg8[%dma_wait3A, %dma_wait3A_117, %dma_wait3A_118] : memref<2x32x128xf32, #tpu.memory_space<vmem>> -> memref<1x32x128xf32, #tpu.memory_space<vmem>>
    %dma_wait3A_120 = tpu.memref_squeeze %dma_wait3A_119 : memref<1x32x128xf32, #tpu.memory_space<vmem>> -> memref<32x128xf32, #tpu.memory_space<vmem>>
    tpu.wait_dma2 semaphore(%arg11 : memref<!tpu.dma_semaphore, #tpu.memory_space<semaphore_mem>>) src(%dma_wait3A_120 : memref<32x128xf32, #tpu.memory_space<vmem>>) dst(%dma_wait3A_116 : memref<32x128xf32, #tpu.memory_space<hbm>>)
    %mul3A_121 = arith.constant 32 : i32
    %mul3A_122 = arith.muli %mul3A_121, %add3A_106 : i32
    %dma_wait3A_123 = arith.constant 0 : i32
    %dma_wait3A_124 = arith.constant 0 : i32
    %dma_wait3A_125 = arith.constant 0 : i32
    %dma_wait3A_126 = tpu.memref_slice %arg9[%dma_wait3A_123, %dma_wait3A_124, %dma_wait3A_125] : memref<2x32x128xf32, #tpu.memory_space<vmem>> -> memref<1x32x128xf32, #tpu.memory_space<vmem>>
    %dma_wait3A_127 = tpu.memref_squeeze %dma_wait3A_126 : memref<1x32x128xf32, #tpu.memory_space<vmem>> -> memref<32x128xf32, #tpu.memory_space<vmem>>
    %dma_wait3A_128 = arith.constant 0 : i32
    %dma_wait3A_129 = tpu.memref_slice %arg5[%mul3A_122, %dma_wait3A_128] : memref<250016x128xf32, #tpu.memory_space<hbm>> -> memref<32x128xf32, #tpu.memory_space<hbm>>
    %dma_wait3A_130 = arith.constant 0 : i32
    %dma_wait3A_131 = tpu.memref_slice %arg5[%mul3A_122, %dma_wait3A_130] : memref<250016x128xf32, #tpu.memory_space<hbm>> -> memref<32x128xf32, #tpu.memory_space<hbm>>
    %dma_wait3A_132 = arith.constant 0 : i32
    %dma_wait3A_133 = arith.constant 0 : i32
    %dma_wait3A_134 = tpu.memref_slice %arg9[%dma_wait3A_123, %dma_wait3A_132, %dma_wait3A_133] : memref<2x32x128xf32, #tpu.memory_space<vmem>> -> memref<1x32x128xf32, #tpu.memory_space<vmem>>
    %dma_wait3A_135 = tpu.memref_squeeze %dma_wait3A_134 : memref<1x32x128xf32, #tpu.memory_space<vmem>> -> memref<32x128xf32, #tpu.memory_space<vmem>>
    tpu.wait_dma2 semaphore(%arg11 : memref<!tpu.dma_semaphore, #tpu.memory_space<semaphore_mem>>) src(%dma_wait3A_135 : memref<32x128xf32, #tpu.memory_space<vmem>>) dst(%dma_wait3A_131 : memref<32x128xf32, #tpu.memory_space<hbm>>)
    %add3A_136 = arith.constant 7776 : i32
    %add3A_137 = arith.addi %add3A, %add3A_136 : i32
    %mul3A_138 = arith.constant 32 : i32
    %mul3A_139 = arith.muli %mul3A_138, %add3A_137 : i32
    %dma_wait3A_140 = arith.constant 1 : i32
    %dma_wait3A_141 = arith.constant 0 : i32
    %dma_wait3A_142 = arith.constant 0 : i32
    %dma_wait3A_143 = tpu.memref_slice %arg8[%dma_wait3A_140, %dma_wait3A_141, %dma_wait3A_142] : memref<2x32x128xf32, #tpu.memory_space<vmem>> -> memref<1x32x128xf32, #tpu.memory_space<vmem>>
    %dma_wait3A_144 = tpu.memref_squeeze %dma_wait3A_143 : memref<1x32x128xf32, #tpu.memory_space<vmem>> -> memref<32x128xf32, #tpu.memory_space<vmem>>
    %dma_wait3A_145 = arith.constant 0 : i32
    %dma_wait3A_146 = tpu.memref_slice %arg4[%mul3A_139, %dma_wait3A_145] : memref<250016x128xf32, #tpu.memory_space<hbm>> -> memref<32x128xf32, #tpu.memory_space<hbm>>
    %dma_wait3A_147 = arith.constant 0 : i32
    %dma_wait3A_148 = tpu.memref_slice %arg4[%mul3A_139, %dma_wait3A_147] : memref<250016x128xf32, #tpu.memory_space<hbm>> -> memref<32x128xf32, #tpu.memory_space<hbm>>
    %dma_wait3A_149 = arith.constant 0 : i32
    %dma_wait3A_150 = arith.constant 0 : i32
    %dma_wait3A_151 = tpu.memref_slice %arg8[%dma_wait3A_140, %dma_wait3A_149, %dma_wait3A_150] : memref<2x32x128xf32, #tpu.memory_space<vmem>> -> memref<1x32x128xf32, #tpu.memory_space<vmem>>
    %dma_wait3A_152 = tpu.memref_squeeze %dma_wait3A_151 : memref<1x32x128xf32, #tpu.memory_space<vmem>> -> memref<32x128xf32, #tpu.memory_space<vmem>>
    tpu.wait_dma2 semaphore(%arg11 : memref<!tpu.dma_semaphore, #tpu.memory_space<semaphore_mem>>) src(%dma_wait3A_152 : memref<32x128xf32, #tpu.memory_space<vmem>>) dst(%dma_wait3A_148 : memref<32x128xf32, #tpu.memory_space<hbm>>)
    %mul3A_153 = arith.constant 32 : i32
    %mul3A_154 = arith.muli %mul3A_153, %add3A_137 : i32
    %dma_wait3A_155 = arith.constant 1 : i32
    %dma_wait3A_156 = arith.constant 0 : i32
    %dma_wait3A_157 = arith.constant 0 : i32
    %dma_wait3A_158 = tpu.memref_slice %arg9[%dma_wait3A_155, %dma_wait3A_156, %dma_wait3A_157] : memref<2x32x128xf32, #tpu.memory_space<vmem>> -> memref<1x32x128xf32, #tpu.memory_space<vmem>>
    %dma_wait3A_159 = tpu.memref_squeeze %dma_wait3A_158 : memref<1x32x128xf32, #tpu.memory_space<vmem>> -> memref<32x128xf32, #tpu.memory_space<vmem>>
    %dma_wait3A_160 = arith.constant 0 : i32
    %dma_wait3A_161 = tpu.memref_slice %arg5[%mul3A_154, %dma_wait3A_160] : memref<250016x128xf32, #tpu.memory_space<hbm>> -> memref<32x128xf32, #tpu.memory_space<hbm>>
    %dma_wait3A_162 = arith.constant 0 : i32
    %dma_wait3A_163 = tpu.memref_slice %arg5[%mul3A_154, %dma_wait3A_162] : memref<250016x128xf32, #tpu.memory_space<hbm>> -> memref<32x128xf32, #tpu.memory_space<hbm>>
    %dma_wait3A_164 = arith.constant 0 : i32
    %dma_wait3A_165 = arith.constant 0 : i32
    %dma_wait3A_166 = tpu.memref_slice %arg9[%dma_wait3A_155, %dma_wait3A_164, %dma_wait3A_165] : memref<2x32x128xf32, #tpu.memory_space<vmem>> -> memref<1x32x128xf32, #tpu.memory_space<vmem>>
    %dma_wait3A_167 = tpu.memref_squeeze %dma_wait3A_166 : memref<1x32x128xf32, #tpu.memory_space<vmem>> -> memref<32x128xf32, #tpu.memory_space<vmem>>
    tpu.wait_dma2 semaphore(%arg11 : memref<!tpu.dma_semaphore, #tpu.memory_space<semaphore_mem>>) src(%dma_wait3A_167 : memref<32x128xf32, #tpu.memory_space<vmem>>) dst(%dma_wait3A_163 : memref<32x128xf32, #tpu.memory_space<hbm>>)
    %lt3A = arith.constant 5 : i32
    %lt3A_168 = arith.cmpi slt, %add3A, %lt3A : i32
    %convert_element_type3A = arith.extui %lt3A_168 : i1 to i32
    %cond3A = arith.constant 0 : i32
    %cond3A_169 = arith.cmpi ne, %convert_element_type3A, %cond3A : i32
    scf.if %cond3A_169 {
      %add3A_170 = arith.constant 7808 : i32
      %add3A_171 = arith.addi %add3A_170, %add3A : i32
      %mul3A_172 = arith.constant 128 : i32
      %mul3A_173 = arith.muli %mul3A_172, %add3A_171 : i32
      %run_scoped3A = arith.constant 0 : i32
      "tpu.region"() ({
        %run_scoped3A_189 = tpu.sem_alloc : memref<!tpu.dma_semaphore, #tpu.memory_space<semaphore_mem>>
        %dma_start3A_190 = arith.constant 0 : i32
        %dma_start3A_191 = arith.constant 0 : i32
        %dma_start3A_192 = tpu.memref_slice %arg6[%run_scoped3A, %dma_start3A_190, %dma_start3A_191] : memref<2x32x128xf32, #tpu.memory_space<vmem>> -> memref<1x32x128xf32, #tpu.memory_space<vmem>>
        %dma_start3A_193 = tpu.memref_squeeze %dma_start3A_192 : memref<1x32x128xf32, #tpu.memory_space<vmem>> -> memref<32x128xf32, #tpu.memory_space<vmem>>
        %dma_start3A_194 = arith.constant 0 : i32
        %dma_start3A_195 = tpu.memref_slice %arg2[%dma_start3A_194, %mul3A_173] : memref<32x1000000xf32, #tpu.memory_space<hbm>> -> memref<32x128xf32, #tpu.memory_space<hbm>>
        %dma_start3A_196 = arith.constant 0 : i32
        %dma_start3A_197 = arith.constant 0 : i32
        %dma_start3A_198 = tpu.memref_slice %arg6[%run_scoped3A, %dma_start3A_196, %dma_start3A_197] : memref<2x32x128xf32, #tpu.memory_space<vmem>> -> memref<1x32x128xf32, #tpu.memory_space<vmem>>
        %dma_start3A_199 = tpu.memref_squeeze %dma_start3A_198 : memref<1x32x128xf32, #tpu.memory_space<vmem>> -> memref<32x128xf32, #tpu.memory_space<vmem>>
        %dma_start3A_200 = arith.constant 0 : i32
        %dma_start3A_201 = tpu.memref_slice %arg2[%dma_start3A_200, %mul3A_173] : memref<32x1000000xf32, #tpu.memory_space<hbm>> -> memref<32x128xf32, #tpu.memory_space<hbm>>
        tpu.enqueue_dma source(%dma_start3A_201 : memref<32x128xf32, #tpu.memory_space<hbm>>) target(%dma_start3A_199 : memref<32x128xf32, #tpu.memory_space<vmem>>) target_semaphore(%run_scoped3A_189 : memref<!tpu.dma_semaphore, #tpu.memory_space<semaphore_mem>>)
        %dma_wait3A_202 = arith.constant 0 : i32
        %dma_wait3A_203 = arith.constant 0 : i32
        %dma_wait3A_204 = tpu.memref_slice %arg6[%run_scoped3A, %dma_wait3A_202, %dma_wait3A_203] : memref<2x32x128xf32, #tpu.memory_space<vmem>> -> memref<1x32x128xf32, #tpu.memory_space<vmem>>
        %dma_wait3A_205 = tpu.memref_squeeze %dma_wait3A_204 : memref<1x32x128xf32, #tpu.memory_space<vmem>> -> memref<32x128xf32, #tpu.memory_space<vmem>>
        %dma_wait3A_206 = arith.constant 0 : i32
        %dma_wait3A_207 = tpu.memref_slice %arg2[%dma_wait3A_206, %mul3A_173] : memref<32x1000000xf32, #tpu.memory_space<hbm>> -> memref<32x128xf32, #tpu.memory_space<hbm>>
        %dma_wait3A_208 = arith.constant 0 : i32
        %dma_wait3A_209 = arith.constant 0 : i32
        %dma_wait3A_210 = tpu.memref_slice %arg6[%run_scoped3A, %dma_wait3A_208, %dma_wait3A_209] : memref<2x32x128xf32, #tpu.memory_space<vmem>> -> memref<1x32x128xf32, #tpu.memory_space<vmem>>
        %dma_wait3A_211 = tpu.memref_squeeze %dma_wait3A_210 : memref<1x32x128xf32, #tpu.memory_space<vmem>> -> memref<32x128xf32, #tpu.memory_space<vmem>>
        %dma_wait3A_212 = arith.constant 0 : i32
        %dma_wait3A_213 = tpu.memref_slice %arg2[%dma_wait3A_212, %mul3A_173] : memref<32x1000000xf32, #tpu.memory_space<hbm>> -> memref<32x128xf32, #tpu.memory_space<hbm>>
        tpu.wait_dma2 semaphore(%run_scoped3A_189 : memref<!tpu.dma_semaphore, #tpu.memory_space<semaphore_mem>>) src(%dma_wait3A_213 : memref<32x128xf32, #tpu.memory_space<hbm>>) dst(%dma_wait3A_211 : memref<32x128xf32, #tpu.memory_space<vmem>>)
        tpu.yield
      }) : () -> ()
      %mul3A_174 = arith.constant 128 : i32
      %mul3A_175 = arith.muli %mul3A_174, %add3A_171 : i32
      %run_scoped3A_176 = arith.constant 0 : i32
      "tpu.region"() ({
        %run_scoped3A_189 = tpu.sem_alloc : memref<!tpu.dma_semaphore, #tpu.memory_space<semaphore_mem>>
        %dma_start3A_190 = arith.constant 0 : i32
        %dma_start3A_191 = arith.constant 0 : i32
        %dma_start3A_192 = tpu.memref_slice %arg7[%run_scoped3A_176, %dma_start3A_190, %dma_start3A_191] : memref<2x32x128xf32, #tpu.memory_space<vmem>> -> memref<1x32x128xf32, #tpu.memory_space<vmem>>
        %dma_start3A_193 = tpu.memref_squeeze %dma_start3A_192 : memref<1x32x128xf32, #tpu.memory_space<vmem>> -> memref<32x128xf32, #tpu.memory_space<vmem>>
        %dma_start3A_194 = arith.constant 0 : i32
        %dma_start3A_195 = tpu.memref_slice %arg3[%dma_start3A_194, %mul3A_175] : memref<32x1000000xf32, #tpu.memory_space<hbm>> -> memref<32x128xf32, #tpu.memory_space<hbm>>
        %dma_start3A_196 = arith.constant 0 : i32
        %dma_start3A_197 = arith.constant 0 : i32
        %dma_start3A_198 = tpu.memref_slice %arg7[%run_scoped3A_176, %dma_start3A_196, %dma_start3A_197] : memref<2x32x128xf32, #tpu.memory_space<vmem>> -> memref<1x32x128xf32, #tpu.memory_space<vmem>>
        %dma_start3A_199 = tpu.memref_squeeze %dma_start3A_198 : memref<1x32x128xf32, #tpu.memory_space<vmem>> -> memref<32x128xf32, #tpu.memory_space<vmem>>
        %dma_start3A_200 = arith.constant 0 : i32
        %dma_start3A_201 = tpu.memref_slice %arg3[%dma_start3A_200, %mul3A_175] : memref<32x1000000xf32, #tpu.memory_space<hbm>> -> memref<32x128xf32, #tpu.memory_space<hbm>>
        tpu.enqueue_dma source(%dma_start3A_201 : memref<32x128xf32, #tpu.memory_space<hbm>>) target(%dma_start3A_199 : memref<32x128xf32, #tpu.memory_space<vmem>>) target_semaphore(%run_scoped3A_189 : memref<!tpu.dma_semaphore, #tpu.memory_space<semaphore_mem>>)
        %dma_wait3A_202 = arith.constant 0 : i32
        %dma_wait3A_203 = arith.constant 0 : i32
        %dma_wait3A_204 = tpu.memref_slice %arg7[%run_scoped3A_176, %dma_wait3A_202, %dma_wait3A_203] : memref<2x32x128xf32, #tpu.memory_space<vmem>> -> memref<1x32x128xf32, #tpu.memory_space<vmem>>
        %dma_wait3A_205 = tpu.memref_squeeze %dma_wait3A_204 : memref<1x32x128xf32, #tpu.memory_space<vmem>> -> memref<32x128xf32, #tpu.memory_space<vmem>>
        %dma_wait3A_206 = arith.constant 0 : i32
        %dma_wait3A_207 = tpu.memref_slice %arg3[%dma_wait3A_206, %mul3A_175] : memref<32x1000000xf32, #tpu.memory_space<hbm>> -> memref<32x128xf32, #tpu.memory_space<hbm>>
        %dma_wait3A_208 = arith.constant 0 : i32
        %dma_wait3A_209 = arith.constant 0 : i32
        %dma_wait3A_210 = tpu.memref_slice %arg7[%run_scoped3A_176, %dma_wait3A_208, %dma_wait3A_209] : memref<2x32x128xf32, #tpu.memory_space<vmem>> -> memref<1x32x128xf32, #tpu.memory_space<vmem>>
        %dma_wait3A_211 = tpu.memref_squeeze %dma_wait3A_210 : memref<1x32x128xf32, #tpu.memory_space<vmem>> -> memref<32x128xf32, #tpu.memory_space<vmem>>
        %dma_wait3A_212 = arith.constant 0 : i32
        %dma_wait3A_213 = tpu.memref_slice %arg3[%dma_wait3A_212, %mul3A_175] : memref<32x1000000xf32, #tpu.memory_space<hbm>> -> memref<32x128xf32, #tpu.memory_space<hbm>>
        tpu.wait_dma2 semaphore(%run_scoped3A_189 : memref<!tpu.dma_semaphore, #tpu.memory_space<semaphore_mem>>) src(%dma_wait3A_213 : memref<32x128xf32, #tpu.memory_space<hbm>>) dst(%dma_wait3A_211 : memref<32x128xf32, #tpu.memory_space<vmem>>)
        tpu.yield
      }) : () -> ()
      %scan3A_177 = arith.constant 0 : i32
      %scan3A_178 = arith.constant 0 : i32
      %scan3A_179 = arith.constant 32 : i32
      %scan3A_180 = arith.addi %scan3A_178, %scan3A_179 : i32
      %scan3A_181 = arith.constant 1 : i32
      scf.for %scan3A_189 = %scan3A_178 to %scan3A_180 step %scan3A_181  : i32 {
        %mul3A_190 = arith.constant 4 : i32
        %mul3A_191 = arith.muli %mul3A_190, %scan3A_189 : i32
        %add3A_192 = vector.broadcast %mul3A_191 : i32 to vector<16xi32>
        %add3A_193 = arith.addi %shift_right_logical3A_5, %add3A_192 : vector<16xi32>
        %gather3A = arith.constant 0 : i32
        %gather3A_194 = arith.constant 0 : i32
        %gather3A_195 = arith.constant 0 : i32
        %gather3A_196 = tpu.memref_slice %arg6[%gather3A, %gather3A_194, %gather3A_195] : memref<2x32x128xf32, #tpu.memory_space<vmem>> -> memref<1x32x128xf32, #tpu.memory_space<vmem>>
        %gather3A_197 = tpu.memref_squeeze %gather3A_196 : memref<1x32x128xf32, #tpu.memory_space<vmem>> -> memref<32x128xf32, #tpu.memory_space<vmem>>
        %gather3A_198 = tpu.vector_load_idx %gather3A_197[%and3A_7, %add3A_193] : memref<32x128xf32, #tpu.memory_space<vmem>>[vector<16xi32>, vector<16xi32>], vector<16xf32>,
        %add3A_199 = vector.broadcast %mul3A_191 : i32 to vector<16xi32>
        %add3A_200 = arith.addi %shift_right_logical3A_5, %add3A_199 : vector<16xi32>
        %gather3A_201 = arith.constant 0 : i32
        %gather3A_202 = arith.constant 0 : i32
        %gather3A_203 = arith.constant 0 : i32
        %gather3A_204 = tpu.memref_slice %arg7[%gather3A_201, %gather3A_202, %gather3A_203] : memref<2x32x128xf32, #tpu.memory_space<vmem>> -> memref<1x32x128xf32, #tpu.memory_space<vmem>>
        %gather3A_205 = tpu.memref_squeeze %gather3A_204 : memref<1x32x128xf32, #tpu.memory_space<vmem>> -> memref<32x128xf32, #tpu.memory_space<vmem>>
        %gather3A_206 = tpu.vector_load_idx %gather3A_205[%and3A_7, %add3A_200] : memref<32x128xf32, #tpu.memory_space<vmem>>[vector<16xi32>, vector<16xi32>], vector<16xf32>,
        %swap3A = arith.constant 0 : i32
        %swap3A_207 = arith.index_cast %swap3A : i32 to index
        %swap3A_208 = arith.index_cast %scan3A_189 : i32 to index
        %swap3A_209 = arith.constant 0 : index
        %swap3A_210 = tpu.vector_load %arg8[%swap3A_207, %swap3A_208, %swap3A_209] {strides = array<i32>} : memref<2x32x128xf32, #tpu.memory_space<vmem>>, vector<16xf32>,
        tpu.vector_store %arg8[%swap3A_207, %swap3A_208, %swap3A_209], %gather3A_198 {strides = array<i32>} : memref<2x32x128xf32, #tpu.memory_space<vmem>>, vector<16xf32>,
        %swap3A_211 = arith.constant 0 : i32
        %swap3A_212 = arith.index_cast %swap3A_211 : i32 to index
        %swap3A_213 = arith.index_cast %scan3A_189 : i32 to index
        %swap3A_214 = arith.constant 0 : index
        %swap3A_215 = tpu.vector_load %arg9[%swap3A_212, %swap3A_213, %swap3A_214] {strides = array<i32>} : memref<2x32x128xf32, #tpu.memory_space<vmem>>, vector<16xf32>,
        tpu.vector_store %arg9[%swap3A_212, %swap3A_213, %swap3A_214], %gather3A_206 {strides = array<i32>} : memref<2x32x128xf32, #tpu.memory_space<vmem>>, vector<16xf32>,
        %add3A_216 = vector.broadcast %mul3A_191 : i32 to vector<16xi32>
        %add3A_217 = arith.addi %shift_right_logical3A_13, %add3A_216 : vector<16xi32>
        %gather3A_218 = arith.constant 0 : i32
        %gather3A_219 = arith.constant 0 : i32
        %gather3A_220 = arith.constant 0 : i32
        %gather3A_221 = tpu.memref_slice %arg6[%gather3A_218, %gather3A_219, %gather3A_220] : memref<2x32x128xf32, #tpu.memory_space<vmem>> -> memref<1x32x128xf32, #tpu.memory_space<vmem>>
        %gather3A_222 = tpu.memref_squeeze %gather3A_221 : memref<1x32x128xf32, #tpu.memory_space<vmem>> -> memref<32x128xf32, #tpu.memory_space<vmem>>
        %gather3A_223 = tpu.vector_load_idx %gather3A_222[%and3A_16, %add3A_217] : memref<32x128xf32, #tpu.memory_space<vmem>>[vector<16xi32>, vector<16xi32>], vector<16xf32>,
        %add3A_224 = vector.broadcast %mul3A_191 : i32 to vector<16xi32>
        %add3A_225 = arith.addi %shift_right_logical3A_13, %add3A_224 : vector<16xi32>
        %gather3A_226 = arith.constant 0 : i32
        %gather3A_227 = arith.constant 0 : i32
        %gather3A_228 = arith.constant 0 : i32
        %gather3A_229 = tpu.memref_slice %arg7[%gather3A_226, %gather3A_227, %gather3A_228] : memref<2x32x128xf32, #tpu.memory_space<vmem>> -> memref<1x32x128xf32, #tpu.memory_space<vmem>>
        %gather3A_230 = tpu.memref_squeeze %gather3A_229 : memref<1x32x128xf32, #tpu.memory_space<vmem>> -> memref<32x128xf32, #tpu.memory_space<vmem>>
        %gather3A_231 = tpu.vector_load_idx %gather3A_230[%and3A_16, %add3A_225] : memref<32x128xf32, #tpu.memory_space<vmem>>[vector<16xi32>, vector<16xi32>], vector<16xf32>,
        %swap3A_232 = arith.constant 0 : i32
        %swap3A_233 = arith.index_cast %swap3A_232 : i32 to index
        %swap3A_234 = arith.index_cast %scan3A_189 : i32 to index
        %swap3A_235 = arith.constant 16 : index
        %swap3A_236 = tpu.vector_load %arg8[%swap3A_233, %swap3A_234, %swap3A_235] {strides = array<i32>} : memref<2x32x128xf32, #tpu.memory_space<vmem>>, vector<16xf32>,
        tpu.vector_store %arg8[%swap3A_233, %swap3A_234, %swap3A_235], %gather3A_223 {strides = array<i32>} : memref<2x32x128xf32, #tpu.memory_space<vmem>>, vector<16xf32>,
        %swap3A_237 = arith.constant 0 : i32
        %swap3A_238 = arith.index_cast %swap3A_237 : i32 to index
        %swap3A_239 = arith.index_cast %scan3A_189 : i32 to index
        %swap3A_240 = arith.constant 16 : index
        %swap3A_241 = tpu.vector_load %arg9[%swap3A_238, %swap3A_239, %swap3A_240] {strides = array<i32>} : memref<2x32x128xf32, #tpu.memory_space<vmem>>, vector<16xf32>,
        tpu.vector_store %arg9[%swap3A_238, %swap3A_239, %swap3A_240], %gather3A_231 {strides = array<i32>} : memref<2x32x128xf32, #tpu.memory_space<vmem>>, vector<16xf32>,
        %add3A_242 = vector.broadcast %mul3A_191 : i32 to vector<16xi32>
        %add3A_243 = arith.addi %shift_right_logical3A_22, %add3A_242 : vector<16xi32>
        %gather3A_244 = arith.constant 0 : i32
        %gather3A_245 = arith.constant 0 : i32
        %gather3A_246 = arith.constant 0 : i32
        %gather3A_247 = tpu.memref_slice %arg6[%gather3A_244, %gather3A_245, %gather3A_246] : memref<2x32x128xf32, #tpu.memory_space<vmem>> -> memref<1x32x128xf32, #tpu.memory_space<vmem>>
        %gather3A_248 = tpu.memref_squeeze %gather3A_247 : memref<1x32x128xf32, #tpu.memory_space<vmem>> -> memref<32x128xf32, #tpu.memory_space<vmem>>
        %gather3A_249 = tpu.vector_load_idx %gather3A_248[%and3A_25, %add3A_243] : memref<32x128xf32, #tpu.memory_space<vmem>>[vector<16xi32>, vector<16xi32>], vector<16xf32>,
        %add3A_250 = vector.broadcast %mul3A_191 : i32 to vector<16xi32>
        %add3A_251 = arith.addi %shift_right_logical3A_22, %add3A_250 : vector<16xi32>
        %gather3A_252 = arith.constant 0 : i32
        %gather3A_253 = arith.constant 0 : i32
        %gather3A_254 = arith.constant 0 : i32
        %gather3A_255 = tpu.memref_slice %arg7[%gather3A_252, %gather3A_253, %gather3A_254] : memref<2x32x128xf32, #tpu.memory_space<vmem>> -> memref<1x32x128xf32, #tpu.memory_space<vmem>>
        %gather3A_256 = tpu.memref_squeeze %gather3A_255 : memref<1x32x128xf32, #tpu.memory_space<vmem>> -> memref<32x128xf32, #tpu.memory_space<vmem>>
        %gather3A_257 = tpu.vector_load_idx %gather3A_256[%and3A_25, %add3A_251] : memref<32x128xf32, #tpu.memory_space<vmem>>[vector<16xi32>, vector<16xi32>], vector<16xf32>,
        %swap3A_258 = arith.constant 0 : i32
        %swap3A_259 = arith.index_cast %swap3A_258 : i32 to index
        %swap3A_260 = arith.index_cast %scan3A_189 : i32 to index
        %swap3A_261 = arith.constant 32 : index
        %swap3A_262 = tpu.vector_load %arg8[%swap3A_259, %swap3A_260, %swap3A_261] {strides = array<i32>} : memref<2x32x128xf32, #tpu.memory_space<vmem>>, vector<16xf32>,
        tpu.vector_store %arg8[%swap3A_259, %swap3A_260, %swap3A_261], %gather3A_249 {strides = array<i32>} : memref<2x32x128xf32, #tpu.memory_space<vmem>>, vector<16xf32>,
        %swap3A_263 = arith.constant 0 : i32
        %swap3A_264 = arith.index_cast %swap3A_263 : i32 to index
        %swap3A_265 = arith.index_cast %scan3A_189 : i32 to index
        %swap3A_266 = arith.constant 32 : index
        %swap3A_267 = tpu.vector_load %arg9[%swap3A_264, %swap3A_265, %swap3A_266] {strides = array<i32>} : memref<2x32x128xf32, #tpu.memory_space<vmem>>, vector<16xf32>,
        tpu.vector_store %arg9[%swap3A_264, %swap3A_265, %swap3A_266], %gather3A_257 {strides = array<i32>} : memref<2x32x128xf32, #tpu.memory_space<vmem>>, vector<16xf32>,
        %add3A_268 = vector.broadcast %mul3A_191 : i32 to vector<16xi32>
        %add3A_269 = arith.addi %shift_right_logical3A_31, %add3A_268 : vector<16xi32>
        %gather3A_270 = arith.constant 0 : i32
        %gather3A_271 = arith.constant 0 : i32
        %gather3A_272 = arith.constant 0 : i32
        %gather3A_273 = tpu.memref_slice %arg6[%gather3A_270, %gather3A_271, %gather3A_272] : memref<2x32x128xf32, #tpu.memory_space<vmem>> -> memref<1x32x128xf32, #tpu.memory_space<vmem>>
        %gather3A_274 = tpu.memref_squeeze %gather3A_273 : memref<1x32x128xf32, #tpu.memory_space<vmem>> -> memref<32x128xf32, #tpu.memory_space<vmem>>
        %gather3A_275 = tpu.vector_load_idx %gather3A_274[%and3A_34, %add3A_269] : memref<32x128xf32, #tpu.memory_space<vmem>>[vector<16xi32>, vector<16xi32>], vector<16xf32>,
        %add3A_276 = vector.broadcast %mul3A_191 : i32 to vector<16xi32>
        %add3A_277 = arith.addi %shift_right_logical3A_31, %add3A_276 : vector<16xi32>
        %gather3A_278 = arith.constant 0 : i32
        %gather3A_279 = arith.constant 0 : i32
        %gather3A_280 = arith.constant 0 : i32
        %gather3A_281 = tpu.memref_slice %arg7[%gather3A_278, %gather3A_279, %gather3A_280] : memref<2x32x128xf32, #tpu.memory_space<vmem>> -> memref<1x32x128xf32, #tpu.memory_space<vmem>>
        %gather3A_282 = tpu.memref_squeeze %gather3A_281 : memref<1x32x128xf32, #tpu.memory_space<vmem>> -> memref<32x128xf32, #tpu.memory_space<vmem>>
        %gather3A_283 = tpu.vector_load_idx %gather3A_282[%and3A_34, %add3A_277] : memref<32x128xf32, #tpu.memory_space<vmem>>[vector<16xi32>, vector<16xi32>], vector<16xf32>,
        %swap3A_284 = arith.constant 0 : i32
        %swap3A_285 = arith.index_cast %swap3A_284 : i32 to index
        %swap3A_286 = arith.index_cast %scan3A_189 : i32 to index
        %swap3A_287 = arith.constant 48 : index
        %swap3A_288 = tpu.vector_load %arg8[%swap3A_285, %swap3A_286, %swap3A_287] {strides = array<i32>} : memref<2x32x128xf32, #tpu.memory_space<vmem>>, vector<16xf32>,
        tpu.vector_store %arg8[%swap3A_285, %swap3A_286, %swap3A_287], %gather3A_275 {strides = array<i32>} : memref<2x32x128xf32, #tpu.memory_space<vmem>>, vector<16xf32>,
        %swap3A_289 = arith.constant 0 : i32
        %swap3A_290 = arith.index_cast %swap3A_289 : i32 to index
        %swap3A_291 = arith.index_cast %scan3A_189 : i32 to index
        %swap3A_292 = arith.constant 48 : index
        %swap3A_293 = tpu.vector_load %arg9[%swap3A_290, %swap3A_291, %swap3A_292] {strides = array<i32>} : memref<2x32x128xf32, #tpu.memory_space<vmem>>, vector<16xf32>,
        tpu.vector_store %arg9[%swap3A_290, %swap3A_291, %swap3A_292], %gather3A_283 {strides = array<i32>} : memref<2x32x128xf32, #tpu.memory_space<vmem>>, vector<16xf32>,
        %add3A_294 = vector.broadcast %mul3A_191 : i32 to vector<16xi32>
        %add3A_295 = arith.addi %shift_right_logical3A_40, %add3A_294 : vector<16xi32>
        %gather3A_296 = arith.constant 0 : i32
        %gather3A_297 = arith.constant 0 : i32
        %gather3A_298 = arith.constant 0 : i32
        %gather3A_299 = tpu.memref_slice %arg6[%gather3A_296, %gather3A_297, %gather3A_298] : memref<2x32x128xf32, #tpu.memory_space<vmem>> -> memref<1x32x128xf32, #tpu.memory_space<vmem>>
        %gather3A_300 = tpu.memref_squeeze %gather3A_299 : memref<1x32x128xf32, #tpu.memory_space<vmem>> -> memref<32x128xf32, #tpu.memory_space<vmem>>
        %gather3A_301 = tpu.vector_load_idx %gather3A_300[%and3A_43, %add3A_295] : memref<32x128xf32, #tpu.memory_space<vmem>>[vector<16xi32>, vector<16xi32>], vector<16xf32>,
        %add3A_302 = vector.broadcast %mul3A_191 : i32 to vector<16xi32>
        %add3A_303 = arith.addi %shift_right_logical3A_40, %add3A_302 : vector<16xi32>
        %gather3A_304 = arith.constant 0 : i32
        %gather3A_305 = arith.constant 0 : i32
        %gather3A_306 = arith.constant 0 : i32
        %gather3A_307 = tpu.memref_slice %arg7[%gather3A_304, %gather3A_305, %gather3A_306] : memref<2x32x128xf32, #tpu.memory_space<vmem>> -> memref<1x32x128xf32, #tpu.memory_space<vmem>>
        %gather3A_308 = tpu.memref_squeeze %gather3A_307 : memref<1x32x128xf32, #tpu.memory_space<vmem>> -> memref<32x128xf32, #tpu.memory_space<vmem>>
        %gather3A_309 = tpu.vector_load_idx %gather3A_308[%and3A_43, %add3A_303] : memref<32x128xf32, #tpu.memory_space<vmem>>[vector<16xi32>, vector<16xi32>], vector<16xf32>,
        %swap3A_310 = arith.constant 0 : i32
        %swap3A_311 = arith.index_cast %swap3A_310 : i32 to index
        %swap3A_312 = arith.index_cast %scan3A_189 : i32 to index
        %swap3A_313 = arith.constant 64 : index
        %swap3A_314 = tpu.vector_load %arg8[%swap3A_311, %swap3A_312, %swap3A_313] {strides = array<i32>} : memref<2x32x128xf32, #tpu.memory_space<vmem>>, vector<16xf32>,
        tpu.vector_store %arg8[%swap3A_311, %swap3A_312, %swap3A_313], %gather3A_301 {strides = array<i32>} : memref<2x32x128xf32, #tpu.memory_space<vmem>>, vector<16xf32>,
        %swap3A_315 = arith.constant 0 : i32
        %swap3A_316 = arith.index_cast %swap3A_315 : i32 to index
        %swap3A_317 = arith.index_cast %scan3A_189 : i32 to index
        %swap3A_318 = arith.constant 64 : index
        %swap3A_319 = tpu.vector_load %arg9[%swap3A_316, %swap3A_317, %swap3A_318] {strides = array<i32>} : memref<2x32x128xf32, #tpu.memory_space<vmem>>, vector<16xf32>,
        tpu.vector_store %arg9[%swap3A_316, %swap3A_317, %swap3A_318], %gather3A_309 {strides = array<i32>} : memref<2x32x128xf32, #tpu.memory_space<vmem>>, vector<16xf32>,
        %add3A_320 = vector.broadcast %mul3A_191 : i32 to vector<16xi32>
        %add3A_321 = arith.addi %shift_right_logical3A_49, %add3A_320 : vector<16xi32>
        %gather3A_322 = arith.constant 0 : i32
        %gather3A_323 = arith.constant 0 : i32
        %gather3A_324 = arith.constant 0 : i32
        %gather3A_325 = tpu.memref_slice %arg6[%gather3A_322, %gather3A_323, %gather3A_324] : memref<2x32x128xf32, #tpu.memory_space<vmem>> -> memref<1x32x128xf32, #tpu.memory_space<vmem>>
        %gather3A_326 = tpu.memref_squeeze %gather3A_325 : memref<1x32x128xf32, #tpu.memory_space<vmem>> -> memref<32x128xf32, #tpu.memory_space<vmem>>
        %gather3A_327 = tpu.vector_load_idx %gather3A_326[%and3A_52, %add3A_321] : memref<32x128xf32, #tpu.memory_space<vmem>>[vector<16xi32>, vector<16xi32>], vector<16xf32>,
        %add3A_328 = vector.broadcast %mul3A_191 : i32 to vector<16xi32>
        %add3A_329 = arith.addi %shift_right_logical3A_49, %add3A_328 : vector<16xi32>
        %gather3A_330 = arith.constant 0 : i32
        %gather3A_331 = arith.constant 0 : i32
        %gather3A_332 = arith.constant 0 : i32
        %gather3A_333 = tpu.memref_slice %arg7[%gather3A_330, %gather3A_331, %gather3A_332] : memref<2x32x128xf32, #tpu.memory_space<vmem>> -> memref<1x32x128xf32, #tpu.memory_space<vmem>>
        %gather3A_334 = tpu.memref_squeeze %gather3A_333 : memref<1x32x128xf32, #tpu.memory_space<vmem>> -> memref<32x128xf32, #tpu.memory_space<vmem>>
        %gather3A_335 = tpu.vector_load_idx %gather3A_334[%and3A_52, %add3A_329] : memref<32x128xf32, #tpu.memory_space<vmem>>[vector<16xi32>, vector<16xi32>], vector<16xf32>,
        %swap3A_336 = arith.constant 0 : i32
        %swap3A_337 = arith.index_cast %swap3A_336 : i32 to index
        %swap3A_338 = arith.index_cast %scan3A_189 : i32 to index
        %swap3A_339 = arith.constant 80 : index
        %swap3A_340 = tpu.vector_load %arg8[%swap3A_337, %swap3A_338, %swap3A_339] {strides = array<i32>} : memref<2x32x128xf32, #tpu.memory_space<vmem>>, vector<16xf32>,
        tpu.vector_store %arg8[%swap3A_337, %swap3A_338, %swap3A_339], %gather3A_327 {strides = array<i32>} : memref<2x32x128xf32, #tpu.memory_space<vmem>>, vector<16xf32>,
        %swap3A_341 = arith.constant 0 : i32
        %swap3A_342 = arith.index_cast %swap3A_341 : i32 to index
        %swap3A_343 = arith.index_cast %scan3A_189 : i32 to index
        %swap3A_344 = arith.constant 80 : index
        %swap3A_345 = tpu.vector_load %arg9[%swap3A_342, %swap3A_343, %swap3A_344] {strides = array<i32>} : memref<2x32x128xf32, #tpu.memory_space<vmem>>, vector<16xf32>,
        tpu.vector_store %arg9[%swap3A_342, %swap3A_343, %swap3A_344], %gather3A_335 {strides = array<i32>} : memref<2x32x128xf32, #tpu.memory_space<vmem>>, vector<16xf32>,
        %add3A_346 = vector.broadcast %mul3A_191 : i32 to vector<16xi32>
        %add3A_347 = arith.addi %shift_right_logical3A_58, %add3A_346 : vector<16xi32>
        %gather3A_348 = arith.constant 0 : i32
        %gather3A_349 = arith.constant 0 : i32
        %gather3A_350 = arith.constant 0 : i32
        %gather3A_351 = tpu.memref_slice %arg6[%gather3A_348, %gather3A_349, %gather3A_350] : memref<2x32x128xf32, #tpu.memory_space<vmem>> -> memref<1x32x128xf32, #tpu.memory_space<vmem>>
        %gather3A_352 = tpu.memref_squeeze %gather3A_351 : memref<1x32x128xf32, #tpu.memory_space<vmem>> -> memref<32x128xf32, #tpu.memory_space<vmem>>
        %gather3A_353 = tpu.vector_load_idx %gather3A_352[%and3A_61, %add3A_347] : memref<32x128xf32, #tpu.memory_space<vmem>>[vector<16xi32>, vector<16xi32>], vector<16xf32>,
        %add3A_354 = vector.broadcast %mul3A_191 : i32 to vector<16xi32>
        %add3A_355 = arith.addi %shift_right_logical3A_58, %add3A_354 : vector<16xi32>
        %gather3A_356 = arith.constant 0 : i32
        %gather3A_357 = arith.constant 0 : i32
        %gather3A_358 = arith.constant 0 : i32
        %gather3A_359 = tpu.memref_slice %arg7[%gather3A_356, %gather3A_357, %gather3A_358] : memref<2x32x128xf32, #tpu.memory_space<vmem>> -> memref<1x32x128xf32, #tpu.memory_space<vmem>>
        %gather3A_360 = tpu.memref_squeeze %gather3A_359 : memref<1x32x128xf32, #tpu.memory_space<vmem>> -> memref<32x128xf32, #tpu.memory_space<vmem>>
        %gather3A_361 = tpu.vector_load_idx %gather3A_360[%and3A_61, %add3A_355] : memref<32x128xf32, #tpu.memory_space<vmem>>[vector<16xi32>, vector<16xi32>], vector<16xf32>,
        %swap3A_362 = arith.constant 0 : i32
        %swap3A_363 = arith.index_cast %swap3A_362 : i32 to index
        %swap3A_364 = arith.index_cast %scan3A_189 : i32 to index
        %swap3A_365 = arith.constant 96 : index
        %swap3A_366 = tpu.vector_load %arg8[%swap3A_363, %swap3A_364, %swap3A_365] {strides = array<i32>} : memref<2x32x128xf32, #tpu.memory_space<vmem>>, vector<16xf32>,
        tpu.vector_store %arg8[%swap3A_363, %swap3A_364, %swap3A_365], %gather3A_353 {strides = array<i32>} : memref<2x32x128xf32, #tpu.memory_space<vmem>>, vector<16xf32>,
        %swap3A_367 = arith.constant 0 : i32
        %swap3A_368 = arith.index_cast %swap3A_367 : i32 to index
        %swap3A_369 = arith.index_cast %scan3A_189 : i32 to index
        %swap3A_370 = arith.constant 96 : index
        %swap3A_371 = tpu.vector_load %arg9[%swap3A_368, %swap3A_369, %swap3A_370] {strides = array<i32>} : memref<2x32x128xf32, #tpu.memory_space<vmem>>, vector<16xf32>,
        tpu.vector_store %arg9[%swap3A_368, %swap3A_369, %swap3A_370], %gather3A_361 {strides = array<i32>} : memref<2x32x128xf32, #tpu.memory_space<vmem>>, vector<16xf32>,
        %add3A_372 = vector.broadcast %mul3A_191 : i32 to vector<16xi32>
        %add3A_373 = arith.addi %shift_right_logical3A_67, %add3A_372 : vector<16xi32>
        %gather3A_374 = arith.constant 0 : i32
        %gather3A_375 = arith.constant 0 : i32
        %gather3A_376 = arith.constant 0 : i32
        %gather3A_377 = tpu.memref_slice %arg6[%gather3A_374, %gather3A_375, %gather3A_376] : memref<2x32x128xf32, #tpu.memory_space<vmem>> -> memref<1x32x128xf32, #tpu.memory_space<vmem>>
        %gather3A_378 = tpu.memref_squeeze %gather3A_377 : memref<1x32x128xf32, #tpu.memory_space<vmem>> -> memref<32x128xf32, #tpu.memory_space<vmem>>
        %gather3A_379 = tpu.vector_load_idx %gather3A_378[%and3A_70, %add3A_373] : memref<32x128xf32, #tpu.memory_space<vmem>>[vector<16xi32>, vector<16xi32>], vector<16xf32>,
        %add3A_380 = vector.broadcast %mul3A_191 : i32 to vector<16xi32>
        %add3A_381 = arith.addi %shift_right_logical3A_67, %add3A_380 : vector<16xi32>
        %gather3A_382 = arith.constant 0 : i32
        %gather3A_383 = arith.constant 0 : i32
        %gather3A_384 = arith.constant 0 : i32
        %gather3A_385 = tpu.memref_slice %arg7[%gather3A_382, %gather3A_383, %gather3A_384] : memref<2x32x128xf32, #tpu.memory_space<vmem>> -> memref<1x32x128xf32, #tpu.memory_space<vmem>>
        %gather3A_386 = tpu.memref_squeeze %gather3A_385 : memref<1x32x128xf32, #tpu.memory_space<vmem>> -> memref<32x128xf32, #tpu.memory_space<vmem>>
        %gather3A_387 = tpu.vector_load_idx %gather3A_386[%and3A_70, %add3A_381] : memref<32x128xf32, #tpu.memory_space<vmem>>[vector<16xi32>, vector<16xi32>], vector<16xf32>,
        %swap3A_388 = arith.constant 0 : i32
        %swap3A_389 = arith.index_cast %swap3A_388 : i32 to index
        %swap3A_390 = arith.index_cast %scan3A_189 : i32 to index
        %swap3A_391 = arith.constant 112 : index
        %swap3A_392 = tpu.vector_load %arg8[%swap3A_389, %swap3A_390, %swap3A_391] {strides = array<i32>} : memref<2x32x128xf32, #tpu.memory_space<vmem>>, vector<16xf32>,
        tpu.vector_store %arg8[%swap3A_389, %swap3A_390, %swap3A_391], %gather3A_379 {strides = array<i32>} : memref<2x32x128xf32, #tpu.memory_space<vmem>>, vector<16xf32>,
        %swap3A_393 = arith.constant 0 : i32
        %swap3A_394 = arith.index_cast %swap3A_393 : i32 to index
        %swap3A_395 = arith.index_cast %scan3A_189 : i32 to index
        %swap3A_396 = arith.constant 112 : index
        %swap3A_397 = tpu.vector_load %arg9[%swap3A_394, %swap3A_395, %swap3A_396] {strides = array<i32>} : memref<2x32x128xf32, #tpu.memory_space<vmem>>, vector<16xf32>,
        tpu.vector_store %arg9[%swap3A_394, %swap3A_395, %swap3A_396], %gather3A_387 {strides = array<i32>} : memref<2x32x128xf32, #tpu.memory_space<vmem>>, vector<16xf32>,
      }
      %scan3A_182 = arith.constant 32 : i32
      %mul3A_183 = arith.constant 32 : i32
      %mul3A_184 = arith.muli %mul3A_183, %add3A_171 : i32
      %run_scoped3A_185 = arith.constant 0 : i32
      "tpu.region"() ({
        %run_scoped3A_189 = tpu.sem_alloc : memref<!tpu.dma_semaphore, #tpu.memory_space<semaphore_mem>>
        %dma_start3A_190 = arith.constant 0 : i32
        %dma_start3A_191 = arith.constant 0 : i32
        %dma_start3A_192 = tpu.memref_slice %arg8[%run_scoped3A_185, %dma_start3A_190, %dma_start3A_191] : memref<2x32x128xf32, #tpu.memory_space<vmem>> -> memref<1x32x128xf32, #tpu.memory_space<vmem>>
        %dma_start3A_193 = tpu.memref_squeeze %dma_start3A_192 : memref<1x32x128xf32, #tpu.memory_space<vmem>> -> memref<32x128xf32, #tpu.memory_space<vmem>>
        %dma_start3A_194 = arith.constant 0 : i32
        %dma_start3A_195 = tpu.memref_slice %arg4[%mul3A_184, %dma_start3A_194] : memref<250016x128xf32, #tpu.memory_space<hbm>> -> memref<32x128xf32, #tpu.memory_space<hbm>>
        %dma_start3A_196 = arith.constant 0 : i32
        %dma_start3A_197 = tpu.memref_slice %arg4[%mul3A_184, %dma_start3A_196] : memref<250016x128xf32, #tpu.memory_space<hbm>> -> memref<32x128xf32, #tpu.memory_space<hbm>>
        %dma_start3A_198 = arith.constant 0 : i32
        %dma_start3A_199 = arith.constant 0 : i32
        %dma_start3A_200 = tpu.memref_slice %arg8[%run_scoped3A_185, %dma_start3A_198, %dma_start3A_199] : memref<2x32x128xf32, #tpu.memory_space<vmem>> -> memref<1x32x128xf32, #tpu.memory_space<vmem>>
        %dma_start3A_201 = tpu.memref_squeeze %dma_start3A_200 : memref<1x32x128xf32, #tpu.memory_space<vmem>> -> memref<32x128xf32, #tpu.memory_space<vmem>>
        tpu.enqueue_dma source(%dma_start3A_201 : memref<32x128xf32, #tpu.memory_space<vmem>>) target(%dma_start3A_197 : memref<32x128xf32, #tpu.memory_space<hbm>>) target_semaphore(%run_scoped3A_189 : memref<!tpu.dma_semaphore, #tpu.memory_space<semaphore_mem>>)
        %dma_wait3A_202 = arith.constant 0 : i32
        %dma_wait3A_203 = arith.constant 0 : i32
        %dma_wait3A_204 = tpu.memref_slice %arg8[%run_scoped3A_185, %dma_wait3A_202, %dma_wait3A_203] : memref<2x32x128xf32, #tpu.memory_space<vmem>> -> memref<1x32x128xf32, #tpu.memory_space<vmem>>
        %dma_wait3A_205 = tpu.memref_squeeze %dma_wait3A_204 : memref<1x32x128xf32, #tpu.memory_space<vmem>> -> memref<32x128xf32, #tpu.memory_space<vmem>>
        %dma_wait3A_206 = arith.constant 0 : i32
        %dma_wait3A_207 = tpu.memref_slice %arg4[%mul3A_184, %dma_wait3A_206] : memref<250016x128xf32, #tpu.memory_space<hbm>> -> memref<32x128xf32, #tpu.memory_space<hbm>>
        %dma_wait3A_208 = arith.constant 0 : i32
        %dma_wait3A_209 = tpu.memref_slice %arg4[%mul3A_184, %dma_wait3A_208] : memref<250016x128xf32, #tpu.memory_space<hbm>> -> memref<32x128xf32, #tpu.memory_space<hbm>>
        %dma_wait3A_210 = arith.constant 0 : i32
        %dma_wait3A_211 = arith.constant 0 : i32
        %dma_wait3A_212 = tpu.memref_slice %arg8[%run_scoped3A_185, %dma_wait3A_210, %dma_wait3A_211] : memref<2x32x128xf32, #tpu.memory_space<vmem>> -> memref<1x32x128xf32, #tpu.memory_space<vmem>>
        %dma_wait3A_213 = tpu.memref_squeeze %dma_wait3A_212 : memref<1x32x128xf32, #tpu.memory_space<vmem>> -> memref<32x128xf32, #tpu.memory_space<vmem>>
        tpu.wait_dma2 semaphore(%run_scoped3A_189 : memref<!tpu.dma_semaphore, #tpu.memory_space<semaphore_mem>>) src(%dma_wait3A_213 : memref<32x128xf32, #tpu.memory_space<vmem>>) dst(%dma_wait3A_209 : memref<32x128xf32, #tpu.memory_space<hbm>>)
        tpu.yield
      }) : () -> ()
      %mul3A_186 = arith.constant 32 : i32
      %mul3A_187 = arith.muli %mul3A_186, %add3A_171 : i32
      %run_scoped3A_188 = arith.constant 0 : i32
      "tpu.region"() ({
        %run_scoped3A_189 = tpu.sem_alloc : memref<!tpu.dma_semaphore, #tpu.memory_space<semaphore_mem>>
        %dma_start3A_190 = arith.constant 0 : i32
        %dma_start3A_191 = arith.constant 0 : i32
        %dma_start3A_192 = tpu.memref_slice %arg9[%run_scoped3A_188, %dma_start3A_190, %dma_start3A_191] : memref<2x32x128xf32, #tpu.memory_space<vmem>> -> memref<1x32x128xf32, #tpu.memory_space<vmem>>
        %dma_start3A_193 = tpu.memref_squeeze %dma_start3A_192 : memref<1x32x128xf32, #tpu.memory_space<vmem>> -> memref<32x128xf32, #tpu.memory_space<vmem>>
        %dma_start3A_194 = arith.constant 0 : i32
        %dma_start3A_195 = tpu.memref_slice %arg5[%mul3A_187, %dma_start3A_194] : memref<250016x128xf32, #tpu.memory_space<hbm>> -> memref<32x128xf32, #tpu.memory_space<hbm>>
        %dma_start3A_196 = arith.constant 0 : i32
        %dma_start3A_197 = tpu.memref_slice %arg5[%mul3A_187, %dma_start3A_196] : memref<250016x128xf32, #tpu.memory_space<hbm>> -> memref<32x128xf32, #tpu.memory_space<hbm>>
        %dma_start3A_198 = arith.constant 0 : i32
        %dma_start3A_199 = arith.constant 0 : i32
        %dma_start3A_200 = tpu.memref_slice %arg9[%run_scoped3A_188, %dma_start3A_198, %dma_start3A_199] : memref<2x32x128xf32, #tpu.memory_space<vmem>> -> memref<1x32x128xf32, #tpu.memory_space<vmem>>
        %dma_start3A_201 = tpu.memref_squeeze %dma_start3A_200 : memref<1x32x128xf32, #tpu.memory_space<vmem>> -> memref<32x128xf32, #tpu.memory_space<vmem>>
        tpu.enqueue_dma source(%dma_start3A_201 : memref<32x128xf32, #tpu.memory_space<vmem>>) target(%dma_start3A_197 : memref<32x128xf32, #tpu.memory_space<hbm>>) target_semaphore(%run_scoped3A_189 : memref<!tpu.dma_semaphore, #tpu.memory_space<semaphore_mem>>)
        %dma_wait3A_202 = arith.constant 0 : i32
        %dma_wait3A_203 = arith.constant 0 : i32
        %dma_wait3A_204 = tpu.memref_slice %arg9[%run_scoped3A_188, %dma_wait3A_202, %dma_wait3A_203] : memref<2x32x128xf32, #tpu.memory_space<vmem>> -> memref<1x32x128xf32, #tpu.memory_space<vmem>>
        %dma_wait3A_205 = tpu.memref_squeeze %dma_wait3A_204 : memref<1x32x128xf32, #tpu.memory_space<vmem>> -> memref<32x128xf32, #tpu.memory_space<vmem>>
        %dma_wait3A_206 = arith.constant 0 : i32
        %dma_wait3A_207 = tpu.memref_slice %arg5[%mul3A_187, %dma_wait3A_206] : memref<250016x128xf32, #tpu.memory_space<hbm>> -> memref<32x128xf32, #tpu.memory_space<hbm>>
        %dma_wait3A_208 = arith.constant 0 : i32
        %dma_wait3A_209 = tpu.memref_slice %arg5[%mul3A_187, %dma_wait3A_208] : memref<250016x128xf32, #tpu.memory_space<hbm>> -> memref<32x128xf32, #tpu.memory_space<hbm>>
        %dma_wait3A_210 = arith.constant 0 : i32
        %dma_wait3A_211 = arith.constant 0 : i32
        %dma_wait3A_212 = tpu.memref_slice %arg9[%run_scoped3A_188, %dma_wait3A_210, %dma_wait3A_211] : memref<2x32x128xf32, #tpu.memory_space<vmem>> -> memref<1x32x128xf32, #tpu.memory_space<vmem>>
        %dma_wait3A_213 = tpu.memref_squeeze %dma_wait3A_212 : memref<1x32x128xf32, #tpu.memory_space<vmem>> -> memref<32x128xf32, #tpu.memory_space<vmem>>
        tpu.wait_dma2 semaphore(%run_scoped3A_189 : memref<!tpu.dma_semaphore, #tpu.memory_space<semaphore_mem>>) src(%dma_wait3A_213 : memref<32x128xf32, #tpu.memory_space<vmem>>) dst(%dma_wait3A_209 : memref<32x128xf32, #tpu.memory_space<hbm>>)
        tpu.yield
      }) : () -> ()
    } else {
    }
    return
  }
}

#map = affine_map<(d0, d1) -> (0)>
#map1 = affine_map<(d0, d1) -> (0, 0)>
module attributes {stable_mosaic.version = 14 : i64} {
  func.func @_gather_dot_body(%arg0: i32, %arg1: i32, %arg2: memref<16384xi32, #tpu.memory_space<hbm>>, %arg3: memref<16384xi32, #tpu.memory_space<hbm>>, %arg4: memref<250016x128xf32, #tpu.memory_space<hbm>>, %arg5: memref<250016x128xf32, #tpu.memory_space<hbm>>, %arg6: memref<16384xf32, #tpu.memory_space<hbm>>, %arg7: memref<512xi32, #tpu.memory_space<vmem>>, %arg8: memref<512xi32, #tpu.memory_space<vmem>>, %arg9: memref<512xi32, #tpu.memory_space<vmem>>, %arg10: memref<512xi32, #tpu.memory_space<vmem>>, %arg11: memref<256x128xf32, #tpu.memory_space<vmem>>, %arg12: memref<256x128xf32, #tpu.memory_space<vmem>>, %arg13: memref<512xf32, #tpu.memory_space<vmem>>, %arg14: memref<!tpu.dma_semaphore, #tpu.memory_space<semaphore_mem>>, %arg15: memref<!tpu.dma_semaphore, #tpu.memory_space<semaphore_mem>>) attributes {dimension_semantics = [#tpu.dimension_semantics<core_parallel>, #tpu.dimension_semantics<subcore_parallel>], iteration_bounds = array<i64: 2, 16>, scalar_prefetch = 0 : i64, scratch_operands = 9 : i64, tpu.core_type = #tpu.core_type<sc_vector_subcore>, window_params = [{transform_indices = #map}, {transform_indices = #map}, {transform_indices = #map1}, {transform_indices = #map1}, {transform_indices = #map}]} {
    %mul3A = arith.constant 2 : i32
    %mul3A_0 = arith.muli %arg1, %mul3A : i32
    %add3A = arith.addi %mul3A_0, %arg0 : i32
    %mul3A_1 = arith.constant 512 : i32
    %mul3A_2 = arith.muli %add3A, %mul3A_1 : i32
    "tpu.region"() ({
      %run_scoped3A = tpu.sem_alloc : memref<!tpu.dma_semaphore, #tpu.memory_space<semaphore_mem>>
      %dma_start3A = tpu.memref_slice %arg2[%mul3A_2] : memref<16384xi32, #tpu.memory_space<hbm>> -> memref<512xi32, #tpu.memory_space<hbm>>
      %dma_start3A_14 = tpu.memref_slice %arg2[%mul3A_2] : memref<16384xi32, #tpu.memory_space<hbm>> -> memref<512xi32, #tpu.memory_space<hbm>>
      tpu.enqueue_dma source(%dma_start3A_14 : memref<512xi32, #tpu.memory_space<hbm>>) target(%arg7 : memref<512xi32, #tpu.memory_space<vmem>>) target_semaphore(%run_scoped3A : memref<!tpu.dma_semaphore, #tpu.memory_space<semaphore_mem>>)
      %dma_wait3A = tpu.memref_slice %arg2[%mul3A_2] : memref<16384xi32, #tpu.memory_space<hbm>> -> memref<512xi32, #tpu.memory_space<hbm>>
      %dma_wait3A_15 = tpu.memref_slice %arg2[%mul3A_2] : memref<16384xi32, #tpu.memory_space<hbm>> -> memref<512xi32, #tpu.memory_space<hbm>>
      tpu.wait_dma2 semaphore(%run_scoped3A : memref<!tpu.dma_semaphore, #tpu.memory_space<semaphore_mem>>) src(%dma_wait3A_15 : memref<512xi32, #tpu.memory_space<hbm>>) dst(%arg7 : memref<512xi32, #tpu.memory_space<vmem>>)
      tpu.yield
    }) : () -> ()
    "tpu.region"() ({
      %run_scoped3A = tpu.sem_alloc : memref<!tpu.dma_semaphore, #tpu.memory_space<semaphore_mem>>
      %dma_start3A = tpu.memref_slice %arg3[%mul3A_2] : memref<16384xi32, #tpu.memory_space<hbm>> -> memref<512xi32, #tpu.memory_space<hbm>>
      %dma_start3A_14 = tpu.memref_slice %arg3[%mul3A_2] : memref<16384xi32, #tpu.memory_space<hbm>> -> memref<512xi32, #tpu.memory_space<hbm>>
      tpu.enqueue_dma source(%dma_start3A_14 : memref<512xi32, #tpu.memory_space<hbm>>) target(%arg8 : memref<512xi32, #tpu.memory_space<vmem>>) target_semaphore(%run_scoped3A : memref<!tpu.dma_semaphore, #tpu.memory_space<semaphore_mem>>)
      %dma_wait3A = tpu.memref_slice %arg3[%mul3A_2] : memref<16384xi32, #tpu.memory_space<hbm>> -> memref<512xi32, #tpu.memory_space<hbm>>
      %dma_wait3A_15 = tpu.memref_slice %arg3[%mul3A_2] : memref<16384xi32, #tpu.memory_space<hbm>> -> memref<512xi32, #tpu.memory_space<hbm>>
      tpu.wait_dma2 semaphore(%run_scoped3A : memref<!tpu.dma_semaphore, #tpu.memory_space<semaphore_mem>>) src(%dma_wait3A_15 : memref<512xi32, #tpu.memory_space<hbm>>) dst(%arg8 : memref<512xi32, #tpu.memory_space<vmem>>)
      tpu.yield
    }) : () -> ()
    %scan3A = arith.constant 0 : i32
    %scan3A_3 = arith.constant 0 : i32
    %scan3A_4 = arith.constant 32 : i32
    %scan3A_5 = arith.addi %scan3A_3, %scan3A_4 : i32
    %scan3A_6 = arith.constant 1 : i32
    scf.for %scan3A_14 = %scan3A_3 to %scan3A_5 step %scan3A_6  : i32 {
      %mul3A_15 = arith.constant 16 : i32
      %mul3A_16 = arith.muli %scan3A_14, %mul3A_15 : i32
      %get3A = arith.index_cast %mul3A_16 : i32 to index
      %get3A_17 = tpu.vector_load %arg7[%get3A] {strides = array<i32>} : memref<512xi32, #tpu.memory_space<vmem>>, vector<16xi32>,
      %get3A_18 = arith.index_cast %mul3A_16 : i32 to index
      %get3A_19 = tpu.vector_load %arg8[%get3A_18] {strides = array<i32>} : memref<512xi32, #tpu.memory_space<vmem>>, vector<16xi32>,
      %shift_right_logical3A = arith.constant 2 : i32
      %shift_right_logical3A_20 = vector.broadcast %shift_right_logical3A : i32 to vector<16xi32>
      %shift_right_logical3A_21 = arith.shrui %get3A_17, %shift_right_logical3A_20 : vector<16xi32>
      %swap3A = arith.index_cast %mul3A_16 : i32 to index
      %swap3A_22 = tpu.vector_load %arg9[%swap3A] {strides = array<i32>} : memref<512xi32, #tpu.memory_space<vmem>>, vector<16xi32>,
      tpu.vector_store %arg9[%swap3A], %shift_right_logical3A_21 {strides = array<i32>} : memref<512xi32, #tpu.memory_space<vmem>>, vector<16xi32>,
      %shift_right_logical3A_23 = arith.constant 2 : i32
      %shift_right_logical3A_24 = vector.broadcast %shift_right_logical3A_23 : i32 to vector<16xi32>
      %shift_right_logical3A_25 = arith.shrui %get3A_19, %shift_right_logical3A_24 : vector<16xi32>
      %swap3A_26 = arith.index_cast %mul3A_16 : i32 to index
      %swap3A_27 = tpu.vector_load %arg10[%swap3A_26] {strides = array<i32>} : memref<512xi32, #tpu.memory_space<vmem>>, vector<16xi32>,
      tpu.vector_store %arg10[%swap3A_26], %shift_right_logical3A_25 {strides = array<i32>} : memref<512xi32, #tpu.memory_space<vmem>>, vector<16xi32>,
    }
    %scan3A_7 = arith.constant 32 : i32
    %iota3A = tpu.iota {dimensions = array<i32: 0>} : vector<16xi32>
    %scan3A_8 = arith.constant 0 : i32
    %scan3A_9 = arith.constant 0 : i32
    %scan3A_10 = arith.constant 2 : i32
    %scan3A_11 = arith.addi %scan3A_9, %scan3A_10 : i32
    %scan3A_12 = arith.constant 1 : i32
    scf.for %scan3A_14 = %scan3A_9 to %scan3A_11 step %scan3A_12  : i32 {
      %mul3A_15 = arith.constant 256 : i32
      %mul3A_16 = arith.muli %scan3A_14, %mul3A_15 : i32
      %dma_start3A = tpu.memref_slice %arg9[%mul3A_16] : memref<512xi32, #tpu.memory_space<vmem>> -> memref<256xi32, #tpu.memory_space<vmem>>
      %dma_start3A_17 = arith.constant 0 : i32
      %dma_start3A_18 = arith.constant 0 : i32
      %dma_start3A_19 = tpu.memref_slice %arg4[%dma_start3A_17, %dma_start3A_18] : memref<250016x128xf32, #tpu.memory_space<hbm>> -> memref<250016x128xf32, #tpu.memory_space<hbm>>
      tpu.enqueue_indirect_dma source(%dma_start3A_19 : memref<250016x128xf32, #tpu.memory_space<hbm>>) target(%arg11 : memref<256x128xf32, #tpu.memory_space<vmem>>) offsets(%dma_start3A : memref<256xi32, #tpu.memory_space<vmem>>) semaphore(%arg14 : memref<!tpu.dma_semaphore, #tpu.memory_space<semaphore_mem>>)
      %dma_start3A_20 = tpu.memref_slice %arg10[%mul3A_16] : memref<512xi32, #tpu.memory_space<vmem>> -> memref<256xi32, #tpu.memory_space<vmem>>
      %dma_start3A_21 = arith.constant 0 : i32
      %dma_start3A_22 = arith.constant 0 : i32
      %dma_start3A_23 = tpu.memref_slice %arg5[%dma_start3A_21, %dma_start3A_22] : memref<250016x128xf32, #tpu.memory_space<hbm>> -> memref<250016x128xf32, #tpu.memory_space<hbm>>
      tpu.enqueue_indirect_dma source(%dma_start3A_23 : memref<250016x128xf32, #tpu.memory_space<hbm>>) target(%arg12 : memref<256x128xf32, #tpu.memory_space<vmem>>) offsets(%dma_start3A_20 : memref<256xi32, #tpu.memory_space<vmem>>) semaphore(%arg15 : memref<!tpu.dma_semaphore, #tpu.memory_space<semaphore_mem>>)
      %dma_wait3A = tpu.memref_slice %arg9[%mul3A_16] : memref<512xi32, #tpu.memory_space<vmem>> -> memref<256xi32, #tpu.memory_space<vmem>>
      %dma_wait3A_24 = arith.constant 0 : i32
      %dma_wait3A_25 = arith.constant 0 : i32
      %dma_wait3A_26 = tpu.memref_slice %arg4[%dma_wait3A_24, %dma_wait3A_25] : memref<250016x128xf32, #tpu.memory_space<hbm>> -> memref<250016x128xf32, #tpu.memory_space<hbm>>
      tpu.wait_indirect_dma semaphore(%arg14 : memref<!tpu.dma_semaphore, #tpu.memory_space<semaphore_mem>>) src(%dma_wait3A_26 : memref<250016x128xf32, #tpu.memory_space<hbm>>) dst(%arg11 : memref<256x128xf32, #tpu.memory_space<vmem>>)
      %dma_wait3A_27 = tpu.memref_slice %arg10[%mul3A_16] : memref<512xi32, #tpu.memory_space<vmem>> -> memref<256xi32, #tpu.memory_space<vmem>>
      %dma_wait3A_28 = arith.constant 0 : i32
      %dma_wait3A_29 = arith.constant 0 : i32
      %dma_wait3A_30 = tpu.memref_slice %arg5[%dma_wait3A_28, %dma_wait3A_29] : memref<250016x128xf32, #tpu.memory_space<hbm>> -> memref<250016x128xf32, #tpu.memory_space<hbm>>
      tpu.wait_indirect_dma semaphore(%arg15 : memref<!tpu.dma_semaphore, #tpu.memory_space<semaphore_mem>>) src(%dma_wait3A_30 : memref<250016x128xf32, #tpu.memory_space<hbm>>) dst(%arg12 : memref<256x128xf32, #tpu.memory_space<vmem>>)
      %scan3A_31 = arith.constant 0 : i32
      %scan3A_32 = arith.constant 0 : i32
      %scan3A_33 = arith.constant 16 : i32
      %scan3A_34 = arith.addi %scan3A_32, %scan3A_33 : i32
      %scan3A_35 = arith.constant 1 : i32
      scf.for %scan3A_37 = %scan3A_32 to %scan3A_34 step %scan3A_35  : i32 {
        %mul3A_38 = arith.constant 16 : i32
        %mul3A_39 = arith.muli %scan3A_37, %mul3A_38 : i32
        %add3A_40 = vector.broadcast %mul3A_39 : i32 to vector<16xi32>
        %add3A_41 = arith.addi %add3A_40, %iota3A : vector<16xi32>
        %add3A_42 = arith.addi %mul3A_16, %mul3A_39 : i32
        %get3A = arith.index_cast %add3A_42 : i32 to index
        %get3A_43 = tpu.vector_load %arg7[%get3A] {strides = array<i32>} : memref<512xi32, #tpu.memory_space<vmem>>, vector<16xi32>,
        %rem3A = arith.constant 4 : i32
        %rem3A_44 = vector.broadcast %rem3A : i32 to vector<16xi32>
        %rem3A_45 = arith.remsi %get3A_43, %rem3A_44 : vector<16xi32>
        %mul3A_46 = arith.constant 32 : i32
        %mul3A_47 = vector.broadcast %mul3A_46 : i32 to vector<16xi32>
        %mul3A_48 = arith.muli %rem3A_45, %mul3A_47 : vector<16xi32>
        %add3A_49 = arith.addi %mul3A_16, %mul3A_39 : i32
        %get3A_50 = arith.index_cast %add3A_49 : i32 to index
        %get3A_51 = tpu.vector_load %arg8[%get3A_50] {strides = array<i32>} : memref<512xi32, #tpu.memory_space<vmem>>, vector<16xi32>,
        %rem3A_52 = arith.constant 4 : i32
        %rem3A_53 = vector.broadcast %rem3A_52 : i32 to vector<16xi32>
        %rem3A_54 = arith.remsi %get3A_51, %rem3A_53 : vector<16xi32>
        %mul3A_55 = arith.constant 32 : i32
        %mul3A_56 = vector.broadcast %mul3A_55 : i32 to vector<16xi32>
        %mul3A_57 = arith.muli %rem3A_54, %mul3A_56 : vector<16xi32>
        %broadcast_in_dim3A = arith.constant 0.000000e+00 : f32
        %broadcast_in_dim3A_58 = vector.broadcast %broadcast_in_dim3A : f32 to vector<16xf32>
        %add3A_59 = arith.constant 0 : i32
        %add3A_60 = vector.broadcast %add3A_59 : i32 to vector<16xi32>
        %add3A_61 = arith.addi %mul3A_48, %add3A_60 : vector<16xi32>
        %gather3A = tpu.vector_load_idx %arg11[%add3A_41, %add3A_61] : memref<256x128xf32, #tpu.memory_space<vmem>>[vector<16xi32>, vector<16xi32>], vector<16xf32>,
        %add3A_62 = arith.constant 0 : i32
        %add3A_63 = vector.broadcast %add3A_62 : i32 to vector<16xi32>
        %add3A_64 = arith.addi %mul3A_57, %add3A_63 : vector<16xi32>
        %gather3A_65 = tpu.vector_load_idx %arg12[%add3A_41, %add3A_64] : memref<256x128xf32, #tpu.memory_space<vmem>>[vector<16xi32>, vector<16xi32>], vector<16xf32>,
        %mul3A_66 = arith.mulf %gather3A, %gather3A_65 : vector<16xf32>
        %add3A_67 = arith.addf %broadcast_in_dim3A_58, %mul3A_66 : vector<16xf32>
        %add3A_68 = arith.constant 1 : i32
        %add3A_69 = vector.broadcast %add3A_68 : i32 to vector<16xi32>
        %add3A_70 = arith.addi %mul3A_48, %add3A_69 : vector<16xi32>
        %gather3A_71 = tpu.vector_load_idx %arg11[%add3A_41, %add3A_70] : memref<256x128xf32, #tpu.memory_space<vmem>>[vector<16xi32>, vector<16xi32>], vector<16xf32>,
        %add3A_72 = arith.constant 1 : i32
        %add3A_73 = vector.broadcast %add3A_72 : i32 to vector<16xi32>
        %add3A_74 = arith.addi %mul3A_57, %add3A_73 : vector<16xi32>
        %gather3A_75 = tpu.vector_load_idx %arg12[%add3A_41, %add3A_74] : memref<256x128xf32, #tpu.memory_space<vmem>>[vector<16xi32>, vector<16xi32>], vector<16xf32>,
        %mul3A_76 = arith.mulf %gather3A_71, %gather3A_75 : vector<16xf32>
        %add3A_77 = arith.addf %add3A_67, %mul3A_76 : vector<16xf32>
        %add3A_78 = arith.constant 2 : i32
        %add3A_79 = vector.broadcast %add3A_78 : i32 to vector<16xi32>
        %add3A_80 = arith.addi %mul3A_48, %add3A_79 : vector<16xi32>
        %gather3A_81 = tpu.vector_load_idx %arg11[%add3A_41, %add3A_80] : memref<256x128xf32, #tpu.memory_space<vmem>>[vector<16xi32>, vector<16xi32>], vector<16xf32>,
        %add3A_82 = arith.constant 2 : i32
        %add3A_83 = vector.broadcast %add3A_82 : i32 to vector<16xi32>
        %add3A_84 = arith.addi %mul3A_57, %add3A_83 : vector<16xi32>
        %gather3A_85 = tpu.vector_load_idx %arg12[%add3A_41, %add3A_84] : memref<256x128xf32, #tpu.memory_space<vmem>>[vector<16xi32>, vector<16xi32>], vector<16xf32>,
        %mul3A_86 = arith.mulf %gather3A_81, %gather3A_85 : vector<16xf32>
        %add3A_87 = arith.addf %add3A_77, %mul3A_86 : vector<16xf32>
        %add3A_88 = arith.constant 3 : i32
        %add3A_89 = vector.broadcast %add3A_88 : i32 to vector<16xi32>
        %add3A_90 = arith.addi %mul3A_48, %add3A_89 : vector<16xi32>
        %gather3A_91 = tpu.vector_load_idx %arg11[%add3A_41, %add3A_90] : memref<256x128xf32, #tpu.memory_space<vmem>>[vector<16xi32>, vector<16xi32>], vector<16xf32>,
        %add3A_92 = arith.constant 3 : i32
        %add3A_93 = vector.broadcast %add3A_92 : i32 to vector<16xi32>
        %add3A_94 = arith.addi %mul3A_57, %add3A_93 : vector<16xi32>
        %gather3A_95 = tpu.vector_load_idx %arg12[%add3A_41, %add3A_94] : memref<256x128xf32, #tpu.memory_space<vmem>>[vector<16xi32>, vector<16xi32>], vector<16xf32>,
        %mul3A_96 = arith.mulf %gather3A_91, %gather3A_95 : vector<16xf32>
        %add3A_97 = arith.addf %add3A_87, %mul3A_96 : vector<16xf32>
        %add3A_98 = arith.constant 4 : i32
        %add3A_99 = vector.broadcast %add3A_98 : i32 to vector<16xi32>
        %add3A_100 = arith.addi %mul3A_48, %add3A_99 : vector<16xi32>
        %gather3A_101 = tpu.vector_load_idx %arg11[%add3A_41, %add3A_100] : memref<256x128xf32, #tpu.memory_space<vmem>>[vector<16xi32>, vector<16xi32>], vector<16xf32>,
        %add3A_102 = arith.constant 4 : i32
        %add3A_103 = vector.broadcast %add3A_102 : i32 to vector<16xi32>
        %add3A_104 = arith.addi %mul3A_57, %add3A_103 : vector<16xi32>
        %gather3A_105 = tpu.vector_load_idx %arg12[%add3A_41, %add3A_104] : memref<256x128xf32, #tpu.memory_space<vmem>>[vector<16xi32>, vector<16xi32>], vector<16xf32>,
        %mul3A_106 = arith.mulf %gather3A_101, %gather3A_105 : vector<16xf32>
        %add3A_107 = arith.addf %add3A_97, %mul3A_106 : vector<16xf32>
        %add3A_108 = arith.constant 5 : i32
        %add3A_109 = vector.broadcast %add3A_108 : i32 to vector<16xi32>
        %add3A_110 = arith.addi %mul3A_48, %add3A_109 : vector<16xi32>
        %gather3A_111 = tpu.vector_load_idx %arg11[%add3A_41, %add3A_110] : memref<256x128xf32, #tpu.memory_space<vmem>>[vector<16xi32>, vector<16xi32>], vector<16xf32>,
        %add3A_112 = arith.constant 5 : i32
        %add3A_113 = vector.broadcast %add3A_112 : i32 to vector<16xi32>
        %add3A_114 = arith.addi %mul3A_57, %add3A_113 : vector<16xi32>
        %gather3A_115 = tpu.vector_load_idx %arg12[%add3A_41, %add3A_114] : memref<256x128xf32, #tpu.memory_space<vmem>>[vector<16xi32>, vector<16xi32>], vector<16xf32>,
        %mul3A_116 = arith.mulf %gather3A_111, %gather3A_115 : vector<16xf32>
        %add3A_117 = arith.addf %add3A_107, %mul3A_116 : vector<16xf32>
        %add3A_118 = arith.constant 6 : i32
        %add3A_119 = vector.broadcast %add3A_118 : i32 to vector<16xi32>
        %add3A_120 = arith.addi %mul3A_48, %add3A_119 : vector<16xi32>
        %gather3A_121 = tpu.vector_load_idx %arg11[%add3A_41, %add3A_120] : memref<256x128xf32, #tpu.memory_space<vmem>>[vector<16xi32>, vector<16xi32>], vector<16xf32>,
        %add3A_122 = arith.constant 6 : i32
        %add3A_123 = vector.broadcast %add3A_122 : i32 to vector<16xi32>
        %add3A_124 = arith.addi %mul3A_57, %add3A_123 : vector<16xi32>
        %gather3A_125 = tpu.vector_load_idx %arg12[%add3A_41, %add3A_124] : memref<256x128xf32, #tpu.memory_space<vmem>>[vector<16xi32>, vector<16xi32>], vector<16xf32>,
        %mul3A_126 = arith.mulf %gather3A_121, %gather3A_125 : vector<16xf32>
        %add3A_127 = arith.addf %add3A_117, %mul3A_126 : vector<16xf32>
        %add3A_128 = arith.constant 7 : i32
        %add3A_129 = vector.broadcast %add3A_128 : i32 to vector<16xi32>
        %add3A_130 = arith.addi %mul3A_48, %add3A_129 : vector<16xi32>
        %gather3A_131 = tpu.vector_load_idx %arg11[%add3A_41, %add3A_130] : memref<256x128xf32, #tpu.memory_space<vmem>>[vector<16xi32>, vector<16xi32>], vector<16xf32>,
        %add3A_132 = arith.constant 7 : i32
        %add3A_133 = vector.broadcast %add3A_132 : i32 to vector<16xi32>
        %add3A_134 = arith.addi %mul3A_57, %add3A_133 : vector<16xi32>
        %gather3A_135 = tpu.vector_load_idx %arg12[%add3A_41, %add3A_134] : memref<256x128xf32, #tpu.memory_space<vmem>>[vector<16xi32>, vector<16xi32>], vector<16xf32>,
        %mul3A_136 = arith.mulf %gather3A_131, %gather3A_135 : vector<16xf32>
        %add3A_137 = arith.addf %add3A_127, %mul3A_136 : vector<16xf32>
        %add3A_138 = arith.constant 8 : i32
        %add3A_139 = vector.broadcast %add3A_138 : i32 to vector<16xi32>
        %add3A_140 = arith.addi %mul3A_48, %add3A_139 : vector<16xi32>
        %gather3A_141 = tpu.vector_load_idx %arg11[%add3A_41, %add3A_140] : memref<256x128xf32, #tpu.memory_space<vmem>>[vector<16xi32>, vector<16xi32>], vector<16xf32>,
        %add3A_142 = arith.constant 8 : i32
        %add3A_143 = vector.broadcast %add3A_142 : i32 to vector<16xi32>
        %add3A_144 = arith.addi %mul3A_57, %add3A_143 : vector<16xi32>
        %gather3A_145 = tpu.vector_load_idx %arg12[%add3A_41, %add3A_144] : memref<256x128xf32, #tpu.memory_space<vmem>>[vector<16xi32>, vector<16xi32>], vector<16xf32>,
        %mul3A_146 = arith.mulf %gather3A_141, %gather3A_145 : vector<16xf32>
        %add3A_147 = arith.addf %add3A_137, %mul3A_146 : vector<16xf32>
        %add3A_148 = arith.constant 9 : i32
        %add3A_149 = vector.broadcast %add3A_148 : i32 to vector<16xi32>
        %add3A_150 = arith.addi %mul3A_48, %add3A_149 : vector<16xi32>
        %gather3A_151 = tpu.vector_load_idx %arg11[%add3A_41, %add3A_150] : memref<256x128xf32, #tpu.memory_space<vmem>>[vector<16xi32>, vector<16xi32>], vector<16xf32>,
        %add3A_152 = arith.constant 9 : i32
        %add3A_153 = vector.broadcast %add3A_152 : i32 to vector<16xi32>
        %add3A_154 = arith.addi %mul3A_57, %add3A_153 : vector<16xi32>
        %gather3A_155 = tpu.vector_load_idx %arg12[%add3A_41, %add3A_154] : memref<256x128xf32, #tpu.memory_space<vmem>>[vector<16xi32>, vector<16xi32>], vector<16xf32>,
        %mul3A_156 = arith.mulf %gather3A_151, %gather3A_155 : vector<16xf32>
        %add3A_157 = arith.addf %add3A_147, %mul3A_156 : vector<16xf32>
        %add3A_158 = arith.constant 10 : i32
        %add3A_159 = vector.broadcast %add3A_158 : i32 to vector<16xi32>
        %add3A_160 = arith.addi %mul3A_48, %add3A_159 : vector<16xi32>
        %gather3A_161 = tpu.vector_load_idx %arg11[%add3A_41, %add3A_160] : memref<256x128xf32, #tpu.memory_space<vmem>>[vector<16xi32>, vector<16xi32>], vector<16xf32>,
        %add3A_162 = arith.constant 10 : i32
        %add3A_163 = vector.broadcast %add3A_162 : i32 to vector<16xi32>
        %add3A_164 = arith.addi %mul3A_57, %add3A_163 : vector<16xi32>
        %gather3A_165 = tpu.vector_load_idx %arg12[%add3A_41, %add3A_164] : memref<256x128xf32, #tpu.memory_space<vmem>>[vector<16xi32>, vector<16xi32>], vector<16xf32>,
        %mul3A_166 = arith.mulf %gather3A_161, %gather3A_165 : vector<16xf32>
        %add3A_167 = arith.addf %add3A_157, %mul3A_166 : vector<16xf32>
        %add3A_168 = arith.constant 11 : i32
        %add3A_169 = vector.broadcast %add3A_168 : i32 to vector<16xi32>
        %add3A_170 = arith.addi %mul3A_48, %add3A_169 : vector<16xi32>
        %gather3A_171 = tpu.vector_load_idx %arg11[%add3A_41, %add3A_170] : memref<256x128xf32, #tpu.memory_space<vmem>>[vector<16xi32>, vector<16xi32>], vector<16xf32>,
        %add3A_172 = arith.constant 11 : i32
        %add3A_173 = vector.broadcast %add3A_172 : i32 to vector<16xi32>
        %add3A_174 = arith.addi %mul3A_57, %add3A_173 : vector<16xi32>
        %gather3A_175 = tpu.vector_load_idx %arg12[%add3A_41, %add3A_174] : memref<256x128xf32, #tpu.memory_space<vmem>>[vector<16xi32>, vector<16xi32>], vector<16xf32>,
        %mul3A_176 = arith.mulf %gather3A_171, %gather3A_175 : vector<16xf32>
        %add3A_177 = arith.addf %add3A_167, %mul3A_176 : vector<16xf32>
        %add3A_178 = arith.constant 12 : i32
        %add3A_179 = vector.broadcast %add3A_178 : i32 to vector<16xi32>
        %add3A_180 = arith.addi %mul3A_48, %add3A_179 : vector<16xi32>
        %gather3A_181 = tpu.vector_load_idx %arg11[%add3A_41, %add3A_180] : memref<256x128xf32, #tpu.memory_space<vmem>>[vector<16xi32>, vector<16xi32>], vector<16xf32>,
        %add3A_182 = arith.constant 12 : i32
        %add3A_183 = vector.broadcast %add3A_182 : i32 to vector<16xi32>
        %add3A_184 = arith.addi %mul3A_57, %add3A_183 : vector<16xi32>
        %gather3A_185 = tpu.vector_load_idx %arg12[%add3A_41, %add3A_184] : memref<256x128xf32, #tpu.memory_space<vmem>>[vector<16xi32>, vector<16xi32>], vector<16xf32>,
        %mul3A_186 = arith.mulf %gather3A_181, %gather3A_185 : vector<16xf32>
        %add3A_187 = arith.addf %add3A_177, %mul3A_186 : vector<16xf32>
        %add3A_188 = arith.constant 13 : i32
        %add3A_189 = vector.broadcast %add3A_188 : i32 to vector<16xi32>
        %add3A_190 = arith.addi %mul3A_48, %add3A_189 : vector<16xi32>
        %gather3A_191 = tpu.vector_load_idx %arg11[%add3A_41, %add3A_190] : memref<256x128xf32, #tpu.memory_space<vmem>>[vector<16xi32>, vector<16xi32>], vector<16xf32>,
        %add3A_192 = arith.constant 13 : i32
        %add3A_193 = vector.broadcast %add3A_192 : i32 to vector<16xi32>
        %add3A_194 = arith.addi %mul3A_57, %add3A_193 : vector<16xi32>
        %gather3A_195 = tpu.vector_load_idx %arg12[%add3A_41, %add3A_194] : memref<256x128xf32, #tpu.memory_space<vmem>>[vector<16xi32>, vector<16xi32>], vector<16xf32>,
        %mul3A_196 = arith.mulf %gather3A_191, %gather3A_195 : vector<16xf32>
        %add3A_197 = arith.addf %add3A_187, %mul3A_196 : vector<16xf32>
        %add3A_198 = arith.constant 14 : i32
        %add3A_199 = vector.broadcast %add3A_198 : i32 to vector<16xi32>
        %add3A_200 = arith.addi %mul3A_48, %add3A_199 : vector<16xi32>
        %gather3A_201 = tpu.vector_load_idx %arg11[%add3A_41, %add3A_200] : memref<256x128xf32, #tpu.memory_space<vmem>>[vector<16xi32>, vector<16xi32>], vector<16xf32>,
        %add3A_202 = arith.constant 14 : i32
        %add3A_203 = vector.broadcast %add3A_202 : i32 to vector<16xi32>
        %add3A_204 = arith.addi %mul3A_57, %add3A_203 : vector<16xi32>
        %gather3A_205 = tpu.vector_load_idx %arg12[%add3A_41, %add3A_204] : memref<256x128xf32, #tpu.memory_space<vmem>>[vector<16xi32>, vector<16xi32>], vector<16xf32>,
        %mul3A_206 = arith.mulf %gather3A_201, %gather3A_205 : vector<16xf32>
        %add3A_207 = arith.addf %add3A_197, %mul3A_206 : vector<16xf32>
        %add3A_208 = arith.constant 15 : i32
        %add3A_209 = vector.broadcast %add3A_208 : i32 to vector<16xi32>
        %add3A_210 = arith.addi %mul3A_48, %add3A_209 : vector<16xi32>
        %gather3A_211 = tpu.vector_load_idx %arg11[%add3A_41, %add3A_210] : memref<256x128xf32, #tpu.memory_space<vmem>>[vector<16xi32>, vector<16xi32>], vector<16xf32>,
        %add3A_212 = arith.constant 15 : i32
        %add3A_213 = vector.broadcast %add3A_212 : i32 to vector<16xi32>
        %add3A_214 = arith.addi %mul3A_57, %add3A_213 : vector<16xi32>
        %gather3A_215 = tpu.vector_load_idx %arg12[%add3A_41, %add3A_214] : memref<256x128xf32, #tpu.memory_space<vmem>>[vector<16xi32>, vector<16xi32>], vector<16xf32>,
        %mul3A_216 = arith.mulf %gather3A_211, %gather3A_215 : vector<16xf32>
        %add3A_217 = arith.addf %add3A_207, %mul3A_216 : vector<16xf32>
        %add3A_218 = arith.constant 16 : i32
        %add3A_219 = vector.broadcast %add3A_218 : i32 to vector<16xi32>
        %add3A_220 = arith.addi %mul3A_48, %add3A_219 : vector<16xi32>
        %gather3A_221 = tpu.vector_load_idx %arg11[%add3A_41, %add3A_220] : memref<256x128xf32, #tpu.memory_space<vmem>>[vector<16xi32>, vector<16xi32>], vector<16xf32>,
        %add3A_222 = arith.constant 16 : i32
        %add3A_223 = vector.broadcast %add3A_222 : i32 to vector<16xi32>
        %add3A_224 = arith.addi %mul3A_57, %add3A_223 : vector<16xi32>
        %gather3A_225 = tpu.vector_load_idx %arg12[%add3A_41, %add3A_224] : memref<256x128xf32, #tpu.memory_space<vmem>>[vector<16xi32>, vector<16xi32>], vector<16xf32>,
        %mul3A_226 = arith.mulf %gather3A_221, %gather3A_225 : vector<16xf32>
        %add3A_227 = arith.addf %add3A_217, %mul3A_226 : vector<16xf32>
        %add3A_228 = arith.constant 17 : i32
        %add3A_229 = vector.broadcast %add3A_228 : i32 to vector<16xi32>
        %add3A_230 = arith.addi %mul3A_48, %add3A_229 : vector<16xi32>
        %gather3A_231 = tpu.vector_load_idx %arg11[%add3A_41, %add3A_230] : memref<256x128xf32, #tpu.memory_space<vmem>>[vector<16xi32>, vector<16xi32>], vector<16xf32>,
        %add3A_232 = arith.constant 17 : i32
        %add3A_233 = vector.broadcast %add3A_232 : i32 to vector<16xi32>
        %add3A_234 = arith.addi %mul3A_57, %add3A_233 : vector<16xi32>
        %gather3A_235 = tpu.vector_load_idx %arg12[%add3A_41, %add3A_234] : memref<256x128xf32, #tpu.memory_space<vmem>>[vector<16xi32>, vector<16xi32>], vector<16xf32>,
        %mul3A_236 = arith.mulf %gather3A_231, %gather3A_235 : vector<16xf32>
        %add3A_237 = arith.addf %add3A_227, %mul3A_236 : vector<16xf32>
        %add3A_238 = arith.constant 18 : i32
        %add3A_239 = vector.broadcast %add3A_238 : i32 to vector<16xi32>
        %add3A_240 = arith.addi %mul3A_48, %add3A_239 : vector<16xi32>
        %gather3A_241 = tpu.vector_load_idx %arg11[%add3A_41, %add3A_240] : memref<256x128xf32, #tpu.memory_space<vmem>>[vector<16xi32>, vector<16xi32>], vector<16xf32>,
        %add3A_242 = arith.constant 18 : i32
        %add3A_243 = vector.broadcast %add3A_242 : i32 to vector<16xi32>
        %add3A_244 = arith.addi %mul3A_57, %add3A_243 : vector<16xi32>
        %gather3A_245 = tpu.vector_load_idx %arg12[%add3A_41, %add3A_244] : memref<256x128xf32, #tpu.memory_space<vmem>>[vector<16xi32>, vector<16xi32>], vector<16xf32>,
        %mul3A_246 = arith.mulf %gather3A_241, %gather3A_245 : vector<16xf32>
        %add3A_247 = arith.addf %add3A_237, %mul3A_246 : vector<16xf32>
        %add3A_248 = arith.constant 19 : i32
        %add3A_249 = vector.broadcast %add3A_248 : i32 to vector<16xi32>
        %add3A_250 = arith.addi %mul3A_48, %add3A_249 : vector<16xi32>
        %gather3A_251 = tpu.vector_load_idx %arg11[%add3A_41, %add3A_250] : memref<256x128xf32, #tpu.memory_space<vmem>>[vector<16xi32>, vector<16xi32>], vector<16xf32>,
        %add3A_252 = arith.constant 19 : i32
        %add3A_253 = vector.broadcast %add3A_252 : i32 to vector<16xi32>
        %add3A_254 = arith.addi %mul3A_57, %add3A_253 : vector<16xi32>
        %gather3A_255 = tpu.vector_load_idx %arg12[%add3A_41, %add3A_254] : memref<256x128xf32, #tpu.memory_space<vmem>>[vector<16xi32>, vector<16xi32>], vector<16xf32>,
        %mul3A_256 = arith.mulf %gather3A_251, %gather3A_255 : vector<16xf32>
        %add3A_257 = arith.addf %add3A_247, %mul3A_256 : vector<16xf32>
        %add3A_258 = arith.constant 20 : i32
        %add3A_259 = vector.broadcast %add3A_258 : i32 to vector<16xi32>
        %add3A_260 = arith.addi %mul3A_48, %add3A_259 : vector<16xi32>
        %gather3A_261 = tpu.vector_load_idx %arg11[%add3A_41, %add3A_260] : memref<256x128xf32, #tpu.memory_space<vmem>>[vector<16xi32>, vector<16xi32>], vector<16xf32>,
        %add3A_262 = arith.constant 20 : i32
        %add3A_263 = vector.broadcast %add3A_262 : i32 to vector<16xi32>
        %add3A_264 = arith.addi %mul3A_57, %add3A_263 : vector<16xi32>
        %gather3A_265 = tpu.vector_load_idx %arg12[%add3A_41, %add3A_264] : memref<256x128xf32, #tpu.memory_space<vmem>>[vector<16xi32>, vector<16xi32>], vector<16xf32>,
        %mul3A_266 = arith.mulf %gather3A_261, %gather3A_265 : vector<16xf32>
        %add3A_267 = arith.addf %add3A_257, %mul3A_266 : vector<16xf32>
        %add3A_268 = arith.constant 21 : i32
        %add3A_269 = vector.broadcast %add3A_268 : i32 to vector<16xi32>
        %add3A_270 = arith.addi %mul3A_48, %add3A_269 : vector<16xi32>
        %gather3A_271 = tpu.vector_load_idx %arg11[%add3A_41, %add3A_270] : memref<256x128xf32, #tpu.memory_space<vmem>>[vector<16xi32>, vector<16xi32>], vector<16xf32>,
        %add3A_272 = arith.constant 21 : i32
        %add3A_273 = vector.broadcast %add3A_272 : i32 to vector<16xi32>
        %add3A_274 = arith.addi %mul3A_57, %add3A_273 : vector<16xi32>
        %gather3A_275 = tpu.vector_load_idx %arg12[%add3A_41, %add3A_274] : memref<256x128xf32, #tpu.memory_space<vmem>>[vector<16xi32>, vector<16xi32>], vector<16xf32>,
        %mul3A_276 = arith.mulf %gather3A_271, %gather3A_275 : vector<16xf32>
        %add3A_277 = arith.addf %add3A_267, %mul3A_276 : vector<16xf32>
        %add3A_278 = arith.constant 22 : i32
        %add3A_279 = vector.broadcast %add3A_278 : i32 to vector<16xi32>
        %add3A_280 = arith.addi %mul3A_48, %add3A_279 : vector<16xi32>
        %gather3A_281 = tpu.vector_load_idx %arg11[%add3A_41, %add3A_280] : memref<256x128xf32, #tpu.memory_space<vmem>>[vector<16xi32>, vector<16xi32>], vector<16xf32>,
        %add3A_282 = arith.constant 22 : i32
        %add3A_283 = vector.broadcast %add3A_282 : i32 to vector<16xi32>
        %add3A_284 = arith.addi %mul3A_57, %add3A_283 : vector<16xi32>
        %gather3A_285 = tpu.vector_load_idx %arg12[%add3A_41, %add3A_284] : memref<256x128xf32, #tpu.memory_space<vmem>>[vector<16xi32>, vector<16xi32>], vector<16xf32>,
        %mul3A_286 = arith.mulf %gather3A_281, %gather3A_285 : vector<16xf32>
        %add3A_287 = arith.addf %add3A_277, %mul3A_286 : vector<16xf32>
        %add3A_288 = arith.constant 23 : i32
        %add3A_289 = vector.broadcast %add3A_288 : i32 to vector<16xi32>
        %add3A_290 = arith.addi %mul3A_48, %add3A_289 : vector<16xi32>
        %gather3A_291 = tpu.vector_load_idx %arg11[%add3A_41, %add3A_290] : memref<256x128xf32, #tpu.memory_space<vmem>>[vector<16xi32>, vector<16xi32>], vector<16xf32>,
        %add3A_292 = arith.constant 23 : i32
        %add3A_293 = vector.broadcast %add3A_292 : i32 to vector<16xi32>
        %add3A_294 = arith.addi %mul3A_57, %add3A_293 : vector<16xi32>
        %gather3A_295 = tpu.vector_load_idx %arg12[%add3A_41, %add3A_294] : memref<256x128xf32, #tpu.memory_space<vmem>>[vector<16xi32>, vector<16xi32>], vector<16xf32>,
        %mul3A_296 = arith.mulf %gather3A_291, %gather3A_295 : vector<16xf32>
        %add3A_297 = arith.addf %add3A_287, %mul3A_296 : vector<16xf32>
        %add3A_298 = arith.constant 24 : i32
        %add3A_299 = vector.broadcast %add3A_298 : i32 to vector<16xi32>
        %add3A_300 = arith.addi %mul3A_48, %add3A_299 : vector<16xi32>
        %gather3A_301 = tpu.vector_load_idx %arg11[%add3A_41, %add3A_300] : memref<256x128xf32, #tpu.memory_space<vmem>>[vector<16xi32>, vector<16xi32>], vector<16xf32>,
        %add3A_302 = arith.constant 24 : i32
        %add3A_303 = vector.broadcast %add3A_302 : i32 to vector<16xi32>
        %add3A_304 = arith.addi %mul3A_57, %add3A_303 : vector<16xi32>
        %gather3A_305 = tpu.vector_load_idx %arg12[%add3A_41, %add3A_304] : memref<256x128xf32, #tpu.memory_space<vmem>>[vector<16xi32>, vector<16xi32>], vector<16xf32>,
        %mul3A_306 = arith.mulf %gather3A_301, %gather3A_305 : vector<16xf32>
        %add3A_307 = arith.addf %add3A_297, %mul3A_306 : vector<16xf32>
        %add3A_308 = arith.constant 25 : i32
        %add3A_309 = vector.broadcast %add3A_308 : i32 to vector<16xi32>
        %add3A_310 = arith.addi %mul3A_48, %add3A_309 : vector<16xi32>
        %gather3A_311 = tpu.vector_load_idx %arg11[%add3A_41, %add3A_310] : memref<256x128xf32, #tpu.memory_space<vmem>>[vector<16xi32>, vector<16xi32>], vector<16xf32>,
        %add3A_312 = arith.constant 25 : i32
        %add3A_313 = vector.broadcast %add3A_312 : i32 to vector<16xi32>
        %add3A_314 = arith.addi %mul3A_57, %add3A_313 : vector<16xi32>
        %gather3A_315 = tpu.vector_load_idx %arg12[%add3A_41, %add3A_314] : memref<256x128xf32, #tpu.memory_space<vmem>>[vector<16xi32>, vector<16xi32>], vector<16xf32>,
        %mul3A_316 = arith.mulf %gather3A_311, %gather3A_315 : vector<16xf32>
        %add3A_317 = arith.addf %add3A_307, %mul3A_316 : vector<16xf32>
        %add3A_318 = arith.constant 26 : i32
        %add3A_319 = vector.broadcast %add3A_318 : i32 to vector<16xi32>
        %add3A_320 = arith.addi %mul3A_48, %add3A_319 : vector<16xi32>
        %gather3A_321 = tpu.vector_load_idx %arg11[%add3A_41, %add3A_320] : memref<256x128xf32, #tpu.memory_space<vmem>>[vector<16xi32>, vector<16xi32>], vector<16xf32>,
        %add3A_322 = arith.constant 26 : i32
        %add3A_323 = vector.broadcast %add3A_322 : i32 to vector<16xi32>
        %add3A_324 = arith.addi %mul3A_57, %add3A_323 : vector<16xi32>
        %gather3A_325 = tpu.vector_load_idx %arg12[%add3A_41, %add3A_324] : memref<256x128xf32, #tpu.memory_space<vmem>>[vector<16xi32>, vector<16xi32>], vector<16xf32>,
        %mul3A_326 = arith.mulf %gather3A_321, %gather3A_325 : vector<16xf32>
        %add3A_327 = arith.addf %add3A_317, %mul3A_326 : vector<16xf32>
        %add3A_328 = arith.constant 27 : i32
        %add3A_329 = vector.broadcast %add3A_328 : i32 to vector<16xi32>
        %add3A_330 = arith.addi %mul3A_48, %add3A_329 : vector<16xi32>
        %gather3A_331 = tpu.vector_load_idx %arg11[%add3A_41, %add3A_330] : memref<256x128xf32, #tpu.memory_space<vmem>>[vector<16xi32>, vector<16xi32>], vector<16xf32>,
        %add3A_332 = arith.constant 27 : i32
        %add3A_333 = vector.broadcast %add3A_332 : i32 to vector<16xi32>
        %add3A_334 = arith.addi %mul3A_57, %add3A_333 : vector<16xi32>
        %gather3A_335 = tpu.vector_load_idx %arg12[%add3A_41, %add3A_334] : memref<256x128xf32, #tpu.memory_space<vmem>>[vector<16xi32>, vector<16xi32>], vector<16xf32>,
        %mul3A_336 = arith.mulf %gather3A_331, %gather3A_335 : vector<16xf32>
        %add3A_337 = arith.addf %add3A_327, %mul3A_336 : vector<16xf32>
        %add3A_338 = arith.constant 28 : i32
        %add3A_339 = vector.broadcast %add3A_338 : i32 to vector<16xi32>
        %add3A_340 = arith.addi %mul3A_48, %add3A_339 : vector<16xi32>
        %gather3A_341 = tpu.vector_load_idx %arg11[%add3A_41, %add3A_340] : memref<256x128xf32, #tpu.memory_space<vmem>>[vector<16xi32>, vector<16xi32>], vector<16xf32>,
        %add3A_342 = arith.constant 28 : i32
        %add3A_343 = vector.broadcast %add3A_342 : i32 to vector<16xi32>
        %add3A_344 = arith.addi %mul3A_57, %add3A_343 : vector<16xi32>
        %gather3A_345 = tpu.vector_load_idx %arg12[%add3A_41, %add3A_344] : memref<256x128xf32, #tpu.memory_space<vmem>>[vector<16xi32>, vector<16xi32>], vector<16xf32>,
        %mul3A_346 = arith.mulf %gather3A_341, %gather3A_345 : vector<16xf32>
        %add3A_347 = arith.addf %add3A_337, %mul3A_346 : vector<16xf32>
        %add3A_348 = arith.constant 29 : i32
        %add3A_349 = vector.broadcast %add3A_348 : i32 to vector<16xi32>
        %add3A_350 = arith.addi %mul3A_48, %add3A_349 : vector<16xi32>
        %gather3A_351 = tpu.vector_load_idx %arg11[%add3A_41, %add3A_350] : memref<256x128xf32, #tpu.memory_space<vmem>>[vector<16xi32>, vector<16xi32>], vector<16xf32>,
        %add3A_352 = arith.constant 29 : i32
        %add3A_353 = vector.broadcast %add3A_352 : i32 to vector<16xi32>
        %add3A_354 = arith.addi %mul3A_57, %add3A_353 : vector<16xi32>
        %gather3A_355 = tpu.vector_load_idx %arg12[%add3A_41, %add3A_354] : memref<256x128xf32, #tpu.memory_space<vmem>>[vector<16xi32>, vector<16xi32>], vector<16xf32>,
        %mul3A_356 = arith.mulf %gather3A_351, %gather3A_355 : vector<16xf32>
        %add3A_357 = arith.addf %add3A_347, %mul3A_356 : vector<16xf32>
        %add3A_358 = arith.constant 30 : i32
        %add3A_359 = vector.broadcast %add3A_358 : i32 to vector<16xi32>
        %add3A_360 = arith.addi %mul3A_48, %add3A_359 : vector<16xi32>
        %gather3A_361 = tpu.vector_load_idx %arg11[%add3A_41, %add3A_360] : memref<256x128xf32, #tpu.memory_space<vmem>>[vector<16xi32>, vector<16xi32>], vector<16xf32>,
        %add3A_362 = arith.constant 30 : i32
        %add3A_363 = vector.broadcast %add3A_362 : i32 to vector<16xi32>
        %add3A_364 = arith.addi %mul3A_57, %add3A_363 : vector<16xi32>
        %gather3A_365 = tpu.vector_load_idx %arg12[%add3A_41, %add3A_364] : memref<256x128xf32, #tpu.memory_space<vmem>>[vector<16xi32>, vector<16xi32>], vector<16xf32>,
        %mul3A_366 = arith.mulf %gather3A_361, %gather3A_365 : vector<16xf32>
        %add3A_367 = arith.addf %add3A_357, %mul3A_366 : vector<16xf32>
        %add3A_368 = arith.constant 31 : i32
        %add3A_369 = vector.broadcast %add3A_368 : i32 to vector<16xi32>
        %add3A_370 = arith.addi %mul3A_48, %add3A_369 : vector<16xi32>
        %gather3A_371 = tpu.vector_load_idx %arg11[%add3A_41, %add3A_370] : memref<256x128xf32, #tpu.memory_space<vmem>>[vector<16xi32>, vector<16xi32>], vector<16xf32>,
        %add3A_372 = arith.constant 31 : i32
        %add3A_373 = vector.broadcast %add3A_372 : i32 to vector<16xi32>
        %add3A_374 = arith.addi %mul3A_57, %add3A_373 : vector<16xi32>
        %gather3A_375 = tpu.vector_load_idx %arg12[%add3A_41, %add3A_374] : memref<256x128xf32, #tpu.memory_space<vmem>>[vector<16xi32>, vector<16xi32>], vector<16xf32>,
        %mul3A_376 = arith.mulf %gather3A_371, %gather3A_375 : vector<16xf32>
        %add3A_377 = arith.addf %add3A_367, %mul3A_376 : vector<16xf32>
        %add3A_378 = arith.addi %mul3A_16, %mul3A_39 : i32
        %swap3A = arith.index_cast %add3A_378 : i32 to index
        %swap3A_379 = tpu.vector_load %arg13[%swap3A] {strides = array<i32>} : memref<512xf32, #tpu.memory_space<vmem>>, vector<16xf32>,
        tpu.vector_store %arg13[%swap3A], %add3A_377 {strides = array<i32>} : memref<512xf32, #tpu.memory_space<vmem>>, vector<16xf32>,
      }
      %scan3A_36 = arith.constant 16 : i32
    }
    %scan3A_13 = arith.constant 2 : i32
    "tpu.region"() ({
      %run_scoped3A = tpu.sem_alloc : memref<!tpu.dma_semaphore, #tpu.memory_space<semaphore_mem>>
      %dma_start3A = tpu.memref_slice %arg6[%mul3A_2] : memref<16384xf32, #tpu.memory_space<hbm>> -> memref<512xf32, #tpu.memory_space<hbm>>
      %dma_start3A_14 = tpu.memref_slice %arg6[%mul3A_2] : memref<16384xf32, #tpu.memory_space<hbm>> -> memref<512xf32, #tpu.memory_space<hbm>>
      tpu.enqueue_dma source(%arg13 : memref<512xf32, #tpu.memory_space<vmem>>) target(%dma_start3A_14 : memref<512xf32, #tpu.memory_space<hbm>>) target_semaphore(%run_scoped3A : memref<!tpu.dma_semaphore, #tpu.memory_space<semaphore_mem>>)
      %dma_wait3A = tpu.memref_slice %arg6[%mul3A_2] : memref<16384xf32, #tpu.memory_space<hbm>> -> memref<512xf32, #tpu.memory_space<hbm>>
      %dma_wait3A_15 = tpu.memref_slice %arg6[%mul3A_2] : memref<16384xf32, #tpu.memory_space<hbm>> -> memref<512xf32, #tpu.memory_space<hbm>>
      tpu.wait_dma2 semaphore(%run_scoped3A : memref<!tpu.dma_semaphore, #tpu.memory_space<semaphore_mem>>) src(%arg13 : memref<512xf32, #tpu.memory_space<vmem>>) dst(%dma_wait3A_15 : memref<512xf32, #tpu.memory_space<hbm>>)
      tpu.yield
    }) : () -> ()
    return
  }
}

</mosaic_0001>

<sc_bundles>
// kernel: kernel.4.cloned.1.call-start
scs
__scs_entry_jumppad:
0x0: {  	(pc) =	sbr.rel $0x88, $3  }
0x1: {  	(tag) =	ssettag $0x0;
	lr =	simm.s32 $0x1  }
0x2: {  	[smem:$0x3F9D] =	sst lr;
	_ =	strace $0xD0000000  }
0x3: {  	_ = 	snop  }
0x4: {  	_ = 	snop  }
0x5: {  	_ = 	snop  }
0x6: {  	_ = 	snop  }
0x7: {  	_ = 	snop  }
__scs_overlays_trampoline_lowered:
0x8: {  	[smem:$0x3FAC] =	sst s0  }
0x9: {  	[smem:$0x3FAD] =	sst s1  }
0xa: {  	[smem:$0x3FAE] =	sst s2  }
0xb: {  	[smem:$0x3FAF] =	sst s3  }
0xc: {  	[smem:$0x3FB0] =	sst s4  }
0xd: {  	[smem:$0x3FB1] =	sst s5  }
0xe: {  	[smem:$0x3FB2] =	sst s6  }
0xf: {  	[smem:$0x3FB3] =	sst s7  }
0x10: {  	[smem:$0x3FB4] =	sst s8  }
0x11: {  	[smem:$0x3FB5] =	sst s9;
	s0 =	simm.s32 @!p0 $0x0  }
0x12: {  	s1 =	sld [smem:$0x3F9B];
	s0 =	simm.s32 @p0 $0x1  }
0x13: {  	[smem:$0x3FB6] =	sst s0;
	s0 =	simm.s32 @!p1 $0x0  }
0x14: {  	s2 =	sld [smem:$0x3F9A];
	s0 =	simm.s32 @p1 $0x1  }
0x15: {  	[smem:$0x3FB7] =	sst s0;
	s0 =	simm.s32 @!p2 $0x0  }
0x16: {  	s3 =	sld [smem:$0x3FDB];
	s0 =	simm.s32 @p2 $0x1  }
0x17: {  	s4 =	simm.s32 $0x1BF5;
	[smem:$0x3FB9] =	sst s0  }
0x18: {  	s0 =	sld [smem:$0x3F9C];
	_ =	swait.ge [sflag:s4], $0x0  }
0x19: {  	s7 =	sld [smem:$0x3F9D]  }
0x1a: {  	s8 =	sadd.s32 $0xFFFFE003, lr  }
0x1b: {  	s9 =	sadd.s32 $0xFFFFFEF7, lr;
	s5 =	simm.s32 $0xFFFFFFFF;
	p2 =	slt.u32 s8, $0xFFFFF086  }
0x1c: {  	p1 =	slt.u32 s9, $0xF7A;
	s5 =	simm.s32 @!p2 $0x0  }
0x1d: {  	s5 =	simm.s32 @p1 $0x1;
	p0 =	seq.s32 s7, s2  }
0x1e: {  	s7 =	smul.u32 @!p0 $0xF7A, s2;
	p2 =	seq.s32 @!p0 s5, $0x0  }
0x1f: {  	s9 =	smul.u32 $0xF7A, s1;
	s8 =	simm.s32 @!p0 $0x1BF5;
	p2 =	por !p2, p0  }
0x20: {  	[sflag:s8] =	ssyncset.s32 @!p0 $0xFFFFF086;
	s6 =	sadd.s32 @!p0 s3, s7;
	s7 =	simm.s32 @!p0 $0x108  }
0x21: {  	s3 =	sadd.s32 s3, s9;
	s6 =	sadd.s32 @!p0 $0x88, s6;
	s7 =	simm.s32 @p2 $0x1082  }
0x22: {  	[simem:s7], [sflag:s8] =	dma.local @!p0 [hbm:s6], $0xF7A  }
0x23: {  	s9 =	sor.u32 $0xD0000000, s2;
	s6 =	simm.s32 $0x108;
	_ =	swait.ge @!p0 [sflag:s8], $0x0  }
0x24: {  	s3 =	sadd.s32 $0x88, s3;
	s6 =	simm.s32 @!p1 $0x1082;
	[sflag:s4] =	ssyncset.s32 $0xFFFFF086  }
0x25: {  	[simem:s6], [sflag:s4] =	dma.local [hbm:s3], $0xF7A  }
0x26: {  	[smem:$0x3F9D] =	sst s1;
	(tag) =	ssettag s2;
	_ =	strace s9  }
0x27: {  	s1 =	sld [smem:$0x3FAD]  }
0x28: {  	s2 =	sld [smem:$0x3FAE]  }
0x29: {  	s4 =	sld [smem:$0x3FB0]  }
0x2a: {  	p0 =	seq.s32 s5, $0x0;
	s5 =	sld [smem:$0x3FB1]  }
0x2b: {  	s6 =	sld [smem:$0x3FB2]  }
0x2c: {  	s7 =	sld [smem:$0x3FB3]  }
0x2d: {  	s3 =	simm.s32 $0x108;
	s8 =	sld [smem:$0x3FB4]  }
0x2e: {  	s3 =	simm.s32 @!p0 $0x1082;
	s9 =	sld [smem:$0x3FB5]  }
0x2f: {  	lr =	sadd.s32 s0, s3;
	s0 =	sld [smem:$0x3FAC]  }
0x30: {  	s3 =	sld [smem:$0x3FAF]  }
0x31: {  	[smem:$0x3FB8] =	sst s10  }
0x32: {  	s10 =	sld [smem:$0x3FB6];
	_ =	sdelay $0x3  }
0x33: {  	p0 =	seq.s32 s10, $0x1;
	s10 =	sld [smem:$0x3FB8];
	_ =	sdelay $0x3  }
0x34: {  	[smem:$0x3FB8] =	sst s10  }
0x35: {  	s10 =	sld [smem:$0x3FB7];
	_ =	sdelay $0x3  }
0x36: {  	p1 =	seq.s32 s10, $0x1;
	s10 =	sld [smem:$0x3FB8];
	_ =	sdelay $0x3  }
0x37: {  	[smem:$0x3FB8] =	sst s10  }
0x38: {  	s10 =	sld [smem:$0x3FB9]  }
0x39: {  	_ = 	snop;
	(pc) =	sbr.ind lr, $3  }
0x3a: {  	_ = 	snop  }
0x3b: {  	_ = 	snop  }
0x3c: {  	p2 =	seq.s32 s10, $0x1;
	s10 =	sld [smem:$0x3FB8]  }
0x3d: {  	_ =	shalt  }
0x3e: {  	_ =	shalt  }
0x3f: {  	_ =	shalt  }
0x40: {  	_ =	shalt  }
0x41: {  	_ =	shalt  }
0x42: {  	_ =	shalt  }
0x43: {  	_ =	shalt  }
0x44: {  	_ =	shalt  }
0x45: {  	_ =	shalt  }
0x46: {  	_ =	shalt  }
0x47: {  	_ =	shalt  }
0x48: {  	_ =	shalt  }
0x49: {  	_ =	shalt  }
0x4a: {  	_ =	shalt  }
0x4b: {  	_ =	shalt  }
0x4c: {  	_ =	shalt  }
0x4d: {  	_ =	shalt  }
0x4e: {  	_ =	shalt  }
0x4f: {  	_ =	shalt  }
0x50: {  	_ =	shalt  }
0x51: {  	_ =	shalt  }
0x52: {  	_ =	shalt  }
0x53: {  	_ =	shalt  }
0x54: {  	_ =	shalt  }
0x55: {  	_ =	shalt  }
0x56: {  	_ =	shalt  }
0x57: {  	_ =	shalt  }
0x58: {  	_ =	shalt  }
0x59: {  	_ =	shalt  }
0x5a: {  	_ =	shalt  }
0x5b: {  	_ =	shalt  }
0x5c: {  	_ =	shalt  }
0x5d: {  	_ =	shalt  }
0x5e: {  	_ =	shalt  }
0x5f: {  	_ =	shalt  }
0x60: {  	_ =	shalt  }
0x61: {  	_ =	shalt  }
0x62: {  	_ =	shalt  }
0x63: {  	_ =	shalt  }
0x64: {  	_ =	shalt  }
0x65: {  	_ =	shalt  }
0x66: {  	_ =	shalt  }
0x67: {  	_ =	shalt  }
0x68: {  	_ =	shalt  }
0x69: {  	_ =	shalt  }
0x6a: {  	_ =	shalt  }
0x6b: {  	_ =	shalt  }
0x6c: {  	_ =	shalt  }
0x6d: {  	_ =	shalt  }
0x6e: {  	_ =	shalt  }
0x6f: {  	_ =	shalt  }
0x70: {  	_ =	shalt  }
0x71: {  	_ =	shalt  }
0x72: {  	_ =	shalt  }
0x73: {  	_ =	shalt  }
0x74: {  	_ =	shalt  }
0x75: {  	_ =	shalt  }
0x76: {  	_ =	shalt  }
0x77: {  	_ =	shalt  }
0x78: {  	_ =	shalt  }
0x79: {  	_ =	shalt  }
0x7a: {  	_ =	shalt  }
0x7b: {  	_ =	shalt  }
0x7c: {  	_ =	shalt  }
0x7d: {  	_ =	shalt  }
0x7e: {  	_ =	shalt  }
0x7f: {  	_ =	shalt  }
0x80: {  	_ =	shalt  }
0x81: {  	_ =	shalt  }
0x82: {  	_ =	shalt  }
0x83: {  	_ =	shalt  }
0x84: {  	_ =	shalt  }
0x85: {  	_ =	shalt  }
0x86: {  	_ =	shalt  }
0x87: {  	_ =	shalt  }
.Lfunc_end0:
.L_simem_size_0:
called_computation_lowered:
.L_overlay_start_0:
0x88: {  	s2 =	sld [smem:$0x3FD9]  }
0x89: {  	s3 =	sld [smem:$0x3FFE];
	_ =	sdelay $0x1  }
0x8a: {  	s1 =	srdreg.scid  }
0x8b: {  	s0 =	sand.u32 $0x1, s1  }
0x8c: {  	s17 =	sshll.u32 s0, $0xA;
	s2 =	sadd.s32 s3, s2  }
0x8d: {  	s2 =	sadd.s32 s2, s17  }
0x8e: {  	[smem:$0x3FC4] =	sst s2  }
0x8f: {  	_ = 	snop  }
0x90: {  	s2 =	sld [smem:$0x3FC7]  }
0x91: {  	s18 =	sld [smem:$0x3FC6];
	(tm) =	ssettm $0x1  }
0x92: {  	s4 =	sld [smem:$0x3FFB];
	_ =	sdelay $0x3  }
0x93: {  	_ =	strace s4  }
0x94: {  	s4 =	sld [smem:$0x3FFC];
	_ =	sdelay $0x3  }
0x95: {  	_ =	strace s4  }
0x96: {  	s4 =	sld [smem:$0x3FFD];
	_ =	sdelay $0x3  }
0x97: {  	_ =	strace s4  }
0x98: {  	_ =	strace $0x8FFFFFFF  }
0x99: {  	s19 =	sld [smem:$0x3FDB];
	_ =	sdelay $0x1  }
0x9a: {  	s5 =	simm.s32 $_scs_section_size  }
0x9b: {  	s6 =	simm.s32 $_size__tile_overlayer_lowered;
	s7 =	simm.s32 $_tile_overlayer_lowered  }
0x9c: {  	s22 =	simm.s32 $0x1BFF;
	s21 =	sshll.u32 s7, $0x1;
	s4 =	sadd.s32 s5, s19  }
0x9d: {  	s8 =	simm.s32 $0x0;
	s20 =	sshll.u32 s6, $0x1;
	s6 =	sadd.s32 s21, s4  }
0x9e: {  	[timem:s8], [sflag:s22] =	dma.local [hbm:s6], s20  }
0x9f: {  	_ =	swait.ge [sflag:s22], s20  }
0xa0: {  	s5 =	ssub.s32 $0x0, s20;
	[sflag:s22] =	ssyncset.done $0x0  }
0xa1: {  	[sflag:s22] =	ssyncadd.s32 s5;
	_ =	sdelay $0x1  }
0xa2: {  	s23 =	simm.s32 $0x1B8B  }
0xa3: {  	_ =	swait.ge [sflag:s23], $0x1  }
0xa4: {  	[sflag:s23] =	ssyncset.done $0x0  }
0xa5: {  	s25 =	simm.s32 $0x1B8E;
	s24 =	sld [smem:$0x3FFE];
	[sflag:s23] =	ssyncadd.s32 $0xFFFFFFFF  }
0xa6: {  	s26 =	simm.s32 $execute0_lowered;
	[smem:$0x3FD2] =	sst s25  }
0xa7: {  	s6 =	sshll.u32 s26, $0x1;
	_ =	strace $0x80000046;
	[dreg:$0x1] =	wrdreg $0xFFFFFFFF  }
0xa8: {  	s28 =	simm.s32 $_size_execute0_lowered;
	s4 =	sadd.s32 s4, s6;
	[dreg:$0x0] =	wrdreg $0x0  }
0xa9: {  	s6 =	sshll.u32 s28, $0x1;
	[dreg:$0x2] =	wrdreg s4  }
0xaa: {  	[dreg:$0x3] =	wrdreg s6  }
0xab: {  	[dreg:$0x4] =	wrdreg $0xC0  }
0xac: {  	_ =	task [dreg:s8], $0x5FFFF  }
0xad: {  	[dreg:$0x1] =	wrdreg $0xFFFFFFFF  }
0xae: {  	[dreg:$0x0] =	wrdreg $0x60  }
0xaf: {  	[dreg:$0x2] =	wrdreg s2  }
0xb0: {  	[dreg:$0x3] =	wrdreg s18  }
0xb1: {  	[dreg:$0x4] =	wrdreg s24  }
0xb2: {  	[dreg:$0x5] =	wrdreg $0x9  }
0xb3: {  	_ =	task.clear_ibuf [dreg:s8], $0x6FFFF;
	_ =	strace $0x90000046  }
0xb4: {  	s29 =	simm.s32 $0x9;
	_ =	strace $0x80000048  }
0xb5: {  	_ =	swait.ge [sflag:s29], $0x1  }
0xb6: {  	[sflag:s29] =	ssyncadd.s32 $0xFFFFFFFF  }
0xb7: {  	_ =	strace $0x90000048  }
0xb8: {  	_ =	sfence  }
0xb9: {  	s30 =	sld [smem:$0x0];
	_ =	sdelay $0x2  }
0xba: {  	s31 =	sshll.u32 s1, $0xD;
	s1 =	sshrl.u32 s1, $0x2  }
0xbb: {  	s3 =	sand.u32 $0x4000, s31;
	s1 =	sadd.s32 s1, s30  }
0xbc: {  	s0 =	sor.u32 s3, s0;
	s1 =	sshll.u32 s1, $0x11  }
0xbd: {  	s0 =	sor.u32 s1, s0  }
0xbe: {  	s0 =	sadd.s32 $0x8F2B, s0  }
0xbf: {  	[sflag:s0] =	ssyncadd.remote.s32 $0x1  }
0xc0: {  	_ =	sfence.sel $0xFFFF  }
0xc1: {  	[dreg:$0x0] =	wrdreg $0xFFFFFFFF;
	(pc) =	sbr.abs _section_cstart, $3  }
0xc2: {  	[dreg:$0x1] =	wrdreg $0xFFFFFFFF  }
0xc3: {  	_ =	task.clear_ibuf [dreg:s8], $0x2FFFF;
	_ =	strace $0x9FFFFFFF  }
0xc4: {  	(tm) =	ssettm $0x7FFFFFFF  }
0xc5: {  	_ =	shalt  }
tec
execute0_lowered:
.L_overlay_start_1:
0x0: {  	(tag) =	ssettag $0x1  }
0x1: {  	s1 =	rddreg [dreg:$0x0]  }
0x2: {  	s2 =	rddreg [dreg:$0x1]  }
0x3: {  	s0 =	rddreg [dreg:$0x2];
	s4 =	simm.s32 $0x0  }
0x4: {  	s3 =	srdreg.scid;
	s5 =	stileid.u32;
	s17 =	simm.s32 $0x400  }
0x5: {  	s18 =	simm.s32 $0x7A1400;
	s19 =	simm.s32 $0x2000;
	s20 =	simm.s32 $0x1000  }
0x6: {  	s21 =	simm.s32 $0x3000;
	s28 =	simm.s32 $0x2;
	s29 =	simm.s32 $0x3  }
0x7: {  	s30 =	simm.s32 $0x0;
	[smem:$0x7FF] =	sst s4;
	s3 =	sand.u32 $0x1, s3  }
0x8: {  	s6 =	sshll.u32 s5, $0x1;
	s5 =	sadd.s32 $0xC00, s0;
	_ =	strace $0x80000047  }
0x9: {  	s8 =	ssub.s32 $0x2, s3;
	s3 =	sor.u32 s3, s6;
	s6 =	sadd.s32 $0x3D1600, s0  }
0xa: {  	s22 =	sshrl.u32 s8, $0x1;
	s7 =	sshll.u32 s3, $0x7;
	s12 =	sor.u32 $0x1E80, s3  }
0xb: {  	s11 =	sshll.u32 s3, $0x9;
	p0 =	sgt.u32 s3, $0x4;
	s0 =	ssub.s32 s8, s22  }
0xc: {  	s23 =	sadd.s32 s1, s7;
	s9 =	sadd.s32 s2, s7;
	s13 =	sshll.u32 s12, $0x7  }
0xd: {  	v0 =	vlaneseq.u32;
	s12 =	sshll.u32 s12, $0x9;
	[dreg:$0x4] =	wrdreg s23;
	s24 =	sadd.s32 s1, s13  }
.Ltmp0:
0xe: {  	v0 =	vmul.u32 $0x80, v0;
	s25 =	sadd.s32 s2, s13;
	[dreg:$0x5] =	wrdreg s24;
	(pc) =	sbr.rel .LBB2_1-.Ltmp0, $4  }
0xf: {  	s10 =	sor.u32 $0x2000, s7;
	s26 =	sadd.s32 s5, s12;
	[dreg:$0x6] =	wrdreg s25  }
0x10: {  	v1 =	vor.u32 $0x800, v0;
	s22 =	simm.s32 $0x1;
	s31 =	sadd.s32 s6, s12;
	[dreg:$0x7] =	wrdreg s26  }
0x11: {  	v2 =	vor.u32 $0x1, v0;
	v3 =	vor.u32 $0x801, v0;
	v4 =	vor.u32 $0x2, v0;
	s16 =	smax.u32 s0, $0x1;
	s23 =	simm.s32 $0x4000;
	[dreg:$0x8] =	wrdreg s31  }
0x12: {  	v5 =	vor.u32 $0x802, v0;
	v6 =	vor.u32 $0x3, v0;
	v7 =	vor.u32 $0x803, v0;
	s24 =	simm.s32 $0x6000;
	s25 =	simm.s32 $0x5000;
	s26 =	simm.s32 $0x7000  }
.LBB2_11:
0x13: {  	s30 =	sadd.s32 $0x1, s30  }
0x14: {  	p1 =	sne.s32 s30, s16  }
.Ltmp1:
0x15: {  	_ = 	snop;
	(pc) =	sbr.rel @!p1 .LBB2_12-.Ltmp1, $1  }
0x16: {  	_ =	sdelay $0x3  }
.LBB2_1:
0x17: {  	s0 =	rddreg [dreg:$0x4]  }
0x18: {  	[tilespmem:s4], [sflag:$0x1] =	stream.strided.gather [hbm4b:s0+s17], $0x1000, s18, s17, $0x38;
	[tilespmem:$0x8000] =	vst v63  }
0x19: {  	s31 =	simm.s32 $0x0  }
0x1a: {  	[tilespmem:s19], [sflag:$0x1] =	stream.strided.gather [hbm4b:s9+s17], $0x1000, s18, s17, $0x38;
	[tilespmem:$0x8000] =	vst v63  }
.LBB2_2:
0x1b: {  	s0 =	sshllo.u32 s31, $0x1  }
0x1c: {  	s3 =	sshll.u32 s0, $0xC  }
0x1d: {  	s3 =	sor.u32 s7, s3  }
0x1e: {  	s12 =	sadd.s32 s1, s3  }
0x1f: {  	[tilespmem:s20], [sflag:$0x1] =	stream.strided.gather [hbm4b:s12+s17], $0x1000, s18, s17, $0x38;
	[tilespmem:$0x8000] =	vst v63  }
0x20: {  	s3 =	sadd.s32 s2, s3  }
0x21: {  	[tilespmem:s21], [sflag:$0x1] =	stream.strided.gather [hbm4b:s3+s17], $0x1000, s18, s17, $0x38;
	[tilespmem:$0x8000] =	vst v63  }
0x22: {  	_ =	swait.ge [sflag:s22], $0x1000  }
0x23: {  	[sflag:s22] =	ssyncset.done $0x0  }
0x24: {  	[sflag:s22] =	ssyncadd.s32 $0xFFFFF000  }
0x25: {  	_ =	swait.ge [sflag:s22], $0x1000  }
0x26: {  	p1 =	seq.s32 s31, $0x0;
	[sflag:s22] =	ssyncset.done $0x0  }
0x27: {  	s3 =	simm.s32 @!p1 $0x2;
	[sflag:s22] =	ssyncadd.s32 $0xFFFFF000  }
0x28: {  	s15 =	simm.s32 $0x0;
	_ =	swait.ge @!p1 [sflag:s3], $0x1000  }
0x29: {  	v11 =	vor.u32 s15, v7;
	[sflag:s3] =	ssyncset.done @!p1 $0x0  }
0x2a: {  	v10 =	vor.u32 s15, v6;
	[sflag:s3] =	ssyncadd.s32 @!p1 $0xFFFFF000  }
0x2b: {  	_ =	swait.ge @!p1 [sflag:s3], $0x1000  }
0x2c: {  	v12 =	vor.u32 s15, v0;
	[sflag:s3] =	ssyncset.done @!p1 $0x0  }
0x2d: {  	[sflag:s3] =	ssyncadd.s32 @!p1 $0xFFFFF000  }
0x2e: {  	v13 =	vor.u32 s15, v1;
	v8 =	vld.idx.msk [tilespmem:v11+s4+$0x0], $0xffff  }
0x2f: {  	v9 =	vld.idx.msk [tilespmem:v10+s4+$0x0], $0xffff  }
0x30: {  	v10 =	vld.idx.msk [tilespmem:v10+s19+$0x0], $0xffff  }
0x31: {  	v14 =	vor.u32 s15, v2;
	v16 =	vld.idx.msk [tilespmem:v12+s19+$0x0], $0xffff  }
0x32: {  	v17 =	vld.idx.msk [tilespmem:v12+s4+$0x0], $0xffff  }
0x33: {  	v15 =	vor.u32 s15, v5;
	v18 =	vld.idx.msk [tilespmem:v13+s19+$0x0], $0xffff  }
0x34: {  	v19 =	vld.idx.msk [tilespmem:v13+s4+$0x0], $0xffff  }
0x35: {  	v20 =	vor.u32 s15, v4;
	v11 =	vld.idx.msk [tilespmem:v11+s19+$0x0], $0xffff  }
0x36: {  	v21 =	vld.idx.msk [tilespmem:v14+s4+$0x0], $0xffff  }
0x37: {  	v22 =	vor.u32 s15, v3;
	v23 =	vld.idx.msk [tilespmem:v14+s19+$0x0], $0xffff  }
0x38: {  	v12 =	vld.idx.msk [tilespmem:v15+s19+$0x0], $0xffff  }
0x39: {  	v13 =	vld.idx.msk [tilespmem:v15+s4+$0x0], $0xffff  }
0x3a: {  	v14 =	vld.idx.msk [tilespmem:v20+s19+$0x0], $0xffff  }
0x3b: {  	v15 =	vld.idx.msk [tilespmem:v20+s4+$0x0], $0xffff  }
0x3c: {  	s3 =	simm.s32 $0x4040;
	v63 =	vld.idx.msk [tilespmem:v22+s19+$0x0], $0xffff  }
0x3d: {  	s12 =	simm.s32 $0x6040;
	v22 =	vld.idx.msk [tilespmem:v22+s4+$0x0], $0xffff;
	[tilespmem:s3+$0xFFFFFFC0] =	vst v17  }
0x3e: {  	[tilespmem:s12+$0xFFFFFFC0] =	vst v16  }
0x3f: {  	[tilespmem:s3+$0xFFFFFFD0] =	vst v19  }
0x40: {  	[tilespmem:s12+$0xFFFFFFD0] =	vst v18  }
0x41: {  	[tilespmem:s3+$0xFFFFFFE0] =	vst v21  }
0x42: {  	[tilespmem:s12+$0xFFFFFFE0] =	vst v23  }
0x43: {  	[tilespmem:s3+$0xFFFFFFF0] =	vst v22  }
0x44: {  	s14 =	simm.s32 $0x4;
	s13 =	simm.s32 $0x6040;
	s15 =	simm.s32 $0x4040;
	[tilespmem:s12+$0xFFFFFFF0] =	vst v63  }
.LBB2_3:
0x45: {  	p2 =	sne.s32 s14, $0x7C;
	[tilespmem:s3+$0x0] =	vst v15;
	s12 =	sadd.s32 $0x80, s12;
	s15 =	sadd.s32 $0x80, s15  }
0x46: {  	s8 =	smov.u32 s14;
	s14 =	sadd.s32 $0x4, s14;
	[tilespmem:s13+$0x0] =	vst v14  }
0x47: {  	[tilespmem:s3+$0x10] =	vst v13  }
0x48: {  	v13 =	vor.u32 s8, v7;
	[tilespmem:s13+$0x10] =	vst v12  }
0x49: {  	v12 =	vor.u32 s8, v6;
	[tilespmem:s3+$0x20] =	vst v9  }
0x4a: {  	[tilespmem:s13+$0x20] =	vst v10  }
0x4b: {  	v14 =	vor.u32 s8, v0;
	[tilespmem:s3+$0x30] =	vst v8;
	s3 =	smov.u32 s15  }
0x4c: {  	[tilespmem:s13+$0x30] =	vst v11;
	s13 =	smov.u32 s12  }
0x4d: {  	v11 =	vor.u32 s8, v1;
	v8 =	vld.idx.msk [tilespmem:v13+s4+$0x0], $0xffff  }
0x4e: {  	v9 =	vld.idx.msk [tilespmem:v12+s4+$0x0], $0xffff  }
0x4f: {  	v15 =	vor.u32 s8, v2;
	v10 =	vld.idx.msk [tilespmem:v12+s19+$0x0], $0xffff  }
0x50: {  	v17 =	vor.u32 s8, v3;
	v18 =	vor.u32 s8, v4;
	v19 =	vor.u32 s8, v5;
	v16 =	vld.idx.msk [tilespmem:v14+s19+$0x0], $0xffff  }
0x51: {  	v20 =	vld.idx.msk [tilespmem:v14+s4+$0x0], $0xffff  }
0x52: {  	v21 =	vld.idx.msk [tilespmem:v11+s19+$0x0], $0xffff  }
0x53: {  	v22 =	vld.idx.msk [tilespmem:v11+s4+$0x0], $0xffff  }
0x54: {  	v11 =	vld.idx.msk [tilespmem:v13+s19+$0x0], $0xffff  }
0x55: {  	v23 =	vld.idx.msk [tilespmem:v15+s4+$0x0], $0xffff  }
0x56: {  	v24 =	vld.idx.msk [tilespmem:v15+s19+$0x0], $0xffff  }
0x57: {  	v12 =	vld.idx.msk [tilespmem:v19+s19+$0x0], $0xffff  }
0x58: {  	v13 =	vld.idx.msk [tilespmem:v19+s4+$0x0], $0xffff  }
0x59: {  	v14 =	vld.idx.msk [tilespmem:v18+s19+$0x0], $0xffff  }
0x5a: {  	v15 =	vld.idx.msk [tilespmem:v18+s4+$0x0], $0xffff  }
0x5b: {  	v18 =	vld.idx.msk [tilespmem:v17+s19+$0x0], $0xffff  }
0x5c: {  	v17 =	vld.idx.msk [tilespmem:v17+s4+$0x0], $0xffff  }
0x5d: {  	[tilespmem:s15+$0xFFFFFFC0] =	vst v20  }
0x5e: {  	[tilespmem:s12+$0xFFFFFFC0] =	vst v16  }
0x5f: {  	[tilespmem:s15+$0xFFFFFFD0] =	vst v22  }
.Ltmp2:
0x60: {  	[tilespmem:s12+$0xFFFFFFD0] =	vst v21;
	(pc) =	sbr.rel @p2 .LBB2_3-.Ltmp2, $4  }
0x61: {  	[tilespmem:s15+$0xFFFFFFE0] =	vst v23  }
0x62: {  	[tilespmem:s12+$0xFFFFFFE0] =	vst v24  }
0x63: {  	[tilespmem:s15+$0xFFFFFFF0] =	vst v17  }
0x64: {  	[tilespmem:s12+$0xFFFFFFF0] =	vst v18  }
0x65: {  	[tilespmem:s3+$0x0] =	vst v15  }
0x66: {  	[tilespmem:s13+$0x0] =	vst v14  }
0x67: {  	[tilespmem:s3+$0x10] =	vst v13  }
0x68: {  	[tilespmem:s13+$0x10] =	vst v12  }
0x69: {  	[tilespmem:s3+$0x20] =	vst v9  }
0x6a: {  	s8 =	sshll.u32 s31, $0xF;
	[tilespmem:s13+$0x20] =	vst v10  }
0x6b: {  	s14 =	sor.u32 s11, s8;
	[tilespmem:s3+$0x30] =	vst v8  }
0x6c: {  	s8 =	sadd.s32 s5, s14;
	[tilespmem:s13+$0x30] =	vst v11  }
0x6d: {  	[hbm4b:s8+s4] =	stream.linear.scatter [tilespmem:s23], [sflag:$0x2], $0x1000, $0x38;
	[tilespmem:$0x8000] =	vst v63  }
0x6e: {  	p2 =	seq.s32 s31, $0x79;
	s3 =	sadd.s32 s6, s14  }
0x6f: {  	[hbm4b:s3+s4] =	stream.linear.scatter [tilespmem:s24], [sflag:$0x2], $0x1000, $0x38;
	[tilespmem:$0x8000] =	vst v63  }
0x70: {  	s3 =	sshll.u32 @!p2 s31, $0xD  }
0x71: {  	s12 =	simm.s32 @!p2 $0x400;
	s3 =	sadd.s32 @!p2 s10, s3  }
0x72: {  	s14 =	simm.s32 @!p2 $0x0;
	s13 =	simm.s32 @!p2 $0x7A1400;
	s8 =	sadd.s32 @!p2 s1, s3  }
0x73: {  	[tilespmem:s14], [sflag:$0x1] =	stream.strided.gather @!p2 [hbm4b:s8+s12], $0x1000, s13, s12, $0x38;
	[tilespmem:$0x8000] =	vst v63  }
0x74: {  	s3 =	sadd.s32 @!p2 s2, s3;
	s8 =	simm.s32 @!p2 $0x2000  }
0x75: {  	[tilespmem:s8], [sflag:$0x1] =	stream.strided.gather @!p2 [hbm4b:s3+s12], $0x1000, s13, s12, $0x38;
	[tilespmem:$0x8000] =	vst v63  }
0x76: {  	_ =	swait.ge [sflag:s22], $0x1000  }
0x77: {  	[sflag:s22] =	ssyncset.done $0x0  }
0x78: {  	[sflag:s22] =	ssyncadd.s32 $0xFFFFF000  }
0x79: {  	_ =	swait.ge [sflag:s22], $0x1000  }
0x7a: {  	[sflag:s22] =	ssyncset.done $0x0  }
0x7b: {  	s3 =	simm.s32 @!p1 $0x2;
	[sflag:s22] =	ssyncadd.s32 $0xFFFFF000  }
0x7c: {  	s15 =	simm.s32 $0x0;
	_ =	swait.ge @!p1 [sflag:s3], $0x1000  }
0x7d: {  	v11 =	vor.u32 s15, v7;
	[sflag:s3] =	ssyncset.done @!p1 $0x0  }
0x7e: {  	v10 =	vor.u32 s15, v6;
	[sflag:s3] =	ssyncadd.s32 @!p1 $0xFFFFF000  }
0x7f: {  	_ =	swait.ge @!p1 [sflag:s3], $0x1000  }
0x80: {  	v12 =	vor.u32 s15, v0;
	[sflag:s3] =	ssyncset.done @!p1 $0x0  }
0x81: {  	[sflag:s3] =	ssyncadd.s32 @!p1 $0xFFFFF000  }
0x82: {  	v13 =	vor.u32 s15, v1;
	v8 =	vld.idx.msk [tilespmem:v11+s20+$0x0], $0xffff  }
0x83: {  	v9 =	vld.idx.msk [tilespmem:v10+s20+$0x0], $0xffff  }
0x84: {  	v10 =	vld.idx.msk [tilespmem:v10+s21+$0x0], $0xffff  }
0x85: {  	v14 =	vor.u32 s15, v2;
	v16 =	vld.idx.msk [tilespmem:v12+s21+$0x0], $0xffff  }
0x86: {  	v17 =	vld.idx.msk [tilespmem:v12+s20+$0x0], $0xffff  }
0x87: {  	v15 =	vor.u32 s15, v5;
	v18 =	vld.idx.msk [tilespmem:v13+s21+$0x0], $0xffff  }
0x88: {  	v19 =	vld.idx.msk [tilespmem:v13+s20+$0x0], $0xffff  }
0x89: {  	v20 =	vor.u32 s15, v4;
	v11 =	vld.idx.msk [tilespmem:v11+s21+$0x0], $0xffff  }
0x8a: {  	v21 =	vld.idx.msk [tilespmem:v14+s20+$0x0], $0xffff  }
0x8b: {  	v22 =	vor.u32 s15, v3;
	v23 =	vld.idx.msk [tilespmem:v14+s21+$0x0], $0xffff  }
0x8c: {  	v12 =	vld.idx.msk [tilespmem:v15+s21+$0x0], $0xffff  }
0x8d: {  	v13 =	vld.idx.msk [tilespmem:v15+s20+$0x0], $0xffff  }
0x8e: {  	v14 =	vld.idx.msk [tilespmem:v20+s21+$0x0], $0xffff  }
0x8f: {  	v15 =	vld.idx.msk [tilespmem:v20+s20+$0x0], $0xffff  }
0x90: {  	s3 =	simm.s32 $0x5070;
	v63 =	vld.idx.msk [tilespmem:v22+s21+$0x0], $0xffff  }
0x91: {  	s12 =	simm.s32 $0x7070;
	v22 =	vld.idx.msk [tilespmem:v22+s20+$0x0], $0xffff;
	[tilespmem:s3+$0xFFFFFF90] =	vst v17  }
0x92: {  	[tilespmem:s12+$0xFFFFFF90] =	vst v16  }
0x93: {  	[tilespmem:s3+$0xFFFFFFA0] =	vst v19  }
0x94: {  	[tilespmem:s12+$0xFFFFFFA0] =	vst v18  }
0x95: {  	[tilespmem:s3+$0xFFFFFFB0] =	vst v21  }
0x96: {  	[tilespmem:s12+$0xFFFFFFB0] =	vst v23  }
0x97: {  	[tilespmem:s3+$0xFFFFFFC0] =	vst v22  }
0x98: {  	s15 =	simm.s32 $0x5070;
	s14 =	simm.s32 $0x4;
	s13 =	simm.s32 $0x7070;
	[tilespmem:s12+$0xFFFFFFC0] =	vst v63  }
.LBB2_5:
0x99: {  	p1 =	sne.s32 s14, $0x7C;
	[tilespmem:s3+$0xFFFFFFD0] =	vst v15;
	s12 =	sadd.s32 $0x80, s12;
	s15 =	sadd.s32 $0x80, s15  }
0x9a: {  	s8 =	smov.u32 s14;
	s14 =	sadd.s32 $0x4, s14;
	[tilespmem:s13+$0xFFFFFFD0] =	vst v14  }
0x9b: {  	[tilespmem:s3+$0xFFFFFFE0] =	vst v13  }
0x9c: {  	v13 =	vor.u32 s8, v7;
	[tilespmem:s13+$0xFFFFFFE0] =	vst v12  }
0x9d: {  	v12 =	vor.u32 s8, v6;
	[tilespmem:s3+$0xFFFFFFF0] =	vst v9  }
0x9e: {  	[tilespmem:s13+$0xFFFFFFF0] =	vst v10  }
0x9f: {  	v14 =	vor.u32 s8, v0;
	[tilespmem:s3+$0x0] =	vst v8;
	s3 =	smov.u32 s15  }
0xa0: {  	[tilespmem:s13+$0x0] =	vst v11;
	s13 =	smov.u32 s12  }
0xa1: {  	v11 =	vor.u32 s8, v1;
	v8 =	vld.idx.msk [tilespmem:v13+s20+$0x0], $0xffff  }
0xa2: {  	v9 =	vld.idx.msk [tilespmem:v12+s20+$0x0], $0xffff  }
0xa3: {  	v15 =	vor.u32 s8, v2;
	v10 =	vld.idx.msk [tilespmem:v12+s21+$0x0], $0xffff  }
0xa4: {  	v17 =	vor.u32 s8, v3;
	v18 =	vor.u32 s8, v4;
	v19 =	vor.u32 s8, v5;
	v16 =	vld.idx.msk [tilespmem:v14+s21+$0x0], $0xffff  }
0xa5: {  	v20 =	vld.idx.msk [tilespmem:v14+s20+$0x0], $0xffff  }
0xa6: {  	v21 =	vld.idx.msk [tilespmem:v11+s21+$0x0], $0xffff  }
0xa7: {  	v22 =	vld.idx.msk [tilespmem:v11+s20+$0x0], $0xffff  }
0xa8: {  	v11 =	vld.idx.msk [tilespmem:v13+s21+$0x0], $0xffff  }
0xa9: {  	v23 =	vld.idx.msk [tilespmem:v15+s20+$0x0], $0xffff  }
0xaa: {  	v24 =	vld.idx.msk [tilespmem:v15+s21+$0x0], $0xffff  }
0xab: {  	v12 =	vld.idx.msk [tilespmem:v19+s21+$0x0], $0xffff  }
0xac: {  	v13 =	vld.idx.msk [tilespmem:v19+s20+$0x0], $0xffff  }
0xad: {  	v14 =	vld.idx.msk [tilespmem:v18+s21+$0x0], $0xffff  }
0xae: {  	v15 =	vld.idx.msk [tilespmem:v18+s20+$0x0], $0xffff  }
0xaf: {  	v18 =	vld.idx.msk [tilespmem:v17+s21+$0x0], $0xffff  }
0xb0: {  	v17 =	vld.idx.msk [tilespmem:v17+s20+$0x0], $0xffff  }
0xb1: {  	[tilespmem:s15+$0xFFFFFF90] =	vst v20  }
0xb2: {  	[tilespmem:s12+$0xFFFFFF90] =	vst v16  }
0xb3: {  	[tilespmem:s15+$0xFFFFFFA0] =	vst v22  }
.Ltmp3:
0xb4: {  	[tilespmem:s12+$0xFFFFFFA0] =	vst v21;
	(pc) =	sbr.rel @p1 .LBB2_5-.Ltmp3, $4  }
0xb5: {  	[tilespmem:s15+$0xFFFFFFB0] =	vst v23  }
0xb6: {  	[tilespmem:s12+$0xFFFFFFB0] =	vst v24  }
0xb7: {  	[tilespmem:s15+$0xFFFFFFC0] =	vst v17  }
0xb8: {  	[tilespmem:s12+$0xFFFFFFC0] =	vst v18  }
0xb9: {  	[tilespmem:s3+$0xFFFFFFD0] =	vst v15  }
0xba: {  	[tilespmem:s13+$0xFFFFFFD0] =	vst v14  }
0xbb: {  	[tilespmem:s3+$0xFFFFFFE0] =	vst v13  }
0xbc: {  	[tilespmem:s13+$0xFFFFFFE0] =	vst v12  }
0xbd: {  	s31 =	sadd.s32 $0x1, s31;
	[tilespmem:s3+$0xFFFFFFF0] =	vst v9  }
0xbe: {  	s0 =	sshll.u32 s0, $0xE;
	p1 =	sne.s32 s31, $0x7A;
	[tilespmem:s13+$0xFFFFFFF0] =	vst v10  }
.Ltmp4:
0xbf: {  	s0 =	sor.u32 s11, s0;
	[tilespmem:s3+$0x0] =	vst v8;
	(pc) =	sbr.rel @p1 .LBB2_2-.Ltmp4, $4  }
0xc0: {  	s15 =	sadd.s32 s5, s0;
	[tilespmem:s13+$0x0] =	vst v11  }
0xc1: {  	[hbm4b:s15+s4] =	stream.linear.scatter [tilespmem:s25], [sflag:$0x2], $0x1000, $0x38;
	[tilespmem:$0x8000] =	vst v63  }
0xc2: {  	s0 =	sadd.s32 s6, s0  }
0xc3: {  	[hbm4b:s0+s4] =	stream.linear.scatter [tilespmem:s26], [sflag:$0x2], $0x1000, $0x38;
	[tilespmem:$0x8000] =	vst v63  }
0xc4: {  	_ =	swait.ge [sflag:s28], $0x1000  }
0xc5: {  	[sflag:s28] =	ssyncset.done $0x0  }
0xc6: {  	[sflag:s28] =	ssyncadd.s32 $0xFFFFF000  }
0xc7: {  	_ =	swait.ge [sflag:s28], $0x1000  }
0xc8: {  	[sflag:s28] =	ssyncset.done $0x0  }
0xc9: {  	[sflag:s28] =	ssyncadd.s32 $0xFFFFF000  }
0xca: {  	_ =	swait.ge [sflag:s28], $0x1000  }
.Ltmp5:
0xcb: {  	[sflag:s28] =	ssyncset.done $0x0;
	(pc) =	sbr.rel @p0 .LBB2_11-.Ltmp5, $4  }
0xcc: {  	[sflag:s28] =	ssyncadd.s32 $0xFFFFF000  }
0xcd: {  	_ =	swait.ge [sflag:s28], $0x1000  }
0xce: {  	[sflag:s28] =	ssyncset.done $0x0  }
0xcf: {  	[sflag:s28] =	ssyncadd.s32 $0xFFFFF000  }
0xd0: {  	s3 =	simm.s32 $0x0;
	s0 =	rddreg [dreg:$0x5]  }
0xd1: {  	[tilespmem:s3], [sflag:$0x3] =	stream.strided.gather [hbm4b:s0+s17], $0x1000, s18, s17, $0x38;
	[tilespmem:$0x8000] =	vst v63  }
0xd2: {  	_ =	swait.ge [sflag:s29], $0x1000  }
0xd3: {  	[sflag:s29] =	ssyncset.done $0x0  }
0xd4: {  	v8 =	vor.u32 s3, v0;
	s15 =	rddreg [dreg:$0x6];
	[sflag:s29] =	ssyncadd.s32 $0xFFFFF000  }
0xd5: {  	[tilespmem:s19], [sflag:$0x3] =	stream.strided.gather [hbm4b:s15+s17], $0x1000, s18, s17, $0x38;
	[tilespmem:$0x8000] =	vst v63  }
0xd6: {  	_ =	swait.ge [sflag:s29], $0x1000  }
0xd7: {  	[sflag:s29] =	ssyncset.done $0x0  }
0xd8: {  	[sflag:s29] =	ssyncadd.s32 $0xFFFFF000  }
0xd9: {  	v9 =	vld.idx.msk [tilespmem:v8+s4+$0x0], $0xffff  }
0xda: {  	v8 =	vld.idx.msk [tilespmem:v8+s19+$0x0], $0xffff  }
0xdb: {  	v10 =	vor.u32 s3, v1;
	_ =	sdelay $0x1  }
0xdc: {  	s31 =	simm.s32 $0x4040  }
0xdd: {  	s0 =	simm.s32 $0x6040;
	[tilespmem:s31+$0xFFFFFFC0] =	vst v9  }
0xde: {  	[tilespmem:s0+$0xFFFFFFC0] =	vst v8  }
0xdf: {  	v8 =	vld.idx.msk [tilespmem:v10+s4+$0x0], $0xffff  }
0xe0: {  	v9 =	vld.idx.msk [tilespmem:v10+s19+$0x0], $0xffff  }
0xe1: {  	v10 =	vor.u32 s3, v2;
	_ =	sdelay $0x2  }
0xe2: {  	[tilespmem:s31+$0xFFFFFFD0] =	vst v8  }
0xe3: {  	[tilespmem:s0+$0xFFFFFFD0] =	vst v9  }
0xe4: {  	v8 =	vld.idx.msk [tilespmem:v10+s4+$0x0], $0xffff  }
0xe5: {  	v9 =	vld.idx.msk [tilespmem:v10+s19+$0x0], $0xffff  }
0xe6: {  	v10 =	vor.u32 s3, v3;
	_ =	sdelay $0x2  }
0xe7: {  	[tilespmem:s31+$0xFFFFFFE0] =	vst v8  }
0xe8: {  	[tilespmem:s0+$0xFFFFFFE0] =	vst v9  }
0xe9: {  	v8 =	vld.idx.msk [tilespmem:v10+s4+$0x0], $0xffff  }
0xea: {  	v9 =	vld.idx.msk [tilespmem:v10+s19+$0x0], $0xffff  }
0xeb: {  	v10 =	vor.u32 s3, v4;
	_ =	sdelay $0x2  }
0xec: {  	[tilespmem:s31+$0xFFFFFFF0] =	vst v8  }
0xed: {  	[tilespmem:s0+$0xFFFFFFF0] =	vst v9  }
0xee: {  	v8 =	vld.idx.msk [tilespmem:v10+s4+$0x0], $0xffff  }
0xef: {  	v9 =	vld.idx.msk [tilespmem:v10+s19+$0x0], $0xffff  }
0xf0: {  	v10 =	vor.u32 s3, v5;
	_ =	sdelay $0x2  }
0xf1: {  	[tilespmem:s31+$0x0] =	vst v8  }
0xf2: {  	[tilespmem:s0+$0x0] =	vst v9  }
0xf3: {  	v8 =	vld.idx.msk [tilespmem:v10+s4+$0x0], $0xffff  }
0xf4: {  	v9 =	vld.idx.msk [tilespmem:v10+s19+$0x0], $0xffff  }
0xf5: {  	v10 =	vor.u32 s3, v6;
	_ =	sdelay $0x2  }
0xf6: {  	[tilespmem:s31+$0x10] =	vst v8  }
0xf7: {  	[tilespmem:s0+$0x10] =	vst v9  }
0xf8: {  	v8 =	vld.idx.msk [tilespmem:v10+s4+$0x0], $0xffff  }
0xf9: {  	v9 =	vld.idx.msk [tilespmem:v10+s19+$0x0], $0xffff  }
0xfa: {  	v10 =	vor.u32 s3, v7;
	_ =	sdelay $0x2  }
0xfb: {  	[tilespmem:s31+$0x20] =	vst v8  }
0xfc: {  	[tilespmem:s0+$0x20] =	vst v9  }
0xfd: {  	v8 =	vld.idx.msk [tilespmem:v10+s4+$0x0], $0xffff  }
0xfe: {  	s3 =	simm.s32 $0x4;
	v9 =	vld.idx.msk [tilespmem:v10+s19+$0x0], $0xffff  }
0xff: {  	v11 =	vor.u32 s3, v0;
	_ =	sdelay $0x2  }
0x100: {  	[tilespmem:s31+$0x30] =	vst v8  }
0x101: {  	[tilespmem:s0+$0x30] =	vst v9  }
0x102: {  	v10 =	vld.idx.msk [tilespmem:v11+s4+$0x0], $0xffff  }
0x103: {  	v9 =	vld.idx.msk [tilespmem:v11+s19+$0x0], $0xffff  }
0x104: {  	s12 =	simm.s32 $0x8;
	v8 =	vor.u32 s3, v1  }
.LBB2_9:
0x105: {  	p1 =	sne.s32 s12, $0x7C  }
0x106: {  	s31 =	sadd.s32 $0x80, s31  }
0x107: {  	s0 =	sadd.s32 $0x80, s0;
	[tilespmem:s31+$0xFFFFFFC0] =	vst v10  }
0x108: {  	[tilespmem:s0+$0xFFFFFFC0] =	vst v9  }
0x109: {  	v9 =	vld.idx.msk [tilespmem:v8+s4+$0x0], $0xffff  }
0x10a: {  	v8 =	vld.idx.msk [tilespmem:v8+s19+$0x0], $0xffff;
	_ =	sdelay $0x1  }
0x10b: {  	v10 =	vor.u32 s3, v2;
	_ =	sdelay $0x2  }
0x10c: {  	[tilespmem:s31+$0xFFFFFFD0] =	vst v9  }
0x10d: {  	[tilespmem:s0+$0xFFFFFFD0] =	vst v8  }
0x10e: {  	v8 =	vld.idx.msk [tilespmem:v10+s4+$0x0], $0xffff  }
0x10f: {  	v9 =	vld.idx.msk [tilespmem:v10+s19+$0x0], $0xffff;
	_ =	sdelay $0x1  }
0x110: {  	v10 =	vor.u32 s3, v3;
	_ =	sdelay $0x2  }
0x111: {  	[tilespmem:s31+$0xFFFFFFE0] =	vst v8  }
0x112: {  	[tilespmem:s0+$0xFFFFFFE0] =	vst v9  }
0x113: {  	v8 =	vld.idx.msk [tilespmem:v10+s4+$0x0], $0xffff  }
0x114: {  	v9 =	vld.idx.msk [tilespmem:v10+s19+$0x0], $0xffff;
	_ =	sdelay $0x1  }
0x115: {  	v10 =	vor.u32 s3, v4;
	_ =	sdelay $0x2  }
0x116: {  	[tilespmem:s31+$0xFFFFFFF0] =	vst v8  }
0x117: {  	[tilespmem:s0+$0xFFFFFFF0] =	vst v9  }
0x118: {  	v8 =	vld.idx.msk [tilespmem:v10+s4+$0x0], $0xffff  }
0x119: {  	v9 =	vld.idx.msk [tilespmem:v10+s19+$0x0], $0xffff;
	_ =	sdelay $0x1  }
0x11a: {  	v10 =	vor.u32 s3, v5;
	_ =	sdelay $0x2  }
0x11b: {  	[tilespmem:s31+$0x0] =	vst v8  }
0x11c: {  	[tilespmem:s0+$0x0] =	vst v9  }
0x11d: {  	v8 =	vld.idx.msk [tilespmem:v10+s4+$0x0], $0xffff  }
0x11e: {  	v9 =	vld.idx.msk [tilespmem:v10+s19+$0x0], $0xffff;
	_ =	sdelay $0x1  }
0x11f: {  	v10 =	vor.u32 s3, v6;
	_ =	sdelay $0x2  }
0x120: {  	[tilespmem:s31+$0x10] =	vst v8  }
0x121: {  	[tilespmem:s0+$0x10] =	vst v9  }
0x122: {  	v8 =	vld.idx.msk [tilespmem:v10+s4+$0x0], $0xffff  }
0x123: {  	v9 =	vld.idx.msk [tilespmem:v10+s19+$0x0], $0xffff;
	_ =	sdelay $0x1  }
0x124: {  	v10 =	vor.u32 s3, v7;
	s3 =	smov.u32 s12;
	_ =	sdelay $0x2  }
0x125: {  	[tilespmem:s31+$0x20] =	vst v8  }
0x126: {  	[tilespmem:s0+$0x20] =	vst v9  }
0x127: {  	v8 =	vld.idx.msk [tilespmem:v10+s4+$0x0], $0xffff  }
0x128: {  	v9 =	vld.idx.msk [tilespmem:v10+s19+$0x0], $0xffff;
	_ =	sdelay $0x1  }
0x129: {  	v11 =	vor.u32 s12, v0;
	_ =	sdelay $0x2  }
0x12a: {  	[tilespmem:s31+$0x30] =	vst v8  }
.Ltmp6:
0x12b: {  	[tilespmem:s0+$0x30] =	vst v9;
	(pc) =	sbr.rel @p1 .LBB2_9-.Ltmp6, $3  }
0x12c: {  	v10 =	vld.idx.msk [tilespmem:v11+s4+$0x0], $0xffff  }
0x12d: {  	v9 =	vld.idx.msk [tilespmem:v11+s19+$0x0], $0xffff;
	_ =	sdelay $0x1  }
0x12e: {  	s12 =	sadd.s32 $0x4, s12;
	v8 =	vor.u32 s3, v1  }
0x12f: {  	_ = 	snop  }
0x130: {  	s8 =	sadd.s32 $0x80, s31  }
0x131: {  	s0 =	sadd.s32 $0x80, s0;
	[tilespmem:s8+$0xFFFFFFC0] =	vst v10  }
0x132: {  	[tilespmem:s0+$0xFFFFFFC0] =	vst v9  }
0x133: {  	v9 =	vld.idx.msk [tilespmem:v8+s4+$0x0], $0xffff  }
0x134: {  	v8 =	vld.idx.msk [tilespmem:v8+s19+$0x0], $0xffff  }
0x135: {  	v58 =	vor.u32 s3, v2;
	_ =	sdelay $0x2  }
0x136: {  	[tilespmem:s8+$0xFFFFFFD0] =	vst v9  }
0x137: {  	[tilespmem:s0+$0xFFFFFFD0] =	vst v8  }
0x138: {  	v8 =	vld.idx.msk [tilespmem:v58+s4+$0x0], $0xffff  }
0x139: {  	v9 =	vld.idx.msk [tilespmem:v58+s19+$0x0], $0xffff  }
0x13a: {  	v59 =	vor.u32 s3, v3;
	_ =	sdelay $0x2  }
0x13b: {  	[tilespmem:s8+$0xFFFFFFE0] =	vst v8  }
0x13c: {  	[tilespmem:s0+$0xFFFFFFE0] =	vst v9  }
0x13d: {  	v8 =	vld.idx.msk [tilespmem:v59+s4+$0x0], $0xffff  }
0x13e: {  	v9 =	vld.idx.msk [tilespmem:v59+s19+$0x0], $0xffff  }
0x13f: {  	v60 =	vor.u32 s3, v4;
	_ =	sdelay $0x2  }
0x140: {  	[tilespmem:s8+$0xFFFFFFF0] =	vst v8  }
0x141: {  	[tilespmem:s0+$0xFFFFFFF0] =	vst v9  }
0x142: {  	v8 =	vld.idx.msk [tilespmem:v60+s4+$0x0], $0xffff  }
0x143: {  	v9 =	vld.idx.msk [tilespmem:v60+s19+$0x0], $0xffff  }
0x144: {  	v61 =	vor.u32 s3, v5;
	_ =	sdelay $0x2  }
0x145: {  	[tilespmem:s8+$0x0] =	vst v8  }
0x146: {  	[tilespmem:s0+$0x0] =	vst v9  }
0x147: {  	v8 =	vld.idx.msk [tilespmem:v61+s4+$0x0], $0xffff  }
0x148: {  	v9 =	vld.idx.msk [tilespmem:v61+s19+$0x0], $0xffff  }
0x149: {  	v62 =	vor.u32 s3, v6;
	_ =	sdelay $0x2  }
0x14a: {  	[tilespmem:s8+$0x10] =	vst v8  }
0x14b: {  	[tilespmem:s0+$0x10] =	vst v9  }
0x14c: {  	v8 =	vld.idx.msk [tilespmem:v62+s4+$0x0], $0xffff  }
0x14d: {  	v9 =	vld.idx.msk [tilespmem:v62+s19+$0x0], $0xffff  }
0x14e: {  	v63 =	vor.u32 s3, v7;
	_ =	sdelay $0x2  }
0x14f: {  	[tilespmem:s8+$0x20] =	vst v8  }
0x150: {  	[tilespmem:s0+$0x20] =	vst v9  }
0x151: {  	v8 =	vld.idx.msk [tilespmem:v63+s4+$0x0], $0xffff  }
0x152: {  	v9 =	vld.idx.msk [tilespmem:v63+s19+$0x0], $0xffff;
	_ =	sdelay $0x3  }
0x153: {  	[tilespmem:s8+$0x30] =	vst v8  }
0x154: {  	s15 =	rddreg [dreg:$0x7];
	[tilespmem:s0+$0x30] =	vst v9  }
0x155: {  	[hbm4b:s15+s4] =	stream.linear.scatter [tilespmem:s23], [sflag:$0x3], $0x1000, $0x38;
	[tilespmem:$0x8000] =	vst v63  }
0x156: {  	_ =	swait.ge [sflag:s29], $0x1000  }
0x157: {  	[sflag:s29] =	ssyncset.done $0x0  }
.Ltmp7:
0x158: {  	s31 =	rddreg [dreg:$0x8];
	[sflag:s29] =	ssyncadd.s32 $0xFFFFF000;
	(pc) =	sbr.rel .LBB2_11-.Ltmp7, $4  }
0x159: {  	[hbm4b:s31+s4] =	stream.linear.scatter [tilespmem:s24], [sflag:$0x3], $0x1000, $0x38;
	[tilespmem:$0x8000] =	vst v63  }
0x15a: {  	_ =	swait.ge [sflag:s29], $0x1000  }
0x15b: {  	[sflag:s29] =	ssyncset.done $0x0  }
0x15c: {  	[sflag:s29] =	ssyncadd.s32 $0xFFFFF000  }
.LBB2_12:
0x15d: {  	_ =	sfence.sel $0x180000  }
0x15e: {  	[bflag:$0x0] =	sbarrier.arrive $0xFFFF  }
0x15f: {  	_ =	strace $0x90000047  }
0x160: {  	s0 =	stileid.u32;
	[bflag:$0x2] =	sbarrier.arrive $0xFFFF  }
0x161: {  	p0 =	sne.s32 s0, $0x0;
	s0 =	rddreg [dreg:$0x3]  }
0x162: {  	s0 =	sadd.s32 @!p0 $0x100000, s0  }
0x163: {  	[sflag:s0] =	ssyncadd.tile.s32 @!p0 $0x1;
	_ =	shalt  }
.Lfunc_end2:
_tile_overlayer_lowered:
.L_overlay_start_2:
0x164: {  	(tag) =	ssettag $0x2  }
0x165: {  	s0 =	rddreg [dreg:$0x0];
	s2 =	stileid.u32  }
0x166: {  	s1 =	rddreg [dreg:$0x1];
	p0 =	sne.s32 s2, $0x0  }
0x167: {  	s3 =	rddreg [dreg:$0x2];
	[bflag:$0x3] =	sbarrier.arrive $0xFFFF;
	s2 =	simm.s32 @!p0 $0x1C03  }
0x168: {  	[timem:s3], [sflag:s2] =	dma.local @!p0 [hbm:s0], s1  }
0x169: {  	s0 =	simm.s32 @!p0 $0x3  }
0x16a: {  	_ =	swait.ge @!p0 [sflag:s0], s1  }
0x16b: {  	s1 =	ssub.s32 @!p0 $0x0, s1;
	[sflag:s0] =	ssyncset.done @!p0 $0x0  }
0x16c: {  	[sflag:s0] =	ssyncadd.s32 @!p0 s1  }
0x16d: {  	[bflag:$0x3] =	sbarrier.arrive $0xFFFF  }
0x16e: {  	_ =	shalt  }

// kernel: kernel.7.cloned.1.call-start
scs
__scs_entry_jumppad:
0x0: {  	(pc) =	sbr.rel $0x88, $3  }
0x1: {  	(tag) =	ssettag $0x0;
	lr =	simm.s32 $0x1  }
0x2: {  	[smem:$0x3F9D] =	sst lr;
	_ =	strace $0xD0000000  }
0x3: {  	_ = 	snop  }
0x4: {  	_ = 	snop  }
0x5: {  	_ = 	snop  }
0x6: {  	_ = 	snop  }
0x7: {  	_ = 	snop  }
__scs_overlays_trampoline_lowered:
0x8: {  	[smem:$0x3FAC] =	sst s0  }
0x9: {  	[smem:$0x3FAD] =	sst s1  }
0xa: {  	[smem:$0x3FAE] =	sst s2  }
0xb: {  	[smem:$0x3FAF] =	sst s3  }
0xc: {  	[smem:$0x3FB0] =	sst s4  }
0xd: {  	[smem:$0x3FB1] =	sst s5  }
0xe: {  	[smem:$0x3FB2] =	sst s6  }
0xf: {  	[smem:$0x3FB3] =	sst s7  }
0x10: {  	[smem:$0x3FB4] =	sst s8  }
0x11: {  	[smem:$0x3FB5] =	sst s9;
	s0 =	simm.s32 @!p0 $0x0  }
0x12: {  	s1 =	sld [smem:$0x3F9B];
	s0 =	simm.s32 @p0 $0x1  }
0x13: {  	[smem:$0x3FB6] =	sst s0;
	s0 =	simm.s32 @!p1 $0x0  }
0x14: {  	s2 =	sld [smem:$0x3F9A];
	s0 =	simm.s32 @p1 $0x1  }
0x15: {  	[smem:$0x3FB7] =	sst s0;
	s0 =	simm.s32 @!p2 $0x0  }
0x16: {  	s3 =	sld [smem:$0x3FDB];
	s0 =	simm.s32 @p2 $0x1  }
0x17: {  	s4 =	simm.s32 $0x1BF5;
	[smem:$0x3FB9] =	sst s0  }
0x18: {  	s0 =	sld [smem:$0x3F9C];
	_ =	swait.ge [sflag:s4], $0x0  }
0x19: {  	s7 =	sld [smem:$0x3F9D]  }
0x1a: {  	s8 =	sadd.s32 $0xFFFFE003, lr  }
0x1b: {  	s9 =	sadd.s32 $0xFFFFFEF7, lr;
	s5 =	simm.s32 $0xFFFFFFFF;
	p2 =	slt.u32 s8, $0xFFFFF086  }
0x1c: {  	p1 =	slt.u32 s9, $0xF7A;
	s5 =	simm.s32 @!p2 $0x0  }
0x1d: {  	s5 =	simm.s32 @p1 $0x1;
	p0 =	seq.s32 s7, s2  }
0x1e: {  	s7 =	smul.u32 @!p0 $0xF7A, s2;
	p2 =	seq.s32 @!p0 s5, $0x0  }
0x1f: {  	s9 =	smul.u32 $0xF7A, s1;
	s8 =	simm.s32 @!p0 $0x1BF5;
	p2 =	por !p2, p0  }
0x20: {  	[sflag:s8] =	ssyncset.s32 @!p0 $0xFFFFF086;
	s6 =	sadd.s32 @!p0 s3, s7;
	s7 =	simm.s32 @!p0 $0x108  }
0x21: {  	s3 =	sadd.s32 s3, s9;
	s6 =	sadd.s32 @!p0 $0x88, s6;
	s7 =	simm.s32 @p2 $0x1082  }
0x22: {  	[simem:s7], [sflag:s8] =	dma.local @!p0 [hbm:s6], $0xF7A  }
0x23: {  	s9 =	sor.u32 $0xD0000000, s2;
	s6 =	simm.s32 $0x108;
	_ =	swait.ge @!p0 [sflag:s8], $0x0  }
0x24: {  	s3 =	sadd.s32 $0x88, s3;
	s6 =	simm.s32 @!p1 $0x1082;
	[sflag:s4] =	ssyncset.s32 $0xFFFFF086  }
0x25: {  	[simem:s6], [sflag:s4] =	dma.local [hbm:s3], $0xF7A  }
0x26: {  	[smem:$0x3F9D] =	sst s1;
	(tag) =	ssettag s2;
	_ =	strace s9  }
0x27: {  	s1 =	sld [smem:$0x3FAD]  }
0x28: {  	s2 =	sld [smem:$0x3FAE]  }
0x29: {  	s4 =	sld [smem:$0x3FB0]  }
0x2a: {  	p0 =	seq.s32 s5, $0x0;
	s5 =	sld [smem:$0x3FB1]  }
0x2b: {  	s6 =	sld [smem:$0x3FB2]  }
0x2c: {  	s7 =	sld [smem:$0x3FB3]  }
0x2d: {  	s3 =	simm.s32 $0x108;
	s8 =	sld [smem:$0x3FB4]  }
0x2e: {  	s3 =	simm.s32 @!p0 $0x1082;
	s9 =	sld [smem:$0x3FB5]  }
0x2f: {  	lr =	sadd.s32 s0, s3;
	s0 =	sld [smem:$0x3FAC]  }
0x30: {  	s3 =	sld [smem:$0x3FAF]  }
0x31: {  	[smem:$0x3FB8] =	sst s10  }
0x32: {  	s10 =	sld [smem:$0x3FB6];
	_ =	sdelay $0x3  }
0x33: {  	p0 =	seq.s32 s10, $0x1;
	s10 =	sld [smem:$0x3FB8];
	_ =	sdelay $0x3  }
0x34: {  	[smem:$0x3FB8] =	sst s10  }
0x35: {  	s10 =	sld [smem:$0x3FB7];
	_ =	sdelay $0x3  }
0x36: {  	p1 =	seq.s32 s10, $0x1;
	s10 =	sld [smem:$0x3FB8];
	_ =	sdelay $0x3  }
0x37: {  	[smem:$0x3FB8] =	sst s10  }
0x38: {  	s10 =	sld [smem:$0x3FB9]  }
0x39: {  	_ = 	snop;
	(pc) =	sbr.ind lr, $3  }
0x3a: {  	_ = 	snop  }
0x3b: {  	_ = 	snop  }
0x3c: {  	p2 =	seq.s32 s10, $0x1;
	s10 =	sld [smem:$0x3FB8]  }
0x3d: {  	_ =	shalt  }
0x3e: {  	_ =	shalt  }
0x3f: {  	_ =	shalt  }
0x40: {  	_ =	shalt  }
0x41: {  	_ =	shalt  }
0x42: {  	_ =	shalt  }
0x43: {  	_ =	shalt  }
0x44: {  	_ =	shalt  }
0x45: {  	_ =	shalt  }
0x46: {  	_ =	shalt  }
0x47: {  	_ =	shalt  }
0x48: {  	_ =	shalt  }
0x49: {  	_ =	shalt  }
0x4a: {  	_ =	shalt  }
0x4b: {  	_ =	shalt  }
0x4c: {  	_ =	shalt  }
0x4d: {  	_ =	shalt  }
0x4e: {  	_ =	shalt  }
0x4f: {  	_ =	shalt  }
0x50: {  	_ =	shalt  }
0x51: {  	_ =	shalt  }
0x52: {  	_ =	shalt  }
0x53: {  	_ =	shalt  }
0x54: {  	_ =	shalt  }
0x55: {  	_ =	shalt  }
0x56: {  	_ =	shalt  }
0x57: {  	_ =	shalt  }
0x58: {  	_ =	shalt  }
0x59: {  	_ =	shalt  }
0x5a: {  	_ =	shalt  }
0x5b: {  	_ =	shalt  }
0x5c: {  	_ =	shalt  }
0x5d: {  	_ =	shalt  }
0x5e: {  	_ =	shalt  }
0x5f: {  	_ =	shalt  }
0x60: {  	_ =	shalt  }
0x61: {  	_ =	shalt  }
0x62: {  	_ =	shalt  }
0x63: {  	_ =	shalt  }
0x64: {  	_ =	shalt  }
0x65: {  	_ =	shalt  }
0x66: {  	_ =	shalt  }
0x67: {  	_ =	shalt  }
0x68: {  	_ =	shalt  }
0x69: {  	_ =	shalt  }
0x6a: {  	_ =	shalt  }
0x6b: {  	_ =	shalt  }
0x6c: {  	_ =	shalt  }
0x6d: {  	_ =	shalt  }
0x6e: {  	_ =	shalt  }
0x6f: {  	_ =	shalt  }
0x70: {  	_ =	shalt  }
0x71: {  	_ =	shalt  }
0x72: {  	_ =	shalt  }
0x73: {  	_ =	shalt  }
0x74: {  	_ =	shalt  }
0x75: {  	_ =	shalt  }
0x76: {  	_ =	shalt  }
0x77: {  	_ =	shalt  }
0x78: {  	_ =	shalt  }
0x79: {  	_ =	shalt  }
0x7a: {  	_ =	shalt  }
0x7b: {  	_ =	shalt  }
0x7c: {  	_ =	shalt  }
0x7d: {  	_ =	shalt  }
0x7e: {  	_ =	shalt  }
0x7f: {  	_ =	shalt  }
0x80: {  	_ =	shalt  }
0x81: {  	_ =	shalt  }
0x82: {  	_ =	shalt  }
0x83: {  	_ =	shalt  }
0x84: {  	_ =	shalt  }
0x85: {  	_ =	shalt  }
0x86: {  	_ =	shalt  }
0x87: {  	_ =	shalt  }
.Lfunc_end0:
.L_simem_size_0:
called_computation.1_lowered:
.L_overlay_start_0:
0x88: {  	s2 =	sld [smem:$0x3FD9]  }
0x89: {  	s3 =	sld [smem:$0x3FFE];
	_ =	sdelay $0x1  }
0x8a: {  	s1 =	srdreg.scid  }
0x8b: {  	s0 =	sand.u32 $0x1, s1  }
0x8c: {  	s17 =	sshll.u32 s0, $0xA;
	s2 =	sadd.s32 s3, s2  }
0x8d: {  	s2 =	sadd.s32 s2, s17  }
0x8e: {  	[smem:$0x3FC4] =	sst s2  }
0x8f: {  	_ = 	snop  }
0x90: {  	s2 =	sld [smem:$0x3FC9]  }
0x91: {  	s18 =	sld [smem:$0x3FC8]  }
0x92: {  	s4 =	sld [smem:$0x3FD0];
	(tm) =	ssettm $0x1  }
0x93: {  	s5 =	sld [smem:$0x3FFB];
	_ =	sdelay $0x3  }
0x94: {  	_ =	strace s5  }
0x95: {  	s5 =	sld [smem:$0x3FFC];
	_ =	sdelay $0x3  }
0x96: {  	_ =	strace s5  }
0x97: {  	s5 =	sld [smem:$0x3FFD];
	_ =	sdelay $0x3  }
0x98: {  	_ =	strace s5  }
0x99: {  	_ =	strace $0x8FFFFFFF  }
0x9a: {  	s19 =	sld [smem:$0x3FDB];
	_ =	sdelay $0x1  }
0x9b: {  	s6 =	simm.s32 $_scs_section_size  }
0x9c: {  	s7 =	simm.s32 $_size__tile_overlayer_lowered;
	s8 =	simm.s32 $_tile_overlayer_lowered  }
0x9d: {  	s22 =	simm.s32 $0x1BFF;
	s21 =	sshll.u32 s8, $0x1;
	s5 =	sadd.s32 s6, s19  }
0x9e: {  	s9 =	simm.s32 $0x0;
	s20 =	sshll.u32 s7, $0x1;
	s7 =	sadd.s32 s21, s5  }
0x9f: {  	[timem:s9], [sflag:s22] =	dma.local [hbm:s7], s20  }
0xa0: {  	_ =	swait.ge [sflag:s22], s20  }
0xa1: {  	s6 =	ssub.s32 $0x0, s20;
	[sflag:s22] =	ssyncset.done $0x0  }
0xa2: {  	[sflag:s22] =	ssyncadd.s32 s6;
	_ =	sdelay $0x1  }
0xa3: {  	s23 =	simm.s32 $0x1B8B  }
0xa4: {  	_ =	swait.ge [sflag:s23], $0x1  }
0xa5: {  	[sflag:s23] =	ssyncset.done $0x0  }
0xa6: {  	s25 =	simm.s32 $0x1B8E;
	s24 =	sld [smem:$0x3FFE];
	[sflag:s23] =	ssyncadd.s32 $0xFFFFFFFF  }
0xa7: {  	s26 =	simm.s32 $execute0_lowered;
	[smem:$0x3FD2] =	sst s25  }
0xa8: {  	s7 =	sshll.u32 s26, $0x1;
	_ =	strace $0x80000049;
	[dreg:$0x1] =	wrdreg $0xFFFFFFFF  }
0xa9: {  	s28 =	simm.s32 $_size_execute0_lowered;
	s5 =	sadd.s32 s5, s7;
	[dreg:$0x0] =	wrdreg $0x0  }
0xaa: {  	s7 =	sshll.u32 s28, $0x1;
	[dreg:$0x2] =	wrdreg s5  }
0xab: {  	[dreg:$0x3] =	wrdreg s7  }
0xac: {  	[dreg:$0x4] =	wrdreg $0xC0  }
0xad: {  	_ =	task [dreg:s9], $0x5FFFF  }
0xae: {  	[dreg:$0x1] =	wrdreg $0xFFFFFFFF  }
0xaf: {  	[dreg:$0x0] =	wrdreg $0x60  }
0xb0: {  	[dreg:$0x2] =	wrdreg s2  }
0xb1: {  	[dreg:$0x3] =	wrdreg s18  }
0xb2: {  	[dreg:$0x4] =	wrdreg s24  }
0xb3: {  	[dreg:$0x5] =	wrdreg s4  }
0xb4: {  	[dreg:$0x6] =	wrdreg $0x9  }
0xb5: {  	_ =	task.clear_ibuf [dreg:s9], $0x7FFFF;
	_ =	strace $0x90000049  }
0xb6: {  	s29 =	simm.s32 $0x9;
	_ =	strace $0x8000004B  }
0xb7: {  	_ =	swait.ge [sflag:s29], $0x1  }
0xb8: {  	[sflag:s29] =	ssyncadd.s32 $0xFFFFFFFF  }
0xb9: {  	_ =	strace $0x9000004B  }
0xba: {  	_ =	sfence  }
0xbb: {  	s30 =	sld [smem:$0x0];
	_ =	sdelay $0x2  }
0xbc: {  	s31 =	sshll.u32 s1, $0xD;
	s1 =	sshrl.u32 s1, $0x2  }
0xbd: {  	s3 =	sand.u32 $0x4000, s31;
	s1 =	sadd.s32 s1, s30  }
0xbe: {  	s0 =	sor.u32 s3, s0;
	s1 =	sshll.u32 s1, $0x11  }
0xbf: {  	s0 =	sor.u32 s1, s0  }
0xc0: {  	s0 =	sadd.s32 $0x8F2B, s0  }
0xc1: {  	[sflag:s0] =	ssyncadd.remote.s32 $0x1  }
0xc2: {  	_ =	sfence.sel $0xFFFF  }
0xc3: {  	[dreg:$0x0] =	wrdreg $0xFFFFFFFF;
	(pc) =	sbr.abs _section_cstart, $3  }
0xc4: {  	[dreg:$0x1] =	wrdreg $0xFFFFFFFF  }
0xc5: {  	_ =	task.clear_ibuf [dreg:s9], $0x2FFFF;
	_ =	strace $0x9FFFFFFF  }
0xc6: {  	(tm) =	ssettm $0x7FFFFFFF  }
0xc7: {  	_ =	shalt  }
tec
execute0_lowered:
.L_overlay_start_1:
0x0: {  	(tag) =	ssettag $0x1  }
0x1: {  	s5 =	rddreg [dreg:$0x0]  }
0x2: {  	s6 =	rddreg [dreg:$0x1]  }
0x3: {  	s4 =	rddreg [dreg:$0x2]  }
0x4: {  	s7 =	rddreg [dreg:$0x3]  }
0x5: {  	s0 =	rddreg [dreg:$0x4]  }
0x6: {  	s2 =	simm.s32 $0x0;
	s3 =	srdreg.scid;
	s1 =	stileid.u32  }
0x7: {  	s12 =	simm.s32 $0x800;
	s13 =	simm.s32 $0x8800;
	s14 =	simm.s32 $0x1  }
0x8: {  	s15 =	simm.s32 $0x2;
	s16 =	simm.s32 $0x10800;
	s17 =	simm.s32 $0x0  }
0x9: {  	[smem:$0x7FF] =	sst s2;
	s3 =	sand.u32 $0x1, s3;
	s9 =	sshll.u32 s1, $0x7  }
0xa: {  	_ =	strace $0x8000004A;
	s8 =	ssub.s32 $0x2, s3;
	s10 =	sshll.u32 s3, $0x6  }
0xb: {  	s3 =	sadd.s32 $0xC00, s4;
	s4 =	sadd.s32 $0x3D1600, s4;
	s11 =	sshrl.u32 s8, $0x1  }
0xc: {  	s9 =	sor.u32 s10, s9;
	s10 =	simm.s32 $0x200;
	s8 =	ssub.s32 s8, s11  }
0xd: {  	v0 =	vlaneseq.u32;
	s5 =	sadd.s32 s5, s9;
	s6 =	sadd.s32 s6, s9;
	s7 =	sadd.s32 s7, s9  }
0xe: {  	v0 =	vmul.u32 $0x80, v0;
	s9 =	simm.s32 $0x3;
	s11 =	simm.s32 $0x100;
	s8 =	smax.u32 s8, $0x1  }
.LBB2_1:
0xf: {  	[tilespmem:s2], [sflag:$0x3] =	stream.linear.gather [hbm4b:s5+s2], $0x200, $0x38;
	[tilespmem:$0x10A00] =	vst v63  }
0x10: {  	_ =	swait.ge [sflag:s9], $0x200  }
0x11: {  	[sflag:s9] =	ssyncset.done $0x0  }
0x12: {  	[sflag:s9] =	ssyncadd.s32 $0xFFFFFE00  }
0x13: {  	[tilespmem:s10], [sflag:$0x3] =	stream.linear.gather [hbm4b:s6+s2], $0x200, $0x38;
	[tilespmem:$0x10A00] =	vst v63  }
0x14: {  	_ =	swait.ge [sflag:s9], $0x200  }
0x15: {  	[sflag:s9] =	ssyncset.done $0x0  }
0x16: {  	s18 =	simm.s32 $0x0;
	[sflag:s9] =	ssyncadd.s32 $0xFFFFFE00  }
0x17: {  	v1 =	vld [tilespmem:s18+$0x200]  }
0x18: {  	s19 =	simm.s32 $0x40;
	v2 =	vld [tilespmem:s18+$0x0]  }
.LBB2_2:
0x19: {  	p0 =	sne.s32 s19, $0x7C0  }
.Ltmp0:
0x1a: {  	_ = 	snop;
	(pc) =	sbr.rel @p0 .LBB2_2-.Ltmp0, $4  }
0x1b: {  	_ = 	snop  }
0x1c: {  	s20 =	sshra.s32 s19, $0x2;
	s19 =	sadd.s32 $0x40, s19;
	v3 =	vshrl.u32 v1, $0x2  }
0x1d: {  	v1 =	vld [tilespmem:s20+$0x200];
	v4 =	vshrl.u32 v2, $0x2;
	[tilespmem:s18+$0x600] =	vst v3  }
0x1e: {  	v2 =	vld [tilespmem:s20+$0x0];
	[tilespmem:s18+$0x400] =	vst v4;
	s18 =	smov.u32 s20  }
0x1f: {  	_ =	sdelay $0x2  }
0x20: {  	v1 =	vshrl.u32 v1, $0x2  }
0x21: {  	v2 =	vshrl.u32 v2, $0x2;
	[tilespmem:s18+$0x600] =	vst v1  }
0x22: {  	p1 =	por $0x1, $0x1;
	s19 =	simm.s32 $0x0;
	[tilespmem:s18+$0x400] =	vst v2;
	s18 =	simm.s32 $0x0  }
.LBB2_4:
0x23: {  	s20 =	sadd.s32 $0x400, s19  }
0x24: {  	[tilespmem:s12], [sflag:$0x1] =	stream.indirect.gather [hbm4b:s3+s11], $0x80, s20, s11, $0xb8;
	[tilespmem:$0x10A00] =	vst v63  }
0x25: {  	s29 =	sadd.s32 $0x600, s19  }
0x26: {  	[tilespmem:s13], [sflag:$0x2] =	stream.indirect.gather [hbm4b:s4+s11], $0x80, s29, s11, $0xb8;
	[tilespmem:$0x10A00] =	vst v63  }
0x27: {  	_ =	swait.ge [sflag:s14], $0x8000  }
0x28: {  	[sflag:s14] =	ssyncset.done $0x0  }
0x29: {  	[sflag:s14] =	ssyncadd.s32 $0xFFFF8000  }
0x2a: {  	_ =	swait.ge [sflag:s15], $0x8000  }
0x2b: {  	s30 =	sshll.u32 s19, $0x2;
	[sflag:s15] =	ssyncset.done $0x0  }
0x2c: {  	s21 =	sshra.s32 s30, $0x2;
	[sflag:s15] =	ssyncadd.s32 $0xFFFF8000  }
0x2d: {  	s31 =	sadd.s32 $0x200, s21;
	v1 =	vld [tilespmem:s21+$0x0]  }
0x2e: {  	v2 =	vld [tilespmem:s31+$0x0];
	_ =	sdelay $0x3  }
0x2f: {  	v3 =	vshra.s32 v1, $0x1F  }
0x30: {  	v4 =	vshra.s32 v2, $0x1F;
	v3 =	vshrl.u32 v3, $0x1E  }
0x31: {  	v4 =	vshrl.u32 v4, $0x1E;
	v3 =	vadd.s32 v3, v1  }
0x32: {  	v4 =	vadd.s32 v4, v2;
	v3 =	vshrl.u32 v3, $0x2  }
0x33: {  	v4 =	vshrl.u32 v4, $0x2;
	v3 =	vshll.u32 v3, $0x2  }
0x34: {  	v5 =	vmov s18;
	v1 =	vsub.s32 v1, v3;
	v3 =	vshll.u32 v4, $0x2  }
0x35: {  	v44 =	vshll.u32 v5, $0x7;
	v1 =	vshll.u32 v1, $0x5;
	v2 =	vsub.s32 v2, v3  }
0x36: {  	v4 =	vor.u32 v0, v44;
	v2 =	vshll.u32 v2, $0x5;
	v3 =	vand.u32 $0xFFFFFF80, v1  }
0x37: {  	v1 =	vand.u32 $0x60, v1;
	v3 =	vadd.s32 v4, v3;
	v45 =	vand.u32 $0xFFFFFF80, v2  }
0x38: {  	v2 =	vand.u32 $0x60, v2;
	v1 =	vor.u32 v1, v3;
	v3 =	vadd.s32 v4, v45  }
0x39: {  	v2 =	vor.u32 v2, v3  }
0x3a: {  	v3 =	vor.u32 $0x1, v1  }
0x3b: {  	v46 =	vor.u32 $0x1, v2  }
0x3c: {  	v47 =	vor.u32 $0x2, v1  }
0x3d: {  	v7 =	vor.u32 $0x2, v2;
	v6 =	vld.idx.msk [tilespmem:v1+s12+$0x0], $0xffff  }
0x3e: {  	v9 =	vor.u32 $0x3, v1;
	v8 =	vld.idx.msk [tilespmem:v2+s13+$0x0], $0xffff  }
0x3f: {  	v10 =	vor.u32 $0x3, v2;
	v3 =	vld.idx.msk [tilespmem:v3+s12+$0x0], $0xffff  }
0x40: {  	v11 =	vor.u32 $0x4, v1;
	v4 =	vld.idx.msk [tilespmem:v46+s13+$0x0], $0xffff  }
0x41: {  	v12 =	vor.u32 $0x4, v2;
	v5 =	vld.idx.msk [tilespmem:v47+s12+$0x0], $0xffff  }
0x42: {  	v13 =	vor.u32 $0x5, v1;
	v7 =	vld.idx.msk [tilespmem:v7+s13+$0x0], $0xffff  }
0x43: {  	v14 =	vor.u32 $0x5, v2;
	v9 =	vld.idx.msk [tilespmem:v9+s12+$0x0], $0xffff;
	v6 =	vmul.f32 v8, v6  }
0x44: {  	v49 =	vor.u32 $0x6, v1;
	v48 =	vld.idx.msk [tilespmem:v10+s13+$0x0], $0xffff  }
0x45: {  	v15 =	vor.u32 $0x6, v2;
	v11 =	vld.idx.msk [tilespmem:v11+s12+$0x0], $0xffff;
	v3 =	vmul.f32 v4, v3;
	v6 =	vadd.f32 $0.0e+00, v6  }
0x46: {  	v51 =	vor.u32 $0x7, v1;
	v50 =	vld.idx.msk [tilespmem:v12+s13+$0x0], $0xffff  }
0x47: {  	v16 =	vor.u32 $0x7, v2;
	v13 =	vld.idx.msk [tilespmem:v13+s12+$0x0], $0xffff;
	v5 =	vmul.f32 v7, v5;
	v3 =	vadd.f32 v3, v6  }
0x48: {  	v54 =	vor.u32 $0x8, v2;
	v52 =	vld.idx.msk [tilespmem:v14+s13+$0x0], $0xffff  }
0x49: {  	v53 =	vor.u32 $0x8, v1;
	v10 =	vld.idx.msk [tilespmem:v49+s12+$0x0], $0xffff;
	v55 =	vmul.f32 v48, v9;
	v3 =	vadd.f32 v5, v3  }
0x4a: {  	v58 =	vor.u32 $0x9, v2;
	v56 =	vld.idx.msk [tilespmem:v15+s13+$0x0], $0xffff  }
0x4b: {  	v57 =	vor.u32 $0x9, v1;
	v12 =	vld.idx.msk [tilespmem:v51+s12+$0x0], $0xffff;
	v4 =	vmul.f32 v50, v11;
	v3 =	vadd.f32 v55, v3  }
0x4c: {  	v61 =	vor.u32 $0xA, v2;
	v59 =	vld.idx.msk [tilespmem:v16+s13+$0x0], $0xffff  }
0x4d: {  	v60 =	vor.u32 $0xA, v1;
	v63 =	vld.idx.msk [tilespmem:v54+s13+$0x0], $0xffff;
	v62 =	vmul.f32 v52, v13;
	v3 =	vadd.f32 v4, v3  }
0x4e: {  	v20 =	vor.u32 $0xB, v2;
	v7 =	vld.idx.msk [tilespmem:v53+s12+$0x0], $0xffff  }
0x4f: {  	v19 =	vor.u32 $0xB, v1;
	v22 =	vld.idx.msk [tilespmem:v58+s13+$0x0], $0xffff;
	v21 =	vmul.f32 v56, v10;
	v3 =	vadd.f32 v62, v3  }
0x50: {  	v24 =	vor.u32 $0xC, v2;
	v9 =	vld.idx.msk [tilespmem:v57+s12+$0x0], $0xffff  }
0x51: {  	v23 =	vor.u32 $0xC, v1;
	v26 =	vld.idx.msk [tilespmem:v61+s13+$0x0], $0xffff;
	v25 =	vmul.f32 v59, v12;
	v3 =	vadd.f32 v21, v3  }
0x52: {  	v28 =	vor.u32 $0xD, v2;
	v11 =	vld.idx.msk [tilespmem:v60+s12+$0x0], $0xffff  }
0x53: {  	v27 =	vor.u32 $0xD, v1;
	v30 =	vld.idx.msk [tilespmem:v20+s13+$0x0], $0xffff;
	v29 =	vmul.f32 v63, v7;
	v3 =	vadd.f32 v25, v3  }
0x54: {  	v32 =	vor.u32 $0xE, v2;
	v13 =	vld.idx.msk [tilespmem:v19+s12+$0x0], $0xffff  }
0x55: {  	v31 =	vor.u32 $0xE, v1;
	v34 =	vld.idx.msk [tilespmem:v24+s13+$0x0], $0xffff;
	v33 =	vmul.f32 v22, v9;
	v3 =	vadd.f32 v29, v3  }
0x56: {  	v36 =	vor.u32 $0xF, v2;
	v10 =	vld.idx.msk [tilespmem:v23+s12+$0x0], $0xffff  }
0x57: {  	v35 =	vor.u32 $0xF, v1;
	v38 =	vld.idx.msk [tilespmem:v28+s13+$0x0], $0xffff;
	v37 =	vmul.f32 v26, v11;
	v3 =	vadd.f32 v33, v3  }
0x58: {  	v40 =	vor.u32 $0x10, v2;
	v12 =	vld.idx.msk [tilespmem:v27+s12+$0x0], $0xffff  }
0x59: {  	v39 =	vor.u32 $0x10, v1;
	v42 =	vld.idx.msk [tilespmem:v32+s13+$0x0], $0xffff;
	v41 =	vmul.f32 v30, v13;
	v3 =	vadd.f32 v37, v3  }
0x5a: {  	v44 =	vor.u32 $0x11, v2;
	v7 =	vld.idx.msk [tilespmem:v31+s12+$0x0], $0xffff  }
0x5b: {  	v43 =	vor.u32 $0x11, v1;
	v46 =	vld.idx.msk [tilespmem:v36+s13+$0x0], $0xffff;
	v45 =	vmul.f32 v34, v10;
	v3 =	vadd.f32 v41, v3  }
0x5c: {  	v47 =	vor.u32 $0x12, v1;
	v9 =	vld.idx.msk [tilespmem:v35+s12+$0x0], $0xffff  }
0x5d: {  	v48 =	vor.u32 $0x12, v2;
	v50 =	vld.idx.msk [tilespmem:v40+s13+$0x0], $0xffff;
	v49 =	vmul.f32 v38, v12;
	v3 =	vadd.f32 v45, v3  }
0x5e: {  	v51 =	vor.u32 $0x13, v1;
	v11 =	vld.idx.msk [tilespmem:v39+s12+$0x0], $0xffff  }
0x5f: {  	v54 =	vld.idx.msk [tilespmem:v44+s13+$0x0], $0xffff;
	v52 =	vor.u32 $0x13, v2;
	v53 =	vmul.f32 v42, v7;
	v3 =	vadd.f32 v49, v3  }
0x60: {  	v56 =	vor.u32 $0x14, v2;
	v13 =	vld.idx.msk [tilespmem:v43+s12+$0x0], $0xffff  }
0x61: {  	v10 =	vld.idx.msk [tilespmem:v47+s12+$0x0], $0xffff;
	v55 =	vor.u32 $0x14, v1;
	v57 =	vmul.f32 v46, v9;
	v3 =	vadd.f32 v53, v3  }
0x62: {  	v60 =	vor.u32 $0x15, v2;
	v58 =	vld.idx.msk [tilespmem:v48+s13+$0x0], $0xffff  }
0x63: {  	v59 =	vor.u32 $0x15, v1;
	v12 =	vld.idx.msk [tilespmem:v51+s12+$0x0], $0xffff;
	v61 =	vmul.f32 v50, v11;
	v3 =	vadd.f32 v57, v3  }
0x64: {  	v20 =	vor.u32 $0x16, v2;
	v62 =	vld.idx.msk [tilespmem:v52+s13+$0x0], $0xffff  }
0x65: {  	v63 =	vor.u32 $0x16, v1;
	v22 =	vld.idx.msk [tilespmem:v56+s13+$0x0], $0xffff;
	v21 =	vmul.f32 v54, v13;
	v3 =	vadd.f32 v61, v3  }
0x66: {  	v24 =	vor.u32 $0x17, v2;
	v7 =	vld.idx.msk [tilespmem:v55+s12+$0x0], $0xffff  }
0x67: {  	v23 =	vor.u32 $0x17, v1;
	v26 =	vld.idx.msk [tilespmem:v60+s13+$0x0], $0xffff;
	v25 =	vmul.f32 v58, v10;
	v3 =	vadd.f32 v21, v3  }
0x68: {  	v28 =	vor.u32 $0x18, v2;
	v9 =	vld.idx.msk [tilespmem:v59+s12+$0x0], $0xffff  }
0x69: {  	v27 =	vor.u32 $0x18, v1;
	v30 =	vld.idx.msk [tilespmem:v20+s13+$0x0], $0xffff;
	v29 =	vmul.f32 v62, v12;
	v3 =	vadd.f32 v25, v3  }
0x6a: {  	v32 =	vor.u32 $0x19, v2;
	v11 =	vld.idx.msk [tilespmem:v63+s12+$0x0], $0xffff  }
0x6b: {  	v31 =	vor.u32 $0x19, v1;
	v34 =	vld.idx.msk [tilespmem:v24+s13+$0x0], $0xffff;
	v33 =	vmul.f32 v22, v7;
	v3 =	vadd.f32 v29, v3  }
0x6c: {  	v36 =	vor.u32 $0x1A, v2;
	v13 =	vld.idx.msk [tilespmem:v23+s12+$0x0], $0xffff  }
0x6d: {  	v35 =	vor.u32 $0x1A, v1;
	v38 =	vld.idx.msk [tilespmem:v28+s13+$0x0], $0xffff;
	v37 =	vmul.f32 v26, v9;
	v3 =	vadd.f32 v33, v3  }
0x6e: {  	v40 =	vor.u32 $0x1B, v2;
	v10 =	vld.idx.msk [tilespmem:v27+s12+$0x0], $0xffff  }
0x6f: {  	v39 =	vor.u32 $0x1B, v1;
	v42 =	vld.idx.msk [tilespmem:v32+s13+$0x0], $0xffff;
	v41 =	vmul.f32 v30, v11;
	v3 =	vadd.f32 v37, v3  }
0x70: {  	v44 =	vor.u32 $0x1C, v2;
	v12 =	vld.idx.msk [tilespmem:v31+s12+$0x0], $0xffff  }
0x71: {  	v43 =	vor.u32 $0x1C, v1;
	v46 =	vld.idx.msk [tilespmem:v36+s13+$0x0], $0xffff;
	v45 =	vmul.f32 v34, v13;
	v3 =	vadd.f32 v41, v3  }
0x72: {  	v47 =	vor.u32 $0x1D, v1;
	v7 =	vld.idx.msk [tilespmem:v35+s12+$0x0], $0xffff  }
0x73: {  	v48 =	vor.u32 $0x1D, v2;
	v50 =	vld.idx.msk [tilespmem:v40+s13+$0x0], $0xffff;
	v49 =	vmul.f32 v38, v10;
	v3 =	vadd.f32 v45, v3  }
0x74: {  	v51 =	vor.u32 $0x1E, v1;
	v9 =	vld.idx.msk [tilespmem:v39+s12+$0x0], $0xffff  }
0x75: {  	v52 =	vor.u32 $0x1E, v2;
	v54 =	vld.idx.msk [tilespmem:v44+s13+$0x0], $0xffff;
	v53 =	vmul.f32 v42, v12;
	v3 =	vadd.f32 v49, v3  }
0x76: {  	v1 =	vor.u32 $0x1F, v1;
	v11 =	vld.idx.msk [tilespmem:v43+s12+$0x0], $0xffff  }
0x77: {  	v2 =	vor.u32 $0x1F, v2;
	v55 =	vld.idx.msk [tilespmem:v47+s12+$0x0], $0xffff;
	v56 =	vmul.f32 v46, v7;
	v3 =	vadd.f32 v53, v3  }
0x78: {  	v57 =	vld.idx.msk [tilespmem:v48+s13+$0x0], $0xffff  }
0x79: {  	v58 =	vld.idx.msk [tilespmem:v51+s12+$0x0], $0xffff;
	v59 =	vmul.f32 v50, v9;
	v3 =	vadd.f32 v56, v3  }
0x7a: {  	v60 =	vld.idx.msk [tilespmem:v52+s13+$0x0], $0xffff  }
0x7b: {  	v1 =	vld.idx.msk [tilespmem:v1+s12+$0x0], $0xffff;
	v61 =	vmul.f32 v54, v11;
	v3 =	vadd.f32 v59, v3  }
0x7c: {  	v2 =	vld.idx.msk [tilespmem:v2+s13+$0x0], $0xffff  }
0x7d: {  	v62 =	vmul.f32 v57, v55;
	v3 =	vadd.f32 v61, v3;
	_ =	sdelay $0x1  }
0x7e: {  	v63 =	vmul.f32 v60, v58;
	v3 =	vadd.f32 v62, v3;
	_ =	sdelay $0x1  }
0x7f: {  	v1 =	vmul.f32 v2, v1;
	v3 =	vadd.f32 v63, v3;
	_ =	sdelay $0x1  }
0x80: {  	v1 =	vadd.f32 v1, v3  }
0x81: {  	s19 =	sadd.s32 $0x10800, s21  }
0x82: {  	s21 =	sadd.s32 $0x10, s21;
	[tilespmem:s19+$0x0] =	vst v1  }
0x83: {  	s22 =	sadd.s32 $0x10, s31;
	v2 =	vld [tilespmem:s21+$0x0]  }
0x84: {  	p0 =	por p1, p1;
	s23 =	simm.s32 $0x20;
	s20 =	simm.s32 $0x10;
	v1 =	vld [tilespmem:s22+$0x0]  }
.LBB2_5:
0x85: {  	p1 =	sne.s32 s23, $0xF0;
	_ =	sdelay $0x2  }
0x86: {  	v3 =	vshra.s32 v2, $0x1F  }
0x87: {  	v3 =	vshrl.u32 v3, $0x1E;
	v4 =	vshra.s32 v1, $0x1F  }
0x88: {  	v3 =	vadd.s32 v3, v2;
	v4 =	vshrl.u32 v4, $0x1E  }
0x89: {  	v3 =	vshrl.u32 v3, $0x2;
	v4 =	vadd.s32 v4, v1  }
0x8a: {  	v3 =	vshll.u32 v3, $0x2;
	v4 =	vshrl.u32 v4, $0x2  }
0x8b: {  	v5 =	vmov s20;
	s20 =	smov.u32 s23;
	v2 =	vsub.s32 v2, v3;
	v3 =	vshll.u32 v4, $0x2  }
0x8c: {  	v4 =	vshll.u32 v5, $0x7;
	v2 =	vshll.u32 v2, $0x5;
	v1 =	vsub.s32 v1, v3  }
0x8d: {  	v4 =	vor.u32 v0, v4;
	v3 =	vshll.u32 v1, $0x5;
	v1 =	vand.u32 $0xFFFFFF80, v2  }
0x8e: {  	v2 =	vand.u32 $0x60, v2;
	v1 =	vadd.s32 v4, v1;
	v5 =	vand.u32 $0xFFFFFF80, v3  }
0x8f: {  	v1 =	vor.u32 v2, v1;
	v2 =	vand.u32 $0x60, v3;
	v3 =	vadd.s32 v4, v5  }
0x90: {  	v2 =	vor.u32 v2, v3  }
0x91: {  	v3 =	vor.u32 $0x1, v1  }
0x92: {  	v4 =	vor.u32 $0x1, v2  }
0x93: {  	v5 =	vor.u32 $0x2, v1  }
0x94: {  	v7 =	vor.u32 $0x2, v2;
	v6 =	vld.idx.msk [tilespmem:v1+s12+$0x0], $0xffff  }
0x95: {  	v9 =	vor.u32 $0x3, v1;
	v8 =	vld.idx.msk [tilespmem:v2+s13+$0x0], $0xffff  }
0x96: {  	v10 =	vor.u32 $0x3, v2;
	v3 =	vld.idx.msk [tilespmem:v3+s12+$0x0], $0xffff  }
0x97: {  	v11 =	vor.u32 $0x4, v1;
	v4 =	vld.idx.msk [tilespmem:v4+s13+$0x0], $0xffff  }
0x98: {  	v12 =	vor.u32 $0x4, v2;
	v5 =	vld.idx.msk [tilespmem:v5+s12+$0x0], $0xffff  }
0x99: {  	v13 =	vor.u32 $0x5, v1;
	v7 =	vld.idx.msk [tilespmem:v7+s13+$0x0], $0xffff  }
0x9a: {  	v14 =	vor.u32 $0x5, v2;
	v9 =	vld.idx.msk [tilespmem:v9+s12+$0x0], $0xffff  }
0x9b: {  	v6 =	vmul.f32 v8, v6;
	v8 =	vld.idx.msk [tilespmem:v10+s13+$0x0], $0xffff;
	v10 =	vor.u32 $0x6, v1  }
0x9c: {  	v15 =	vor.u32 $0x6, v2;
	v11 =	vld.idx.msk [tilespmem:v11+s12+$0x0], $0xffff  }
0x9d: {  	v6 =	vadd.f32 $0.0e+00, v6;
	v3 =	vmul.f32 v4, v3;
	v4 =	vld.idx.msk [tilespmem:v12+s13+$0x0], $0xffff;
	v12 =	vor.u32 $0x7, v1  }
0x9e: {  	v16 =	vor.u32 $0x7, v2;
	v13 =	vld.idx.msk [tilespmem:v13+s12+$0x0], $0xffff  }
0x9f: {  	v3 =	vadd.f32 v3, v6;
	v5 =	vmul.f32 v7, v5;
	v7 =	vor.u32 $0x8, v1;
	v6 =	vld.idx.msk [tilespmem:v14+s13+$0x0], $0xffff  }
0xa0: {  	v14 =	vor.u32 $0x8, v2;
	v10 =	vld.idx.msk [tilespmem:v10+s12+$0x0], $0xffff  }
0xa1: {  	v3 =	vadd.f32 v5, v3;
	v5 =	vmul.f32 v8, v9;
	v9 =	vor.u32 $0x9, v1;
	v8 =	vld.idx.msk [tilespmem:v15+s13+$0x0], $0xffff  }
0xa2: {  	v15 =	vor.u32 $0x9, v2;
	v12 =	vld.idx.msk [tilespmem:v12+s12+$0x0], $0xffff  }
0xa3: {  	v3 =	vadd.f32 v5, v3;
	v4 =	vmul.f32 v4, v11;
	v11 =	vor.u32 $0xA, v1;
	v5 =	vld.idx.msk [tilespmem:v16+s13+$0x0], $0xffff  }
0xa4: {  	v16 =	vor.u32 $0xA, v2;
	v7 =	vld.idx.msk [tilespmem:v7+s12+$0x0], $0xffff  }
0xa5: {  	v3 =	vadd.f32 v4, v3;
	v4 =	vmul.f32 v6, v13;
	v13 =	vor.u32 $0xB, v1;
	v6 =	vld.idx.msk [tilespmem:v14+s13+$0x0], $0xffff  }
0xa6: {  	v14 =	vor.u32 $0xB, v2;
	v9 =	vld.idx.msk [tilespmem:v9+s12+$0x0], $0xffff  }
0xa7: {  	v3 =	vadd.f32 v4, v3;
	v4 =	vmul.f32 v8, v10;
	v10 =	vor.u32 $0xC, v1;
	v8 =	vld.idx.msk [tilespmem:v15+s13+$0x0], $0xffff  }
0xa8: {  	v15 =	vor.u32 $0xC, v2;
	v11 =	vld.idx.msk [tilespmem:v11+s12+$0x0], $0xffff  }
0xa9: {  	v3 =	vadd.f32 v4, v3;
	v4 =	vmul.f32 v5, v12;
	v12 =	vor.u32 $0xD, v1;
	v5 =	vld.idx.msk [tilespmem:v16+s13+$0x0], $0xffff  }
0xaa: {  	v16 =	vor.u32 $0xD, v2;
	v13 =	vld.idx.msk [tilespmem:v13+s12+$0x0], $0xffff  }
0xab: {  	v3 =	vadd.f32 v4, v3;
	v4 =	vmul.f32 v6, v7;
	v7 =	vor.u32 $0xE, v1;
	v6 =	vld.idx.msk [tilespmem:v14+s13+$0x0], $0xffff  }
0xac: {  	v14 =	vor.u32 $0xE, v2;
	v10 =	vld.idx.msk [tilespmem:v10+s12+$0x0], $0xffff  }
0xad: {  	v3 =	vadd.f32 v4, v3;
	v4 =	vmul.f32 v8, v9;
	v9 =	vor.u32 $0xF, v1;
	v8 =	vld.idx.msk [tilespmem:v15+s13+$0x0], $0xffff  }
0xae: {  	v15 =	vor.u32 $0xF, v2;
	v12 =	vld.idx.msk [tilespmem:v12+s12+$0x0], $0xffff  }
0xaf: {  	v3 =	vadd.f32 v4, v3;
	v4 =	vmul.f32 v5, v11;
	v11 =	vor.u32 $0x10, v1;
	v5 =	vld.idx.msk [tilespmem:v16+s13+$0x0], $0xffff  }
0xb0: {  	v16 =	vor.u32 $0x10, v2;
	v7 =	vld.idx.msk [tilespmem:v7+s12+$0x0], $0xffff  }
0xb1: {  	v3 =	vadd.f32 v4, v3;
	v4 =	vmul.f32 v6, v13;
	v13 =	vor.u32 $0x11, v1;
	v6 =	vld.idx.msk [tilespmem:v14+s13+$0x0], $0xffff  }
0xb2: {  	v14 =	vor.u32 $0x11, v2;
	v9 =	vld.idx.msk [tilespmem:v9+s12+$0x0], $0xffff  }
0xb3: {  	v3 =	vadd.f32 v4, v3;
	v4 =	vmul.f32 v8, v10;
	v10 =	vor.u32 $0x12, v1;
	v8 =	vld.idx.msk [tilespmem:v15+s13+$0x0], $0xffff  }
0xb4: {  	v15 =	vor.u32 $0x12, v2;
	v11 =	vld.idx.msk [tilespmem:v11+s12+$0x0], $0xffff  }
0xb5: {  	v3 =	vadd.f32 v4, v3;
	v4 =	vmul.f32 v5, v12;
	v12 =	vor.u32 $0x13, v1;
	v5 =	vld.idx.msk [tilespmem:v16+s13+$0x0], $0xffff  }
0xb6: {  	v16 =	vor.u32 $0x13, v2;
	v13 =	vld.idx.msk [tilespmem:v13+s12+$0x0], $0xffff  }
0xb7: {  	v3 =	vadd.f32 v4, v3;
	v4 =	vmul.f32 v6, v7;
	v7 =	vor.u32 $0x14, v1;
	v6 =	vld.idx.msk [tilespmem:v14+s13+$0x0], $0xffff  }
0xb8: {  	v14 =	vor.u32 $0x14, v2;
	v10 =	vld.idx.msk [tilespmem:v10+s12+$0x0], $0xffff  }
0xb9: {  	v3 =	vadd.f32 v4, v3;
	v4 =	vmul.f32 v8, v9;
	v9 =	vor.u32 $0x15, v1;
	v8 =	vld.idx.msk [tilespmem:v15+s13+$0x0], $0xffff  }
0xba: {  	v15 =	vor.u32 $0x15, v2;
	v12 =	vld.idx.msk [tilespmem:v12+s12+$0x0], $0xffff  }
0xbb: {  	v3 =	vadd.f32 v4, v3;
	v4 =	vmul.f32 v5, v11;
	v11 =	vor.u32 $0x16, v1;
	v5 =	vld.idx.msk [tilespmem:v16+s13+$0x0], $0xffff  }
0xbc: {  	v16 =	vor.u32 $0x16, v2;
	v7 =	vld.idx.msk [tilespmem:v7+s12+$0x0], $0xffff  }
0xbd: {  	v3 =	vadd.f32 v4, v3;
	v4 =	vmul.f32 v6, v13;
	v13 =	vor.u32 $0x17, v1;
	v6 =	vld.idx.msk [tilespmem:v14+s13+$0x0], $0xffff  }
0xbe: {  	v14 =	vor.u32 $0x17, v2;
	v9 =	vld.idx.msk [tilespmem:v9+s12+$0x0], $0xffff  }
0xbf: {  	v3 =	vadd.f32 v4, v3;
	v4 =	vmul.f32 v8, v10;
	v10 =	vor.u32 $0x18, v1;
	v8 =	vld.idx.msk [tilespmem:v15+s13+$0x0], $0xffff  }
0xc0: {  	v15 =	vor.u32 $0x18, v2;
	v11 =	vld.idx.msk [tilespmem:v11+s12+$0x0], $0xffff  }
0xc1: {  	v3 =	vadd.f32 v4, v3;
	v4 =	vmul.f32 v5, v12;
	v12 =	vor.u32 $0x19, v1;
	v5 =	vld.idx.msk [tilespmem:v16+s13+$0x0], $0xffff  }
0xc2: {  	v16 =	vor.u32 $0x19, v2;
	v13 =	vld.idx.msk [tilespmem:v13+s12+$0x0], $0xffff  }
0xc3: {  	v3 =	vadd.f32 v4, v3;
	v4 =	vmul.f32 v6, v7;
	v7 =	vor.u32 $0x1A, v1;
	v6 =	vld.idx.msk [tilespmem:v14+s13+$0x0], $0xffff  }
0xc4: {  	v14 =	vor.u32 $0x1A, v2;
	v10 =	vld.idx.msk [tilespmem:v10+s12+$0x0], $0xffff  }
0xc5: {  	v3 =	vadd.f32 v4, v3;
	v4 =	vmul.f32 v8, v9;
	v9 =	vor.u32 $0x1B, v1;
	v8 =	vld.idx.msk [tilespmem:v15+s13+$0x0], $0xffff  }
0xc6: {  	v15 =	vor.u32 $0x1B, v2;
	v12 =	vld.idx.msk [tilespmem:v12+s12+$0x0], $0xffff  }
0xc7: {  	v3 =	vadd.f32 v4, v3;
	v4 =	vmul.f32 v5, v11;
	v11 =	vor.u32 $0x1C, v1;
	v5 =	vld.idx.msk [tilespmem:v16+s13+$0x0], $0xffff  }
0xc8: {  	v16 =	vor.u32 $0x1C, v2;
	v7 =	vld.idx.msk [tilespmem:v7+s12+$0x0], $0xffff  }
0xc9: {  	v3 =	vadd.f32 v4, v3;
	v4 =	vmul.f32 v6, v13;
	v13 =	vor.u32 $0x1D, v1;
	v6 =	vld.idx.msk [tilespmem:v14+s13+$0x0], $0xffff  }
0xca: {  	v14 =	vor.u32 $0x1D, v2;
	v9 =	vld.idx.msk [tilespmem:v9+s12+$0x0], $0xffff  }
0xcb: {  	v3 =	vadd.f32 v4, v3;
	v4 =	vmul.f32 v8, v10;
	v10 =	vor.u32 $0x1E, v1;
	v8 =	vld.idx.msk [tilespmem:v15+s13+$0x0], $0xffff  }
0xcc: {  	v15 =	vor.u32 $0x1E, v2;
	v11 =	vld.idx.msk [tilespmem:v11+s12+$0x0], $0xffff  }
0xcd: {  	v1 =	vor.u32 $0x1F, v1;
	v3 =	vadd.f32 v4, v3;
	v4 =	vmul.f32 v5, v12;
	v5 =	vld.idx.msk [tilespmem:v16+s13+$0x0], $0xffff  }
0xce: {  	v2 =	vor.u32 $0x1F, v2;
	v12 =	vld.idx.msk [tilespmem:v13+s12+$0x0], $0xffff  }
0xcf: {  	v3 =	vadd.f32 v4, v3;
	v4 =	vmul.f32 v6, v7;
	v6 =	vld.idx.msk [tilespmem:v14+s13+$0x0], $0xffff  }
0xd0: {  	v7 =	vld.idx.msk [tilespmem:v10+s12+$0x0], $0xffff  }
0xd1: {  	v3 =	vadd.f32 v4, v3;
	v4 =	vmul.f32 v8, v9;
	v8 =	vld.idx.msk [tilespmem:v15+s13+$0x0], $0xffff  }
0xd2: {  	v1 =	vld.idx.msk [tilespmem:v1+s12+$0x0], $0xffff  }
0xd3: {  	v3 =	vadd.f32 v4, v3;
	v4 =	vmul.f32 v5, v11;
	v2 =	vld.idx.msk [tilespmem:v2+s13+$0x0], $0xffff;
	_ =	sdelay $0x1  }
0xd4: {  	v3 =	vadd.f32 v4, v3;
	v4 =	vmul.f32 v6, v12;
	_ =	sdelay $0x1  }
0xd5: {  	v3 =	vadd.f32 v4, v3;
	v4 =	vmul.f32 v8, v7;
	_ =	sdelay $0x1  }
0xd6: {  	v3 =	vadd.f32 v4, v3;
	v1 =	vmul.f32 v2, v1;
	_ =	sdelay $0x1  }
.Ltmp1:
0xd7: {  	v1 =	vadd.f32 v1, v3;
	(pc) =	sbr.rel @p1 .LBB2_5-.Ltmp1, $4  }
0xd8: {  	s19 =	sadd.s32 $0x10, s19  }
0xd9: {  	s21 =	sadd.s32 $0x10, s21;
	[tilespmem:s19+$0x0] =	vst v1  }
0xda: {  	s22 =	sadd.s32 $0x10, s22;
	v2 =	vld [tilespmem:s21+$0x0]  }
0xdb: {  	s23 =	sadd.s32 $0x10, s23;
	v1 =	vld [tilespmem:s22+$0x0]  }
0xdc: {  	_ =	sdelay $0x2  }
0xdd: {  	v3 =	vshra.s32 v2, $0x1F  }
0xde: {  	v3 =	vshrl.u32 v3, $0x1E;
	v4 =	vshra.s32 v1, $0x1F  }
0xdf: {  	v3 =	vadd.s32 v3, v2;
	v4 =	vshrl.u32 v4, $0x1E  }
0xe0: {  	v3 =	vshrl.u32 v3, $0x2;
	v4 =	vadd.s32 v4, v1  }
0xe1: {  	v3 =	vshll.u32 v3, $0x2;
	v4 =	vshrl.u32 v4, $0x2  }
0xe2: {  	v5 =	vmov s20;
	v2 =	vsub.s32 v2, v3;
	v3 =	vshll.u32 v4, $0x2  }
0xe3: {  	v44 =	vshll.u32 v5, $0x7;
	v2 =	vshll.u32 v2, $0x5;
	v1 =	vsub.s32 v1, v3  }
0xe4: {  	v4 =	vor.u32 v0, v44;
	v3 =	vshll.u32 v1, $0x5;
	v1 =	vand.u32 $0xFFFFFF80, v2  }
0xe5: {  	v2 =	vand.u32 $0x60, v2;
	v1 =	vadd.s32 v4, v1;
	v45 =	vand.u32 $0xFFFFFF80, v3  }
0xe6: {  	v1 =	vor.u32 v2, v1;
	v2 =	vand.u32 $0x60, v3;
	v3 =	vadd.s32 v4, v45  }
0xe7: {  	v2 =	vor.u32 v2, v3  }
0xe8: {  	v3 =	vor.u32 $0x1, v1  }
0xe9: {  	v46 =	vor.u32 $0x1, v2  }
0xea: {  	v47 =	vor.u32 $0x2, v1  }
0xeb: {  	v7 =	vor.u32 $0x2, v2;
	v6 =	vld.idx.msk [tilespmem:v1+s12+$0x0], $0xffff  }
0xec: {  	v9 =	vor.u32 $0x3, v1;
	v8 =	vld.idx.msk [tilespmem:v2+s13+$0x0], $0xffff  }
0xed: {  	v10 =	vor.u32 $0x3, v2;
	v3 =	vld.idx.msk [tilespmem:v3+s12+$0x0], $0xffff  }
0xee: {  	v11 =	vor.u32 $0x4, v1;
	v4 =	vld.idx.msk [tilespmem:v46+s13+$0x0], $0xffff  }
0xef: {  	v12 =	vor.u32 $0x4, v2;
	v5 =	vld.idx.msk [tilespmem:v47+s12+$0x0], $0xffff  }
0xf0: {  	v13 =	vor.u32 $0x5, v1;
	v7 =	vld.idx.msk [tilespmem:v7+s13+$0x0], $0xffff  }
0xf1: {  	v14 =	vor.u32 $0x5, v2;
	v9 =	vld.idx.msk [tilespmem:v9+s12+$0x0], $0xffff;
	v6 =	vmul.f32 v8, v6  }
0xf2: {  	v49 =	vor.u32 $0x6, v1;
	v48 =	vld.idx.msk [tilespmem:v10+s13+$0x0], $0xffff  }
0xf3: {  	v15 =	vor.u32 $0x6, v2;
	v11 =	vld.idx.msk [tilespmem:v11+s12+$0x0], $0xffff;
	v3 =	vmul.f32 v4, v3;
	v6 =	vadd.f32 $0.0e+00, v6  }
0xf4: {  	v51 =	vor.u32 $0x7, v1;
	v50 =	vld.idx.msk [tilespmem:v12+s13+$0x0], $0xffff  }
0xf5: {  	v16 =	vor.u32 $0x7, v2;
	v13 =	vld.idx.msk [tilespmem:v13+s12+$0x0], $0xffff;
	v5 =	vmul.f32 v7, v5;
	v3 =	vadd.f32 v3, v6  }
0xf6: {  	v54 =	vor.u32 $0x8, v2;
	v52 =	vld.idx.msk [tilespmem:v14+s13+$0x0], $0xffff  }
0xf7: {  	v53 =	vor.u32 $0x8, v1;
	v10 =	vld.idx.msk [tilespmem:v49+s12+$0x0], $0xffff;
	v55 =	vmul.f32 v48, v9;
	v3 =	vadd.f32 v5, v3  }
0xf8: {  	v58 =	vor.u32 $0x9, v2;
	v56 =	vld.idx.msk [tilespmem:v15+s13+$0x0], $0xffff  }
0xf9: {  	v57 =	vor.u32 $0x9, v1;
	v12 =	vld.idx.msk [tilespmem:v51+s12+$0x0], $0xffff;
	v4 =	vmul.f32 v50, v11;
	v3 =	vadd.f32 v55, v3  }
0xfa: {  	v61 =	vor.u32 $0xA, v2;
	v59 =	vld.idx.msk [tilespmem:v16+s13+$0x0], $0xffff  }
0xfb: {  	v60 =	vor.u32 $0xA, v1;
	v63 =	vld.idx.msk [tilespmem:v54+s13+$0x0], $0xffff;
	v62 =	vmul.f32 v52, v13;
	v3 =	vadd.f32 v4, v3  }
0xfc: {  	v20 =	vor.u32 $0xB, v2;
	v7 =	vld.idx.msk [tilespmem:v53+s12+$0x0], $0xffff  }
0xfd: {  	v19 =	vor.u32 $0xB, v1;
	v22 =	vld.idx.msk [tilespmem:v58+s13+$0x0], $0xffff;
	v21 =	vmul.f32 v56, v10;
	v3 =	vadd.f32 v62, v3  }
0xfe: {  	v24 =	vor.u32 $0xC, v2;
	v9 =	vld.idx.msk [tilespmem:v57+s12+$0x0], $0xffff  }
0xff: {  	v23 =	vor.u32 $0xC, v1;
	v26 =	vld.idx.msk [tilespmem:v61+s13+$0x0], $0xffff;
	v25 =	vmul.f32 v59, v12;
	v3 =	vadd.f32 v21, v3  }
0x100: {  	v28 =	vor.u32 $0xD, v2;
	v11 =	vld.idx.msk [tilespmem:v60+s12+$0x0], $0xffff  }
0x101: {  	v27 =	vor.u32 $0xD, v1;
	v30 =	vld.idx.msk [tilespmem:v20+s13+$0x0], $0xffff;
	v29 =	vmul.f32 v63, v7;
	v3 =	vadd.f32 v25, v3  }
0x102: {  	v32 =	vor.u32 $0xE, v2;
	v13 =	vld.idx.msk [tilespmem:v19+s12+$0x0], $0xffff  }
0x103: {  	v31 =	vor.u32 $0xE, v1;
	v34 =	vld.idx.msk [tilespmem:v24+s13+$0x0], $0xffff;
	v33 =	vmul.f32 v22, v9;
	v3 =	vadd.f32 v29, v3  }
0x104: {  	v36 =	vor.u32 $0xF, v2;
	v10 =	vld.idx.msk [tilespmem:v23+s12+$0x0], $0xffff  }
0x105: {  	v35 =	vor.u32 $0xF, v1;
	v38 =	vld.idx.msk [tilespmem:v28+s13+$0x0], $0xffff;
	v37 =	vmul.f32 v26, v11;
	v3 =	vadd.f32 v33, v3  }
0x106: {  	v40 =	vor.u32 $0x10, v2;
	v12 =	vld.idx.msk [tilespmem:v27+s12+$0x0], $0xffff  }
0x107: {  	v39 =	vor.u32 $0x10, v1;
	v42 =	vld.idx.msk [tilespmem:v32+s13+$0x0], $0xffff;
	v41 =	vmul.f32 v30, v13;
	v3 =	vadd.f32 v37, v3  }
0x108: {  	v44 =	vor.u32 $0x11, v2;
	v7 =	vld.idx.msk [tilespmem:v31+s12+$0x0], $0xffff  }
0x109: {  	v43 =	vor.u32 $0x11, v1;
	v46 =	vld.idx.msk [tilespmem:v36+s13+$0x0], $0xffff;
	v45 =	vmul.f32 v34, v10;
	v3 =	vadd.f32 v41, v3  }
0x10a: {  	v47 =	vor.u32 $0x12, v1;
	v9 =	vld.idx.msk [tilespmem:v35+s12+$0x0], $0xffff  }
0x10b: {  	v48 =	vor.u32 $0x12, v2;
	v50 =	vld.idx.msk [tilespmem:v40+s13+$0x0], $0xffff;
	v49 =	vmul.f32 v38, v12;
	v3 =	vadd.f32 v45, v3  }
0x10c: {  	v51 =	vor.u32 $0x13, v1;
	v11 =	vld.idx.msk [tilespmem:v39+s12+$0x0], $0xffff  }
0x10d: {  	v54 =	vld.idx.msk [tilespmem:v44+s13+$0x0], $0xffff;
	v52 =	vor.u32 $0x13, v2;
	v53 =	vmul.f32 v42, v7;
	v3 =	vadd.f32 v49, v3  }
0x10e: {  	v56 =	vor.u32 $0x14, v2;
	v13 =	vld.idx.msk [tilespmem:v43+s12+$0x0], $0xffff  }
0x10f: {  	v10 =	vld.idx.msk [tilespmem:v47+s12+$0x0], $0xffff;
	v55 =	vor.u32 $0x14, v1;
	v57 =	vmul.f32 v46, v9;
	v3 =	vadd.f32 v53, v3  }
0x110: {  	v60 =	vor.u32 $0x15, v2;
	v58 =	vld.idx.msk [tilespmem:v48+s13+$0x0], $0xffff  }
0x111: {  	v59 =	vor.u32 $0x15, v1;
	v12 =	vld.idx.msk [tilespmem:v51+s12+$0x0], $0xffff;
	v61 =	vmul.f32 v50, v11;
	v3 =	vadd.f32 v57, v3  }
0x112: {  	v20 =	vor.u32 $0x16, v2;
	v62 =	vld.idx.msk [tilespmem:v52+s13+$0x0], $0xffff  }
0x113: {  	v63 =	vor.u32 $0x16, v1;
	v22 =	vld.idx.msk [tilespmem:v56+s13+$0x0], $0xffff;
	v21 =	vmul.f32 v54, v13;
	v3 =	vadd.f32 v61, v3  }
0x114: {  	v24 =	vor.u32 $0x17, v2;
	v7 =	vld.idx.msk [tilespmem:v55+s12+$0x0], $0xffff  }
0x115: {  	v23 =	vor.u32 $0x17, v1;
	v26 =	vld.idx.msk [tilespmem:v60+s13+$0x0], $0xffff;
	v25 =	vmul.f32 v58, v10;
	v3 =	vadd.f32 v21, v3  }
0x116: {  	v28 =	vor.u32 $0x18, v2;
	v9 =	vld.idx.msk [tilespmem:v59+s12+$0x0], $0xffff  }
0x117: {  	v27 =	vor.u32 $0x18, v1;
	v30 =	vld.idx.msk [tilespmem:v20+s13+$0x0], $0xffff;
	v29 =	vmul.f32 v62, v12;
	v3 =	vadd.f32 v25, v3  }
0x118: {  	v32 =	vor.u32 $0x19, v2;
	v11 =	vld.idx.msk [tilespmem:v63+s12+$0x0], $0xffff  }
0x119: {  	v31 =	vor.u32 $0x19, v1;
	v34 =	vld.idx.msk [tilespmem:v24+s13+$0x0], $0xffff;
	v33 =	vmul.f32 v22, v7;
	v3 =	vadd.f32 v29, v3  }
0x11a: {  	v36 =	vor.u32 $0x1A, v2;
	v13 =	vld.idx.msk [tilespmem:v23+s12+$0x0], $0xffff  }
0x11b: {  	v35 =	vor.u32 $0x1A, v1;
	v38 =	vld.idx.msk [tilespmem:v28+s13+$0x0], $0xffff;
	v37 =	vmul.f32 v26, v9;
	v3 =	vadd.f32 v33, v3  }
0x11c: {  	v40 =	vor.u32 $0x1B, v2;
	v10 =	vld.idx.msk [tilespmem:v27+s12+$0x0], $0xffff  }
0x11d: {  	v39 =	vor.u32 $0x1B, v1;
	v42 =	vld.idx.msk [tilespmem:v32+s13+$0x0], $0xffff;
	v41 =	vmul.f32 v30, v11;
	v3 =	vadd.f32 v37, v3  }
0x11e: {  	v44 =	vor.u32 $0x1C, v2;
	v12 =	vld.idx.msk [tilespmem:v31+s12+$0x0], $0xffff  }
0x11f: {  	v43 =	vor.u32 $0x1C, v1;
	v46 =	vld.idx.msk [tilespmem:v36+s13+$0x0], $0xffff;
	v45 =	vmul.f32 v34, v13;
	v3 =	vadd.f32 v41, v3  }
0x120: {  	v47 =	vor.u32 $0x1D, v1;
	v7 =	vld.idx.msk [tilespmem:v35+s12+$0x0], $0xffff  }
0x121: {  	v48 =	vor.u32 $0x1D, v2;
	v50 =	vld.idx.msk [tilespmem:v40+s13+$0x0], $0xffff;
	v49 =	vmul.f32 v38, v10;
	v3 =	vadd.f32 v45, v3  }
0x122: {  	v51 =	vor.u32 $0x1E, v1;
	v9 =	vld.idx.msk [tilespmem:v39+s12+$0x0], $0xffff  }
0x123: {  	v52 =	vor.u32 $0x1E, v2;
	v54 =	vld.idx.msk [tilespmem:v44+s13+$0x0], $0xffff;
	v53 =	vmul.f32 v42, v12;
	v3 =	vadd.f32 v49, v3  }
0x124: {  	v1 =	vor.u32 $0x1F, v1;
	v11 =	vld.idx.msk [tilespmem:v43+s12+$0x0], $0xffff  }
0x125: {  	v2 =	vor.u32 $0x1F, v2;
	v55 =	vld.idx.msk [tilespmem:v47+s12+$0x0], $0xffff;
	v56 =	vmul.f32 v46, v7;
	v3 =	vadd.f32 v53, v3  }
0x126: {  	v57 =	vld.idx.msk [tilespmem:v48+s13+$0x0], $0xffff  }
0x127: {  	v58 =	vld.idx.msk [tilespmem:v51+s12+$0x0], $0xffff;
	v59 =	vmul.f32 v50, v9;
	v3 =	vadd.f32 v56, v3  }
0x128: {  	v60 =	vld.idx.msk [tilespmem:v52+s13+$0x0], $0xffff  }
0x129: {  	v1 =	vld.idx.msk [tilespmem:v1+s12+$0x0], $0xffff;
	v61 =	vmul.f32 v54, v11;
	v3 =	vadd.f32 v59, v3  }
0x12a: {  	v2 =	vld.idx.msk [tilespmem:v2+s13+$0x0], $0xffff  }
0x12b: {  	v62 =	vmul.f32 v57, v55;
	v3 =	vadd.f32 v61, v3;
	_ =	sdelay $0x1  }
0x12c: {  	v63 =	vmul.f32 v60, v58;
	v3 =	vadd.f32 v62, v3;
	_ =	sdelay $0x1  }
.Ltmp2:
0x12d: {  	v1 =	vmul.f32 v2, v1;
	v3 =	vadd.f32 v63, v3;
	(pc) =	sbr.rel @p0 .LBB2_4-.Ltmp2, $4  }
0x12e: {  	_ = 	snop  }
0x12f: {  	v1 =	vadd.f32 v1, v3  }
0x130: {  	s19 =	sadd.s32 $0x10, s19  }
0x131: {  	p1 =	por $0x0, $0x0;
	[tilespmem:s19+$0x0] =	vst v1;
	s19 =	simm.s32 $0x100  }
0x132: {  	s17 =	sadd.s32 $0x1, s17  }
0x133: {  	p0 =	sne.s32 s17, s8  }
.Ltmp3:
0x134: {  	_ = 	snop;
	(pc) =	sbr.rel @p0 .LBB2_1-.Ltmp3, $4  }
0x135: {  	[hbm4b:s7+s2] =	stream.linear.scatter [tilespmem:s16], [sflag:$0x3], $0x200, $0x38;
	[tilespmem:$0x10A00] =	vst v63  }
0x136: {  	_ =	swait.ge [sflag:s9], $0x200  }
0x137: {  	[sflag:s9] =	ssyncset.done $0x0  }
0x138: {  	[sflag:s9] =	ssyncadd.s32 $0xFFFFFE00  }
0x139: {  	_ =	sfence.sel $0x180000  }
0x13a: {  	[bflag:$0x0] =	sbarrier.arrive $0xFFFF  }
0x13b: {  	p0 =	sne.s32 s1, $0x0;
	_ =	strace $0x9000004A  }
0x13c: {  	s0 =	sadd.s32 @!p0 $0x100000, s0;
	[bflag:$0x2] =	sbarrier.arrive $0xFFFF  }
0x13d: {  	[sflag:s0] =	ssyncadd.tile.s32 @!p0 $0x1;
	_ =	shalt  }
.Lfunc_end2:
_tile_overlayer_lowered:
.L_overlay_start_2:
0x13e: {  	(tag) =	ssettag $0x2  }
0x13f: {  	s0 =	rddreg [dreg:$0x0];
	s2 =	stileid.u32  }
0x140: {  	s1 =	rddreg [dreg:$0x1];
	p0 =	sne.s32 s2, $0x0  }
0x141: {  	s3 =	rddreg [dreg:$0x2];
	[bflag:$0x3] =	sbarrier.arrive $0xFFFF;
	s2 =	simm.s32 @!p0 $0x1C03  }
0x142: {  	[timem:s3], [sflag:s2] =	dma.local @!p0 [hbm:s0], s1  }
0x143: {  	s0 =	simm.s32 @!p0 $0x3  }
0x144: {  	_ =	swait.ge @!p0 [sflag:s0], s1  }
0x145: {  	s1 =	ssub.s32 @!p0 $0x0, s1;
	[sflag:s0] =	ssyncset.done @!p0 $0x0  }
0x146: {  	[sflag:s0] =	ssyncadd.s32 @!p0 s1  }
0x147: {  	[bflag:$0x3] =	sbarrier.arrive $0xFFFF  }
0x148: {  	_ =	shalt  }

</sc_bundles>
